<compile_context>
chip_gen: v7x
topology: tpu7x:2x2x1
jax: 0.10.2.dev20260603
libtpu: 0.0.44.dev20260713+nightly
codegen_flags: <defaults>
</compile_context>

<pallas_src>
import functools
import math

import jax
import jax.numpy as jnp
from jax import lax
from jax.experimental import pallas as pl
from jax.experimental.pallas import tpu as pltpu
from jax.experimental.pallas import tpu_sc as plsc

S, D = 2048, 672
H, KVH, HD = 12, 4, 56
E, DFF, TOPK = 8, 2048, 2
EPS = 1e-05
HALF = HD // 2
GRP = H // KVH

SBLK = 256
NSB = S // SBLK
KBLK = 256
BLK_M = 256
NBUF = TOPK * S + E * BLK_M
NB = NBUF // BLK_M
DCH = 512
NDC = DFF // DCH
NW = 32
DP = 768


def _rmsn(x, scale):
    return x * lax.rsqrt(jnp.mean(x * x, axis=-1, keepdims=True) + EPS) * scale


def _swap_halves(t):
    n, w = t.shape
    z = jnp.zeros((n, HALF), t.dtype)
    lo = jnp.concatenate([t[:, HALF:], z], axis=1)
    hi = jnp.concatenate([z, t[:, :w - HALF]], axis=1)
    lane = lax.broadcasted_iota(jnp.int32, t.shape, 1)
    return jnp.where(lane % HD < HALF, lo, hi)


def _head_rms(q, gmat, gmat_t, scale_f):
    gs = jnp.dot(q * q, gmat, preferred_element_type=jnp.float32)
    scl = lax.rsqrt(gs * (1.0 / HD) + EPS)
    return q * jnp.dot(scl, gmat_t, preferred_element_type=jnp.float32) * scale_f



def _qkv_body(x_ref, s1_ref, wq_ref, wk_ref, wv_ref, qs_ref, ks_ref,
              gq_ref, gqt_ref, gk_ref, gkt_ref, c2_ref, s2r_ref,
              qo_ref, ko_ref, vo_ref):
    h = _rmsn(x_ref[...], s1_ref[...])
    cfq = jnp.tile(c2_ref[...], (1, H))
    sfq = jnp.tile(s2r_ref[...], (1, H))
    cfk = jnp.tile(c2_ref[...], (1, KVH))
    sfk = jnp.tile(s2r_ref[...], (1, KVH))
    q = jnp.dot(h, wq_ref[...], preferred_element_type=jnp.float32)
    q = _head_rms(q, gq_ref[...], gqt_ref[...], qs_ref[...])
    qr = (q * cfq + _swap_halves(q) * sfq).astype(jnp.bfloat16)
    for hh in range(H):
        qo_ref[hh] = qr[:, HD * hh:HD * (hh + 1)]
    k = jnp.dot(h, wk_ref[...], preferred_element_type=jnp.float32)
    k = _head_rms(k, gk_ref[...], gkt_ref[...], ks_ref[...])
    kr = (k * cfk + _swap_halves(k) * sfk).astype(jnp.bfloat16)
    v = jnp.dot(h, wv_ref[...], preferred_element_type=jnp.float32)
    vb = v.astype(jnp.bfloat16)
    for hh in range(KVH):
        ko_ref[hh] = kr[:, HD * hh:HD * (hh + 1)]
        vo_ref[hh] = vb[:, HD * hh:HD * (hh + 1)]


def _qkv_proj(x2, s1, wq, wk, wv, qsf, ksf, gq, gk, cos2, sin2):
    kvd = KVH * HD
    c0 = lambda i: (0, 0)
    return pl.pallas_call(
        _qkv_body,
        grid=(NSB,),
        in_specs=[
            pl.BlockSpec((SBLK, D), lambda i: (i, 0)),
            pl.BlockSpec((1, D), c0),
            pl.BlockSpec((D, H * HD), c0),
            pl.BlockSpec((D, kvd), c0),
            pl.BlockSpec((D, kvd), c0),
            pl.BlockSpec((1, H * HD), c0),
            pl.BlockSpec((1, kvd), c0),
            pl.BlockSpec((H * HD, H), c0),
            pl.BlockSpec((H, H * HD), c0),
            pl.BlockSpec((kvd, KVH), c0),
            pl.BlockSpec((KVH, kvd), c0),
            pl.BlockSpec((SBLK, HD), lambda i: (i, 0)),
            pl.BlockSpec((SBLK, HD), lambda i: (i, 0)),
        ],
        out_specs=[
            pl.BlockSpec((H, SBLK, HD), lambda i: (0, i, 0)),
            pl.BlockSpec((KVH, SBLK, HD), lambda i: (0, i, 0)),
            pl.BlockSpec((KVH, SBLK, HD), lambda i: (0, i, 0)),
        ],
        out_shape=[
            jax.ShapeDtypeStruct((H, S, HD), jnp.bfloat16),
            jax.ShapeDtypeStruct((KVH, S, HD), jnp.bfloat16),
            jax.ShapeDtypeStruct((KVH, S, HD), jnp.bfloat16),
        ],
    )(x2, s1, wq, wk, wv, qsf, ksf, gq, gq.T, gk, gk.T, cos2, sin2)



QBLK = 512
KBLK = 512
NQB = S // QBLK


def _attn_body(q_ref, k_ref, v_ref, o_ref):
    i = pl.program_id(1)
    q = (q_ref[0].astype(jnp.float32) * (1.0 / math.sqrt(HD))).astype(
        jnp.bfloat16)

    def full_step(kb, carry):
        m, l, acc = carry
        kblk = k_ref[0, pl.ds(kb * KBLK, KBLK), :]
        vblk = v_ref[0, pl.ds(kb * KBLK, KBLK), :]
        s = lax.dot_general(q, kblk, (((1,), (1,)), ((), ())),
                            preferred_element_type=jnp.float32)
        mn = jnp.maximum(m, jnp.max(s, axis=-1, keepdims=True))
        p = jnp.exp(s - mn)
        corr = jnp.exp(m - mn)
        l = l * corr + jnp.sum(p, axis=-1, keepdims=True)
        acc = acc * corr + jnp.dot(p.astype(jnp.bfloat16), vblk,
                                   preferred_element_type=jnp.float32)
        return mn, l, acc

    m0 = jnp.full((QBLK, 1), -1e30, jnp.float32)
    l0 = jnp.zeros((QBLK, 1), jnp.float32)
    a0 = jnp.zeros((QBLK, HD), jnp.float32)
    m, l, acc = lax.fori_loop(0, i, full_step, (m0, l0, a0))

    kblk = k_ref[0, pl.ds(i * KBLK, KBLK), :]
    vblk = v_ref[0, pl.ds(i * KBLK, KBLK), :]
    s = lax.dot_general(q, kblk, (((1,), (1,)), ((), ())),
                        preferred_element_type=jnp.float32)
    tri = (lax.broadcasted_iota(jnp.int32, (QBLK, KBLK), 0)
           >= lax.broadcasted_iota(jnp.int32, (QBLK, KBLK), 1))
    s = jnp.where(tri, s, -1e30)
    mn = jnp.maximum(m, jnp.max(s, axis=-1, keepdims=True))
    p = jnp.exp(s - mn)
    corr = jnp.exp(m - mn)
    l = l * corr + jnp.sum(p, axis=-1, keepdims=True)
    acc = acc * corr + jnp.dot(p.astype(jnp.bfloat16), vblk,
                               preferred_element_type=jnp.float32)
    o_ref[0] = acc / l


def _attention(q3, k3, v3):
    return pl.pallas_call(
        _attn_body,
        grid=(H, NQB),
        in_specs=[
            pl.BlockSpec((1, QBLK, HD), lambda h, i: (h, i, 0)),
            pl.BlockSpec((1, S, HD), lambda h, i: (h // GRP, 0, 0)),
            pl.BlockSpec((1, S, HD), lambda h, i: (h // GRP, 0, 0)),
        ],
        out_specs=pl.BlockSpec((1, QBLK, HD), lambda h, i: (h, i, 0)),
        out_shape=jax.ShapeDtypeStruct((H, S, HD), jnp.float32),
    )(q3, k3, v3)



def _post_body(o_ref, wo_ref, x_ref, s2_ref, rw_ref, rb_ref,
               x1_ref, h2_ref, rt_ref):
    o_flat = jnp.concatenate([o_ref[hh] for hh in range(H)], axis=-1)
    x1 = x_ref[...] + jnp.dot(o_flat, wo_ref[...],
                              preferred_element_type=jnp.float32)
    x1_ref[...] = x1
    h2 = _rmsn(x1, s2_ref[...])
    h2_ref[...] = jnp.concatenate(
        [h2, jnp.zeros((SBLK, DP - D), jnp.float32)], axis=-1)
    logits = (jnp.dot(h2, rw_ref[...], preferred_element_type=jnp.float32)
              + rb_ref[...])
    eio = lax.broadcasted_iota(jnp.int32, (SBLK, E), 1)
    m1 = jnp.max(logits, axis=-1, keepdims=True)
    i1 = jnp.min(jnp.where(logits == m1, eio, E), axis=-1, keepdims=True)
    l2 = jnp.where(eio == i1, -jnp.inf, logits)
    m2 = jnp.max(l2, axis=-1, keepdims=True)
    i2 = jnp.min(jnp.where(l2 == m2, eio, E), axis=-1, keepdims=True)
    g0 = 1.0 / (1.0 + jnp.exp(m2 - m1))
    g1 = 1.0 - g0
    z = jnp.zeros((SBLK, E - 4), jnp.float32)
    rt_ref[...] = jnp.concatenate(
        [i1.astype(jnp.float32), i2.astype(jnp.float32), g0, g1, z],
        axis=-1)


def _post_attn(o3, wo, x2, s2, rw, rb):
    return pl.pallas_call(
        _post_body,
        grid=(NSB,),
        in_specs=[
            pl.BlockSpec((H, SBLK, HD), lambda i: (0, i, 0)),
            pl.BlockSpec((H * HD, D), lambda i: (0, 0)),
            pl.BlockSpec((SBLK, D), lambda i: (i, 0)),
            pl.BlockSpec((1, D), lambda i: (0, 0)),
            pl.BlockSpec((D, E), lambda i: (0, 0)),
            pl.BlockSpec((1, E), lambda i: (0, 0)),
        ],
        out_specs=[
            pl.BlockSpec((SBLK, D), lambda i: (i, 0)),
            pl.BlockSpec((SBLK, DP), lambda i: (i, 0)),
            pl.BlockSpec((SBLK, E), lambda i: (i, 0)),
        ],
        out_shape=[
            jax.ShapeDtypeStruct((S, D), jnp.float32),
            jax.ShapeDtypeStruct((S, DP), jnp.float32),
            jax.ShapeDtypeStruct((S, E), jnp.float32),
        ],
    )(o3, wo, x2, s2, rw, rb)



def _excl_cumsum_rows(x):
    acc = x
    sh = 1
    while sh < S:
        acc = acc + jnp.concatenate(
            [jnp.zeros((sh, E), x.dtype), acc[:S - sh, :]], axis=0)
        sh *= 2
    return acc - x


def _excl_cumsum_lanes(x):
    acc = x
    for sh in (1, 2, 4):
        acc = acc + jnp.concatenate(
            [jnp.zeros((1, sh), x.dtype), acc[:, :E - sh]], axis=1)
    return acc - x


def _route_body(rt_ref, pos_ref, binfo_ref):
    rt = rt_ref[...]
    e0 = rt[:, 0:1].astype(jnp.int32)
    e1 = rt[:, 1:2].astype(jnp.int32)
    eio = lax.broadcasted_iota(jnp.int32, (S, E), 1)
    oh0 = (e0 == eio).astype(jnp.float32)
    oh1 = (e1 == eio).astype(jnp.float32)
    c0 = _excl_cumsum_rows(oh0)
    c1 = _excl_cumsum_rows(oh1)
    tot0 = jnp.sum(oh0, axis=0, keepdims=True)
    sizes = tot0 + jnp.sum(oh1, axis=0, keepdims=True)
    padded = jnp.floor((sizes + (BLK_M - 1)) / BLK_M) * BLK_M
    poff = _excl_cumsum_lanes(padded)
    pos0 = jnp.sum(oh0 * (poff + c0), axis=-1, keepdims=True)
    pos1 = jnp.sum(oh1 * (poff + tot0 + c1), axis=-1, keepdims=True)
    zs = jnp.zeros((S, E - 2), jnp.float32)
    pos_ref[...] = jnp.concatenate([pos0, pos1, zs], axis=-1).astype(jnp.int32)

    bstart = poff / BLK_M
    pb = padded / BLK_M
    nused = jnp.sum(pb)
    eiof = lax.broadcasted_iota(jnp.int32, (1, E), 1).astype(jnp.float32)
    belast = jnp.max(jnp.where(pb > 0, eiof, 0.0))
    bio = lax.broadcasted_iota(jnp.int32, (1, 128), 1).astype(jnp.float32)
    bi = jnp.zeros((1, 128), jnp.float32)
    for e in range(E):
        m = (bio >= bstart[0, e]) & (bio < bstart[0, e] + pb[0, e])
        bi = jnp.where(m, float(e), bi)
    bi = jnp.where((bio >= nused) & (bio < float(NB)), belast, bi)
    bi = jnp.where(bio == 32.0, nused, bi)
    binfo_ref[...] = bi.astype(jnp.int32)


def _route_plan(rt):
    return pl.pallas_call(
        _route_body,
        out_shape=[
            jax.ShapeDtypeStruct((S, E), jnp.int32),
            jax.ShapeDtypeStruct((1, 128), jnp.int32),
        ],
    )(rt)



_APW = TOPK * S // NW


@functools.lru_cache(maxsize=None)
def _sc_mesh():
    return plsc.VectorSubcoreMesh(core_axis_name="c", subcore_axis_name="s")


@functools.lru_cache(maxsize=None)
def _build_sc_dispatch():
    @functools.partial(
        pl.kernel,
        mesh=_sc_mesh(),
        out_type=jax.ShapeDtypeStruct((NBUF, DP), jnp.float32),
        scratch_types=[
            pltpu.VMEM((_APW,), jnp.int32),
            pltpu.VMEM((_APW, DP), jnp.float32),
            pltpu.SemaphoreType.DMA,
        ],
    )
    def dispatch(pos_hbm, h2_hbm, xs_hbm, idx_v, rows_v, sem):
        wid = lax.axis_index("s") * 2 + lax.axis_index("c")
        base = wid * _APW
        tbase = lax.rem(base, S)
        pltpu.sync_copy(pos_hbm.at[pl.ds(base, _APW)], idx_v)
        pltpu.sync_copy(h2_hbm.at[pl.ds(tbase, _APW)], rows_v)
        pltpu.async_copy(rows_v, xs_hbm.at[idx_v], sem).wait()

    return dispatch


def _sc_dispatch(pos_flat, h2):
    return _build_sc_dispatch()(pos_flat, h2)



_TPW = S // NW
_CH = 32


@functools.lru_cache(maxsize=None)
def _build_sc_combine():
    @functools.partial(
        pl.kernel,
        mesh=_sc_mesh(),
        out_type=(
            jax.ShapeDtypeStruct((S, DP), jnp.float32),
            jax.ShapeDtypeStruct((S, DP), jnp.float32),
        ),
        scratch_types=[
            pltpu.VMEM((_CH,), jnp.int32),
            pltpu.VMEM((_CH,), jnp.int32),
            pltpu.VMEM((_CH, DP), jnp.float32),
            pltpu.VMEM((_CH, DP), jnp.float32),
            pltpu.SemaphoreType.DMA,
            pltpu.SemaphoreType.DMA,
        ],
    )
    def combine(p0_hbm, p1_hbm, eo_hbm, r0_hbm, r1_hbm,
                i0_v, i1_v, r0_v, r1_v, s0, s1):
        wid = lax.axis_index("s") * 2 + lax.axis_index("c")
        for c in range(_TPW // _CH):
            base = wid * _TPW + c * _CH
            pltpu.sync_copy(p0_hbm.at[pl.ds(base, _CH)], i0_v)
            pltpu.sync_copy(p1_hbm.at[pl.ds(base, _CH)], i1_v)
            a = pltpu.async_copy(eo_hbm.at[i0_v], r0_v, s0)
            b = pltpu.async_copy(eo_hbm.at[i1_v], r1_v, s1)
            a.wait()
            b.wait()
            pltpu.sync_copy(r0_v, r0_hbm.at[pl.ds(base, _CH)])
            pltpu.sync_copy(r1_v, r1_hbm.at[pl.ds(base, _CH)])

    return combine


def _sc_combine(pos0, pos1, eo):
    return _build_sc_combine()(pos0, pos1, eo)



def _ffn_body(b_ref, xs_ref, w1_ref, b1_ref, w2_ref, b2_ref, eo_ref):
    i = pl.program_id(0)
    nused = b_ref[32]

    @pl.when(i < nused)
    def _():
        hid = (jnp.dot(xs_ref[...][:, :D], w1_ref[...],
                       preferred_element_type=jnp.float32) + b1_ref[0])
        act = jnp.square(jnp.maximum(hid, 0.0))
        contrib = (jnp.dot(act, w2_ref[...], preferred_element_type=jnp.float32)
                   + b2_ref[0])
        zpad = jnp.zeros((BLK_M, DP - D), jnp.float32)
        eo_ref[...] = jnp.concatenate([contrib, zpad], axis=-1)


def _expert_ffn(binfo, xs, w1, b1, w2, b2):
    grid_spec = pltpu.PrefetchScalarGridSpec(
        num_scalar_prefetch=1,
        grid=(NB,),
        in_specs=[
            pl.BlockSpec((BLK_M, DP), lambda i, b: (i, 0)),
            pl.BlockSpec((D, DFF), lambda i, b: (b[i], 0)),
            pl.BlockSpec((1, 1, DFF), lambda i, b: (b[i], 0, 0)),
            pl.BlockSpec((DFF, D), lambda i, b: (b[i], 0)),
            pl.BlockSpec((1, 1, D), lambda i, b: (b[i], 0, 0)),
        ],
        out_specs=pl.BlockSpec((BLK_M, DP), lambda i, b: (i, 0)),
    )
    return pl.pallas_call(
        _ffn_body,
        grid_spec=grid_spec,
        out_shape=jax.ShapeDtypeStruct((NBUF, DP), jnp.float32),
    )(binfo, xs, w1.reshape(E * D, DFF), b1.reshape(E, 1, DFF),
      w2.reshape(E * DFF, D), b2.reshape(E, 1, D))



def _comb_body(x1_ref, r0_ref, r1_ref, rt_ref, y_ref):
    g0 = rt_ref[:, 2:3]
    g1 = rt_ref[:, 3:4]
    y_ref[...] = (x1_ref[...] + g0 * r0_ref[...][:, :D]
                  + g1 * r1_ref[...][:, :D])


def _final_combine(x1, r0, r1, rt):
    return pl.pallas_call(
        _comb_body,
        grid=(NSB,),
        in_specs=[
            pl.BlockSpec((SBLK, D), lambda i: (i, 0)),
            pl.BlockSpec((SBLK, DP), lambda i: (i, 0)),
            pl.BlockSpec((SBLK, DP), lambda i: (i, 0)),
            pl.BlockSpec((SBLK, E), lambda i: (i, 0)),
        ],
        out_specs=pl.BlockSpec((SBLK, D), lambda i: (i, 0)),
        out_shape=jax.ShapeDtypeStruct((S, D), jnp.float32),
    )(x1, r0, r1, rt)



def kernel(x, rms1_scale, wq, wk, wv, wo, q_norm_scale, k_norm_scale,
           rms2_scale, router_w, router_b, w1, b1, w2, b2):
    x2 = x.reshape(S, D)
    s1 = rms1_scale.reshape(1, D)
    s2 = rms2_scale.reshape(1, D)
    rb = router_b.reshape(1, E)
    qsf = jnp.tile(q_norm_scale, H).reshape(1, H * HD)
    ksf = jnp.tile(k_norm_scale, KVH).reshape(1, KVH * HD)
    gq = jnp.repeat(jnp.eye(H, dtype=jnp.float32), HD, axis=0)
    gk = jnp.repeat(jnp.eye(KVH, dtype=jnp.float32), HD, axis=0)

    inv = 1.0 / (10000.0 ** (jnp.arange(HALF, dtype=jnp.float32) / HALF))
    ang = jnp.arange(S, dtype=jnp.float32)[:, None] * inv[None, :]
    cos = jnp.cos(ang)
    sin = jnp.sin(ang)
    cos2 = jnp.concatenate([cos, cos], axis=1)
    sin2 = jnp.concatenate([-sin, sin], axis=1)

    q3, k3, v3 = _qkv_proj(x2, s1, wq, wk, wv, qsf, ksf, gq, gk, cos2, sin2)
    o3 = _attention(q3, k3, v3)
    x1, h2, rt = _post_attn(o3, wo, x2, s2, router_w, rb)

    pos, binfo = _route_plan(rt)
    pos_flat = jnp.concatenate([pos[:, 0], pos[:, 1]], axis=0)
    xs = _sc_dispatch(pos_flat, h2)
    eo = _expert_ffn(binfo.reshape(128), xs, w1, b1, w2, b2)
    r0, r1 = _sc_combine(pos[:, 0], pos[:, 1], eo)
    y = _final_combine(x1, r0, r1, rt)
    return y.reshape(1, S, D)

# --- scband reference (transcript-rebuilt; emitter-appended) ---
"""Pipeline reference for scband-block-10874857194057 (READ-ONLY COPY).

The authoritative reference and input builder live on the scoring server;
editing this copy changes nothing except your own understanding.
"""

import jax, jax.numpy as jnp
import numpy as np

B, S, D = 1, 2048, 672
H, KVH, HD = 12, 4, 56
E, DFF, TOPK = 8, 2048, 2
EPS = 1e-05

def _rms(x, scale, eps=EPS):
    return x * jax.lax.rsqrt(jnp.mean(x * x, axis=-1, keepdims=True) + eps) * scale

def _rope(t, cos, sin):
    half = t.shape[-1] // 2
    t1, t2 = t[..., :half], t[..., half:]
    return jnp.concatenate([t1 * cos - t2 * sin, t1 * sin + t2 * cos], axis=-1)

def setup_inputs(seed: int = 0) -> dict:
    key = jax.random.key(seed)
    ks = jax.random.split(key, 10)
    def w(k, shape):
        return jax.random.normal(k, shape, dtype=jnp.float32) * 0.02
    return {
        "x": jax.random.normal(ks[0], (B, S, D), dtype=jnp.float32),
        "rms1_scale": jnp.ones((D,), jnp.float32),
        "wq": w(ks[1], (D, H * HD)),
        "wk": w(ks[2], (D, KVH * HD)),
        "wv": w(ks[3], (D, KVH * HD)),
        "wo": w(ks[4], (H * HD, D)),
        "q_norm_scale": jnp.ones((HD,), jnp.float32),
        "k_norm_scale": jnp.ones((HD,), jnp.float32),
        "rms2_scale": jnp.ones((D,), jnp.float32),
        "router_w": w(ks[5], (D, E)),
        "router_b": jnp.zeros((E,), jnp.float32),
        "w1": w(ks[6], (E, D, DFF)),
        "b1": jnp.zeros((E, DFF), jnp.float32),
        "w2": w(ks[7], (E, DFF, D)),
        "b2": jnp.zeros((E, D), jnp.float32),
    }

def reference(x, rms1_scale, wq, wk, wv, wo, q_norm_scale, k_norm_scale,
              rms2_scale, router_w, router_b, w1, b1, w2, b2):
    # --- attention sub-block: x = attn(rms1(x)) + x ---
    h = _rms(x, rms1_scale)
    q = (h @ wq).reshape(B, S, H, HD)
    k = (h @ wk).reshape(B, S, KVH, HD)
    v = (h @ wv).reshape(B, S, KVH, HD)
    # qk-norm (per-head RMSNorm)
    q = _rms(q, q_norm_scale)
    k = _rms(k, k_norm_scale)
    # RoPE
    half = HD // 2
    inv = 1.0 / (10000.0 ** (jnp.arange(half, dtype=jnp.float32) / half))
    ang = jnp.arange(S, dtype=jnp.float32)[:, None] * inv[None, :]
    cos = jnp.cos(ang)[None, :, None, :]
    sin = jnp.sin(ang)[None, :, None, :]
    q = _rope(q, cos, sin)
    k = _rope(k, cos, sin)
    # GQA: repeat kv heads
    k = jnp.repeat(k, H // KVH, axis=2)
    v = jnp.repeat(v, H // KVH, axis=2)
    scores = jnp.einsum('bqhd,bkhd->bhqk', q, k) / np.sqrt(HD)
    causal = jnp.tril(jnp.ones((S, S), dtype=bool))
    scores = jnp.where(causal[None, None, :, :], scores, -1e30)
    attn = jax.nn.softmax(scores, axis=-1)
    o = jnp.einsum('bhqk,bkhd->bqhd', attn, v).reshape(B, S, H * HD) @ wo
    x = x + o
    # --- MoE sub-block: y = moe(rms2(x)); out = x + y ---
    h2 = _rms(x, rms2_scale)
    flat = h2.reshape(B * S, D)
    logits = flat @ router_w + router_b
    probs = jax.nn.softmax(logits, axis=-1)
    vals, idx = jax.lax.top_k(probs, TOPK)
    wnorm = vals / jnp.sum(vals, axis=-1, keepdims=True)
    gates = jnp.sum(jax.nn.one_hot(idx, E, dtype=flat.dtype) * wnorm[..., None], axis=1)  # [T, E]
    hid = jnp.einsum('td,edf->tef', flat, w1) + b1[None, :, :]
    act = jnp.square(jax.nn.relu(hid))  # squared relu
    eo = jnp.einsum('tef,efd->ted', act, w2) + b2[None, :, :]
    y = jnp.einsum('te,ted->td', gates, eo).reshape(B, S, D)
    return x + y

if __name__ == "__main__":
    import jax
    _d = setup_inputs()
    print(jax.jit(kernel)(*tuple(_d.values())))

</pallas_src>

<mosaic_0001>
#map = affine_map<(d0, d1) -> (0)>
#map1 = affine_map<(d0, d1) -> (0, 0)>
module attributes {stable_mosaic.version = 14 : i64} {
  func.func @combine(%arg0: i32, %arg1: i32, %arg2: memref<2048xi32, #tpu.memory_space<hbm>>, %arg3: memref<2048xi32, #tpu.memory_space<hbm>>, %arg4: memref<6144x768xf32, #tpu.memory_space<hbm>>, %arg5: memref<2048x768xf32, #tpu.memory_space<hbm>>, %arg6: memref<2048x768xf32, #tpu.memory_space<hbm>>, %arg7: memref<32xi32, #tpu.memory_space<vmem>>, %arg8: memref<32xi32, #tpu.memory_space<vmem>>, %arg9: memref<32x768xf32, #tpu.memory_space<vmem>>, %arg10: memref<32x768xf32, #tpu.memory_space<vmem>>, %arg11: memref<!tpu.dma_semaphore, #tpu.memory_space<semaphore_mem>>, %arg12: memref<!tpu.dma_semaphore, #tpu.memory_space<semaphore_mem>>) attributes {dimension_semantics = [#tpu.dimension_semantics<core_parallel>, #tpu.dimension_semantics<subcore_parallel>], iteration_bounds = array<i64: 2, 16>, scalar_prefetch = 0 : i64, scratch_operands = 6 : i64, tpu.core_type = #tpu.core_type<sc_vector_subcore>, window_params = [{transform_indices = #map}, {transform_indices = #map}, {transform_indices = #map1}, {transform_indices = #map1}, {transform_indices = #map1}]} {
    %mul3A = arith.constant 2 : i32
    %mul3A_0 = arith.muli %arg1, %mul3A : i32
    %add3A = arith.addi %mul3A_0, %arg0 : i32
    %mul3A_1 = arith.constant 64 : i32
    %mul3A_2 = arith.muli %add3A, %mul3A_1 : i32
    %add3A_3 = arith.constant 0 : i32
    %add3A_4 = arith.addi %mul3A_2, %add3A_3 : i32
    "tpu.region"() ({
      %run_scoped3A = tpu.sem_alloc : memref<!tpu.dma_semaphore, #tpu.memory_space<semaphore_mem>>
      %dma_start3A_31 = tpu.memref_slice %arg2[%add3A_4] : memref<2048xi32, #tpu.memory_space<hbm>> -> memref<32xi32, #tpu.memory_space<hbm>>
      %dma_start3A_32 = tpu.memref_slice %arg2[%add3A_4] : memref<2048xi32, #tpu.memory_space<hbm>> -> memref<32xi32, #tpu.memory_space<hbm>>
      tpu.enqueue_dma source(%dma_start3A_32 : memref<32xi32, #tpu.memory_space<hbm>>) target(%arg7 : memref<32xi32, #tpu.memory_space<vmem>>) target_semaphore(%run_scoped3A : memref<!tpu.dma_semaphore, #tpu.memory_space<semaphore_mem>>)
      %dma_wait3A_33 = tpu.memref_slice %arg2[%add3A_4] : memref<2048xi32, #tpu.memory_space<hbm>> -> memref<32xi32, #tpu.memory_space<hbm>>
      %dma_wait3A_34 = tpu.memref_slice %arg2[%add3A_4] : memref<2048xi32, #tpu.memory_space<hbm>> -> memref<32xi32, #tpu.memory_space<hbm>>
      tpu.wait_dma2 semaphore(%run_scoped3A : memref<!tpu.dma_semaphore, #tpu.memory_space<semaphore_mem>>) src(%dma_wait3A_34 : memref<32xi32, #tpu.memory_space<hbm>>) dst(%arg7 : memref<32xi32, #tpu.memory_space<vmem>>)
      tpu.yield
    }) : () -> ()
    "tpu.region"() ({
      %run_scoped3A = tpu.sem_alloc : memref<!tpu.dma_semaphore, #tpu.memory_space<semaphore_mem>>
      %dma_start3A_31 = tpu.memref_slice %arg3[%add3A_4] : memref<2048xi32, #tpu.memory_space<hbm>> -> memref<32xi32, #tpu.memory_space<hbm>>
      %dma_start3A_32 = tpu.memref_slice %arg3[%add3A_4] : memref<2048xi32, #tpu.memory_space<hbm>> -> memref<32xi32, #tpu.memory_space<hbm>>
      tpu.enqueue_dma source(%dma_start3A_32 : memref<32xi32, #tpu.memory_space<hbm>>) target(%arg8 : memref<32xi32, #tpu.memory_space<vmem>>) target_semaphore(%run_scoped3A : memref<!tpu.dma_semaphore, #tpu.memory_space<semaphore_mem>>)
      %dma_wait3A_33 = tpu.memref_slice %arg3[%add3A_4] : memref<2048xi32, #tpu.memory_space<hbm>> -> memref<32xi32, #tpu.memory_space<hbm>>
      %dma_wait3A_34 = tpu.memref_slice %arg3[%add3A_4] : memref<2048xi32, #tpu.memory_space<hbm>> -> memref<32xi32, #tpu.memory_space<hbm>>
      tpu.wait_dma2 semaphore(%run_scoped3A : memref<!tpu.dma_semaphore, #tpu.memory_space<semaphore_mem>>) src(%dma_wait3A_34 : memref<32xi32, #tpu.memory_space<hbm>>) dst(%arg8 : memref<32xi32, #tpu.memory_space<vmem>>)
      tpu.yield
    }) : () -> ()
    %dma_start3A = arith.constant 0 : i32
    %dma_start3A_5 = arith.constant 0 : i32
    %dma_start3A_6 = tpu.memref_slice %arg4[%dma_start3A, %dma_start3A_5] : memref<6144x768xf32, #tpu.memory_space<hbm>> -> memref<6144x768xf32, #tpu.memory_space<hbm>>
    tpu.enqueue_indirect_dma source(%dma_start3A_6 : memref<6144x768xf32, #tpu.memory_space<hbm>>) target(%arg9 : memref<32x768xf32, #tpu.memory_space<vmem>>) offsets(%arg7 : memref<32xi32, #tpu.memory_space<vmem>>) semaphore(%arg11 : memref<!tpu.dma_semaphore, #tpu.memory_space<semaphore_mem>>)
    %dma_start3A_7 = arith.constant 0 : i32
    %dma_start3A_8 = arith.constant 0 : i32
    %dma_start3A_9 = tpu.memref_slice %arg4[%dma_start3A_7, %dma_start3A_8] : memref<6144x768xf32, #tpu.memory_space<hbm>> -> memref<6144x768xf32, #tpu.memory_space<hbm>>
    tpu.enqueue_indirect_dma source(%dma_start3A_9 : memref<6144x768xf32, #tpu.memory_space<hbm>>) target(%arg10 : memref<32x768xf32, #tpu.memory_space<vmem>>) offsets(%arg8 : memref<32xi32, #tpu.memory_space<vmem>>) semaphore(%arg12 : memref<!tpu.dma_semaphore, #tpu.memory_space<semaphore_mem>>)
    %dma_wait3A = arith.constant 0 : i32
    %dma_wait3A_10 = arith.constant 0 : i32
    %dma_wait3A_11 = tpu.memref_slice %arg4[%dma_wait3A, %dma_wait3A_10] : memref<6144x768xf32, #tpu.memory_space<hbm>> -> memref<6144x768xf32, #tpu.memory_space<hbm>>
    tpu.wait_indirect_dma semaphore(%arg11 : memref<!tpu.dma_semaphore, #tpu.memory_space<semaphore_mem>>) src(%dma_wait3A_11 : memref<6144x768xf32, #tpu.memory_space<hbm>>) dst(%arg9 : memref<32x768xf32, #tpu.memory_space<vmem>>)
    %dma_wait3A_12 = arith.constant 0 : i32
    %dma_wait3A_13 = arith.constant 0 : i32
    %dma_wait3A_14 = tpu.memref_slice %arg4[%dma_wait3A_12, %dma_wait3A_13] : memref<6144x768xf32, #tpu.memory_space<hbm>> -> memref<6144x768xf32, #tpu.memory_space<hbm>>
    tpu.wait_indirect_dma semaphore(%arg12 : memref<!tpu.dma_semaphore, #tpu.memory_space<semaphore_mem>>) src(%dma_wait3A_14 : memref<6144x768xf32, #tpu.memory_space<hbm>>) dst(%arg10 : memref<32x768xf32, #tpu.memory_space<vmem>>)
    "tpu.region"() ({
      %run_scoped3A = tpu.sem_alloc : memref<!tpu.dma_semaphore, #tpu.memory_space<semaphore_mem>>
      %dma_start3A_31 = arith.constant 0 : i32
      %dma_start3A_32 = tpu.memref_slice %arg5[%add3A_4, %dma_start3A_31] : memref<2048x768xf32, #tpu.memory_space<hbm>> -> memref<32x768xf32, #tpu.memory_space<hbm>>
      %dma_start3A_33 = arith.constant 0 : i32
      %dma_start3A_34 = tpu.memref_slice %arg5[%add3A_4, %dma_start3A_33] : memref<2048x768xf32, #tpu.memory_space<hbm>> -> memref<32x768xf32, #tpu.memory_space<hbm>>
      tpu.enqueue_dma source(%arg9 : memref<32x768xf32, #tpu.memory_space<vmem>>) target(%dma_start3A_34 : memref<32x768xf32, #tpu.memory_space<hbm>>) target_semaphore(%run_scoped3A : memref<!tpu.dma_semaphore, #tpu.memory_space<semaphore_mem>>)
      %dma_wait3A_35 = arith.constant 0 : i32
      %dma_wait3A_36 = tpu.memref_slice %arg5[%add3A_4, %dma_wait3A_35] : memref<2048x768xf32, #tpu.memory_space<hbm>> -> memref<32x768xf32, #tpu.memory_space<hbm>>
      %dma_wait3A_37 = arith.constant 0 : i32
      %dma_wait3A_38 = tpu.memref_slice %arg5[%add3A_4, %dma_wait3A_37] : memref<2048x768xf32, #tpu.memory_space<hbm>> -> memref<32x768xf32, #tpu.memory_space<hbm>>
      tpu.wait_dma2 semaphore(%run_scoped3A : memref<!tpu.dma_semaphore, #tpu.memory_space<semaphore_mem>>) src(%arg9 : memref<32x768xf32, #tpu.memory_space<vmem>>) dst(%dma_wait3A_38 : memref<32x768xf32, #tpu.memory_space<hbm>>)
      tpu.yield
    }) : () -> ()
    "tpu.region"() ({
      %run_scoped3A = tpu.sem_alloc : memref<!tpu.dma_semaphore, #tpu.memory_space<semaphore_mem>>
      %dma_start3A_31 = arith.constant 0 : i32
      %dma_start3A_32 = tpu.memref_slice %arg6[%add3A_4, %dma_start3A_31] : memref<2048x768xf32, #tpu.memory_space<hbm>> -> memref<32x768xf32, #tpu.memory_space<hbm>>
      %dma_start3A_33 = arith.constant 0 : i32
      %dma_start3A_34 = tpu.memref_slice %arg6[%add3A_4, %dma_start3A_33] : memref<2048x768xf32, #tpu.memory_space<hbm>> -> memref<32x768xf32, #tpu.memory_space<hbm>>
      tpu.enqueue_dma source(%arg10 : memref<32x768xf32, #tpu.memory_space<vmem>>) target(%dma_start3A_34 : memref<32x768xf32, #tpu.memory_space<hbm>>) target_semaphore(%run_scoped3A : memref<!tpu.dma_semaphore, #tpu.memory_space<semaphore_mem>>)
      %dma_wait3A_35 = arith.constant 0 : i32
      %dma_wait3A_36 = tpu.memref_slice %arg6[%add3A_4, %dma_wait3A_35] : memref<2048x768xf32, #tpu.memory_space<hbm>> -> memref<32x768xf32, #tpu.memory_space<hbm>>
      %dma_wait3A_37 = arith.constant 0 : i32
      %dma_wait3A_38 = tpu.memref_slice %arg6[%add3A_4, %dma_wait3A_37] : memref<2048x768xf32, #tpu.memory_space<hbm>> -> memref<32x768xf32, #tpu.memory_space<hbm>>
      tpu.wait_dma2 semaphore(%run_scoped3A : memref<!tpu.dma_semaphore, #tpu.memory_space<semaphore_mem>>) src(%arg10 : memref<32x768xf32, #tpu.memory_space<vmem>>) dst(%dma_wait3A_38 : memref<32x768xf32, #tpu.memory_space<hbm>>)
      tpu.yield
    }) : () -> ()
    %mul3A_15 = arith.constant 64 : i32
    %mul3A_16 = arith.muli %add3A, %mul3A_15 : i32
    %add3A_17 = arith.constant 32 : i32
    %add3A_18 = arith.addi %mul3A_16, %add3A_17 : i32
    "tpu.region"() ({
      %run_scoped3A = tpu.sem_alloc : memref<!tpu.dma_semaphore, #tpu.memory_space<semaphore_mem>>
      %dma_start3A_31 = tpu.memref_slice %arg2[%add3A_18] : memref<2048xi32, #tpu.memory_space<hbm>> -> memref<32xi32, #tpu.memory_space<hbm>>
      %dma_start3A_32 = tpu.memref_slice %arg2[%add3A_18] : memref<2048xi32, #tpu.memory_space<hbm>> -> memref<32xi32, #tpu.memory_space<hbm>>
      tpu.enqueue_dma source(%dma_start3A_32 : memref<32xi32, #tpu.memory_space<hbm>>) target(%arg7 : memref<32xi32, #tpu.memory_space<vmem>>) target_semaphore(%run_scoped3A : memref<!tpu.dma_semaphore, #tpu.memory_space<semaphore_mem>>)
      %dma_wait3A_33 = tpu.memref_slice %arg2[%add3A_18] : memref<2048xi32, #tpu.memory_space<hbm>> -> memref<32xi32, #tpu.memory_space<hbm>>
      %dma_wait3A_34 = tpu.memref_slice %arg2[%add3A_18] : memref<2048xi32, #tpu.memory_space<hbm>> -> memref<32xi32, #tpu.memory_space<hbm>>
      tpu.wait_dma2 semaphore(%run_scoped3A : memref<!tpu.dma_semaphore, #tpu.memory_space<semaphore_mem>>) src(%dma_wait3A_34 : memref<32xi32, #tpu.memory_space<hbm>>) dst(%arg7 : memref<32xi32, #tpu.memory_space<vmem>>)
      tpu.yield
    }) : () -> ()
    "tpu.region"() ({
      %run_scoped3A = tpu.sem_alloc : memref<!tpu.dma_semaphore, #tpu.memory_space<semaphore_mem>>
      %dma_start3A_31 = tpu.memref_slice %arg3[%add3A_18] : memref<2048xi32, #tpu.memory_space<hbm>> -> memref<32xi32, #tpu.memory_space<hbm>>
      %dma_start3A_32 = tpu.memref_slice %arg3[%add3A_18] : memref<2048xi32, #tpu.memory_space<hbm>> -> memref<32xi32, #tpu.memory_space<hbm>>
      tpu.enqueue_dma source(%dma_start3A_32 : memref<32xi32, #tpu.memory_space<hbm>>) target(%arg8 : memref<32xi32, #tpu.memory_space<vmem>>) target_semaphore(%run_scoped3A : memref<!tpu.dma_semaphore, #tpu.memory_space<semaphore_mem>>)
      %dma_wait3A_33 = tpu.memref_slice %arg3[%add3A_18] : memref<2048xi32, #tpu.memory_space<hbm>> -> memref<32xi32, #tpu.memory_space<hbm>>
      %dma_wait3A_34 = tpu.memref_slice %arg3[%add3A_18] : memref<2048xi32, #tpu.memory_space<hbm>> -> memref<32xi32, #tpu.memory_space<hbm>>
      tpu.wait_dma2 semaphore(%run_scoped3A : memref<!tpu.dma_semaphore, #tpu.memory_space<semaphore_mem>>) src(%dma_wait3A_34 : memref<32xi32, #tpu.memory_space<hbm>>) dst(%arg8 : memref<32xi32, #tpu.memory_space<vmem>>)
      tpu.yield
    }) : () -> ()
    %dma_start3A_19 = arith.constant 0 : i32
    %dma_start3A_20 = arith.constant 0 : i32
    %dma_start3A_21 = tpu.memref_slice %arg4[%dma_start3A_19, %dma_start3A_20] : memref<6144x768xf32, #tpu.memory_space<hbm>> -> memref<6144x768xf32, #tpu.memory_space<hbm>>
    tpu.enqueue_indirect_dma source(%dma_start3A_21 : memref<6144x768xf32, #tpu.memory_space<hbm>>) target(%arg9 : memref<32x768xf32, #tpu.memory_space<vmem>>) offsets(%arg7 : memref<32xi32, #tpu.memory_space<vmem>>) semaphore(%arg11 : memref<!tpu.dma_semaphore, #tpu.memory_space<semaphore_mem>>)
    %dma_start3A_22 = arith.constant 0 : i32
    %dma_start3A_23 = arith.constant 0 : i32
    %dma_start3A_24 = tpu.memref_slice %arg4[%dma_start3A_22, %dma_start3A_23] : memref<6144x768xf32, #tpu.memory_space<hbm>> -> memref<6144x768xf32, #tpu.memory_space<hbm>>
    tpu.enqueue_indirect_dma source(%dma_start3A_24 : memref<6144x768xf32, #tpu.memory_space<hbm>>) target(%arg10 : memref<32x768xf32, #tpu.memory_space<vmem>>) offsets(%arg8 : memref<32xi32, #tpu.memory_space<vmem>>) semaphore(%arg12 : memref<!tpu.dma_semaphore, #tpu.memory_space<semaphore_mem>>)
    %dma_wait3A_25 = arith.constant 0 : i32
    %dma_wait3A_26 = arith.constant 0 : i32
    %dma_wait3A_27 = tpu.memref_slice %arg4[%dma_wait3A_25, %dma_wait3A_26] : memref<6144x768xf32, #tpu.memory_space<hbm>> -> memref<6144x768xf32, #tpu.memory_space<hbm>>
    tpu.wait_indirect_dma semaphore(%arg11 : memref<!tpu.dma_semaphore, #tpu.memory_space<semaphore_mem>>) src(%dma_wait3A_27 : memref<6144x768xf32, #tpu.memory_space<hbm>>) dst(%arg9 : memref<32x768xf32, #tpu.memory_space<vmem>>)
    %dma_wait3A_28 = arith.constant 0 : i32
    %dma_wait3A_29 = arith.constant 0 : i32
    %dma_wait3A_30 = tpu.memref_slice %arg4[%dma_wait3A_28, %dma_wait3A_29] : memref<6144x768xf32, #tpu.memory_space<hbm>> -> memref<6144x768xf32, #tpu.memory_space<hbm>>
    tpu.wait_indirect_dma semaphore(%arg12 : memref<!tpu.dma_semaphore, #tpu.memory_space<semaphore_mem>>) src(%dma_wait3A_30 : memref<6144x768xf32, #tpu.memory_space<hbm>>) dst(%arg10 : memref<32x768xf32, #tpu.memory_space<vmem>>)
    "tpu.region"() ({
      %run_scoped3A = tpu.sem_alloc : memref<!tpu.dma_semaphore, #tpu.memory_space<semaphore_mem>>
      %dma_start3A_31 = arith.constant 0 : i32
      %dma_start3A_32 = tpu.memref_slice %arg5[%add3A_18, %dma_start3A_31] : memref<2048x768xf32, #tpu.memory_space<hbm>> -> memref<32x768xf32, #tpu.memory_space<hbm>>
      %dma_start3A_33 = arith.constant 0 : i32
      %dma_start3A_34 = tpu.memref_slice %arg5[%add3A_18, %dma_start3A_33] : memref<2048x768xf32, #tpu.memory_space<hbm>> -> memref<32x768xf32, #tpu.memory_space<hbm>>
      tpu.enqueue_dma source(%arg9 : memref<32x768xf32, #tpu.memory_space<vmem>>) target(%dma_start3A_34 : memref<32x768xf32, #tpu.memory_space<hbm>>) target_semaphore(%run_scoped3A : memref<!tpu.dma_semaphore, #tpu.memory_space<semaphore_mem>>)
      %dma_wait3A_35 = arith.constant 0 : i32
      %dma_wait3A_36 = tpu.memref_slice %arg5[%add3A_18, %dma_wait3A_35] : memref<2048x768xf32, #tpu.memory_space<hbm>> -> memref<32x768xf32, #tpu.memory_space<hbm>>
      %dma_wait3A_37 = arith.constant 0 : i32
      %dma_wait3A_38 = tpu.memref_slice %arg5[%add3A_18, %dma_wait3A_37] : memref<2048x768xf32, #tpu.memory_space<hbm>> -> memref<32x768xf32, #tpu.memory_space<hbm>>
      tpu.wait_dma2 semaphore(%run_scoped3A : memref<!tpu.dma_semaphore, #tpu.memory_space<semaphore_mem>>) src(%arg9 : memref<32x768xf32, #tpu.memory_space<vmem>>) dst(%dma_wait3A_38 : memref<32x768xf32, #tpu.memory_space<hbm>>)
      tpu.yield
    }) : () -> ()
    "tpu.region"() ({
      %run_scoped3A = tpu.sem_alloc : memref<!tpu.dma_semaphore, #tpu.memory_space<semaphore_mem>>
      %dma_start3A_31 = arith.constant 0 : i32
      %dma_start3A_32 = tpu.memref_slice %arg6[%add3A_18, %dma_start3A_31] : memref<2048x768xf32, #tpu.memory_space<hbm>> -> memref<32x768xf32, #tpu.memory_space<hbm>>
      %dma_start3A_33 = arith.constant 0 : i32
      %dma_start3A_34 = tpu.memref_slice %arg6[%add3A_18, %dma_start3A_33] : memref<2048x768xf32, #tpu.memory_space<hbm>> -> memref<32x768xf32, #tpu.memory_space<hbm>>
      tpu.enqueue_dma source(%arg10 : memref<32x768xf32, #tpu.memory_space<vmem>>) target(%dma_start3A_34 : memref<32x768xf32, #tpu.memory_space<hbm>>) target_semaphore(%run_scoped3A : memref<!tpu.dma_semaphore, #tpu.memory_space<semaphore_mem>>)
      %dma_wait3A_35 = arith.constant 0 : i32
      %dma_wait3A_36 = tpu.memref_slice %arg6[%add3A_18, %dma_wait3A_35] : memref<2048x768xf32, #tpu.memory_space<hbm>> -> memref<32x768xf32, #tpu.memory_space<hbm>>
      %dma_wait3A_37 = arith.constant 0 : i32
      %dma_wait3A_38 = tpu.memref_slice %arg6[%add3A_18, %dma_wait3A_37] : memref<2048x768xf32, #tpu.memory_space<hbm>> -> memref<32x768xf32, #tpu.memory_space<hbm>>
      tpu.wait_dma2 semaphore(%run_scoped3A : memref<!tpu.dma_semaphore, #tpu.memory_space<semaphore_mem>>) src(%arg10 : memref<32x768xf32, #tpu.memory_space<vmem>>) dst(%dma_wait3A_38 : memref<32x768xf32, #tpu.memory_space<hbm>>)
      tpu.yield
    }) : () -> ()
    return
  }
}

#map = affine_map<(d0, d1) -> (0)>
#map1 = affine_map<(d0, d1) -> (0, 0)>
module attributes {stable_mosaic.version = 14 : i64} {
  func.func @dispatch(%arg0: i32, %arg1: i32, %arg2: memref<4096xi32, #tpu.memory_space<hbm>>, %arg3: memref<2048x768xf32, #tpu.memory_space<hbm>>, %arg4: memref<6144x768xf32, #tpu.memory_space<hbm>>, %arg5: memref<128xi32, #tpu.memory_space<vmem>>, %arg6: memref<128x768xf32, #tpu.memory_space<vmem>>, %arg7: memref<!tpu.dma_semaphore, #tpu.memory_space<semaphore_mem>>) attributes {dimension_semantics = [#tpu.dimension_semantics<core_parallel>, #tpu.dimension_semantics<subcore_parallel>], iteration_bounds = array<i64: 2, 16>, scalar_prefetch = 0 : i64, scratch_operands = 3 : i64, tpu.core_type = #tpu.core_type<sc_vector_subcore>, window_params = [{transform_indices = #map}, {transform_indices = #map1}, {transform_indices = #map1}]} {
    %mul3A = arith.constant 2 : i32
    %mul3A_0 = arith.muli %arg1, %mul3A : i32
    %add3A = arith.addi %mul3A_0, %arg0 : i32
    %mul3A_1 = arith.constant 128 : i32
    %mul3A_2 = arith.muli %add3A, %mul3A_1 : i32
    %rem3A = arith.constant 2048 : i32
    %rem3A_3 = arith.remsi %mul3A_2, %rem3A : i32
    "tpu.region"() ({
      %run_scoped3A = tpu.sem_alloc : memref<!tpu.dma_semaphore, #tpu.memory_space<semaphore_mem>>
      %dma_start3A_8 = tpu.memref_slice %arg2[%mul3A_2] : memref<4096xi32, #tpu.memory_space<hbm>> -> memref<128xi32, #tpu.memory_space<hbm>>
      %dma_start3A_9 = tpu.memref_slice %arg2[%mul3A_2] : memref<4096xi32, #tpu.memory_space<hbm>> -> memref<128xi32, #tpu.memory_space<hbm>>
      tpu.enqueue_dma source(%dma_start3A_9 : memref<128xi32, #tpu.memory_space<hbm>>) target(%arg5 : memref<128xi32, #tpu.memory_space<vmem>>) target_semaphore(%run_scoped3A : memref<!tpu.dma_semaphore, #tpu.memory_space<semaphore_mem>>)
      %dma_wait3A_10 = tpu.memref_slice %arg2[%mul3A_2] : memref<4096xi32, #tpu.memory_space<hbm>> -> memref<128xi32, #tpu.memory_space<hbm>>
      %dma_wait3A_11 = tpu.memref_slice %arg2[%mul3A_2] : memref<4096xi32, #tpu.memory_space<hbm>> -> memref<128xi32, #tpu.memory_space<hbm>>
      tpu.wait_dma2 semaphore(%run_scoped3A : memref<!tpu.dma_semaphore, #tpu.memory_space<semaphore_mem>>) src(%dma_wait3A_11 : memref<128xi32, #tpu.memory_space<hbm>>) dst(%arg5 : memref<128xi32, #tpu.memory_space<vmem>>)
      tpu.yield
    }) : () -> ()
    "tpu.region"() ({
      %run_scoped3A = tpu.sem_alloc : memref<!tpu.dma_semaphore, #tpu.memory_space<semaphore_mem>>
      %dma_start3A_8 = arith.constant 0 : i32
      %dma_start3A_9 = tpu.memref_slice %arg3[%rem3A_3, %dma_start3A_8] : memref<2048x768xf32, #tpu.memory_space<hbm>> -> memref<128x768xf32, #tpu.memory_space<hbm>>
      %dma_start3A_10 = arith.constant 0 : i32
      %dma_start3A_11 = tpu.memref_slice %arg3[%rem3A_3, %dma_start3A_10] : memref<2048x768xf32, #tpu.memory_space<hbm>> -> memref<128x768xf32, #tpu.memory_space<hbm>>
      tpu.enqueue_dma source(%dma_start3A_11 : memref<128x768xf32, #tpu.memory_space<hbm>>) target(%arg6 : memref<128x768xf32, #tpu.memory_space<vmem>>) target_semaphore(%run_scoped3A : memref<!tpu.dma_semaphore, #tpu.memory_space<semaphore_mem>>)
      %dma_wait3A_12 = arith.constant 0 : i32
      %dma_wait3A_13 = tpu.memref_slice %arg3[%rem3A_3, %dma_wait3A_12] : memref<2048x768xf32, #tpu.memory_space<hbm>> -> memref<128x768xf32, #tpu.memory_space<hbm>>
      %dma_wait3A_14 = arith.constant 0 : i32
      %dma_wait3A_15 = tpu.memref_slice %arg3[%rem3A_3, %dma_wait3A_14] : memref<2048x768xf32, #tpu.memory_space<hbm>> -> memref<128x768xf32, #tpu.memory_space<hbm>>
      tpu.wait_dma2 semaphore(%run_scoped3A : memref<!tpu.dma_semaphore, #tpu.memory_space<semaphore_mem>>) src(%dma_wait3A_15 : memref<128x768xf32, #tpu.memory_space<hbm>>) dst(%arg6 : memref<128x768xf32, #tpu.memory_space<vmem>>)
      tpu.yield
    }) : () -> ()
    %dma_start3A = arith.constant 0 : i32
    %dma_start3A_4 = arith.constant 0 : i32
    %dma_start3A_5 = tpu.memref_slice %arg4[%dma_start3A, %dma_start3A_4] : memref<6144x768xf32, #tpu.memory_space<hbm>> -> memref<6144x768xf32, #tpu.memory_space<hbm>>
    tpu.enqueue_indirect_dma source(%arg6 : memref<128x768xf32, #tpu.memory_space<vmem>>) target(%dma_start3A_5 : memref<6144x768xf32, #tpu.memory_space<hbm>>) offsets(%arg5 : memref<128xi32, #tpu.memory_space<vmem>>) semaphore(%arg7 : memref<!tpu.dma_semaphore, #tpu.memory_space<semaphore_mem>>)
    %dma_wait3A = arith.constant 0 : i32
    %dma_wait3A_6 = arith.constant 0 : i32
    %dma_wait3A_7 = tpu.memref_slice %arg4[%dma_wait3A, %dma_wait3A_6] : memref<6144x768xf32, #tpu.memory_space<hbm>> -> memref<6144x768xf32, #tpu.memory_space<hbm>>
    tpu.wait_indirect_dma semaphore(%arg7 : memref<!tpu.dma_semaphore, #tpu.memory_space<semaphore_mem>>) src(%arg6 : memref<128x768xf32, #tpu.memory_space<vmem>>) dst(%dma_wait3A_7 : memref<6144x768xf32, #tpu.memory_space<hbm>>)
    return
  }
}

module attributes {stable_mosaic.version = 14 : i64} {
  func.func @_qkv_body(%arg0: i32, %arg1: memref<256x672xf32, #tpu.memory_space<vmem>>, %arg2: memref<1x672xf32, #tpu.memory_space<vmem>>, %arg3: memref<672x672xf32, #tpu.memory_space<vmem>>, %arg4: memref<672x224xf32, #tpu.memory_space<vmem>>, %arg5: memref<672x224xf32, #tpu.memory_space<vmem>>, %arg6: memref<1x672xf32, #tpu.memory_space<vmem>>, %arg7: memref<1x224xf32, #tpu.memory_space<vmem>>, %arg8: memref<672x12xf32, #tpu.memory_space<vmem>>, %arg9: memref<12x672xf32, #tpu.memory_space<vmem>>, %arg10: memref<224x4xf32, #tpu.memory_space<vmem>>, %arg11: memref<4x224xf32, #tpu.memory_space<vmem>>, %arg12: memref<256x56xf32, #tpu.memory_space<vmem>>, %arg13: memref<256x56xf32, #tpu.memory_space<vmem>>, %arg14: memref<12x256x56xbf16, #tpu.memory_space<vmem>>, %arg15: memref<4x256x56xbf16, #tpu.memory_space<vmem>>, %arg16: memref<4x256x56xbf16, #tpu.memory_space<vmem>>) attributes {dimension_semantics = [#tpu.dimension_semantics<arbitrary>], iteration_bounds = array<i64: 8>, scalar_prefetch = 0 : i64, scratch_operands = 0 : i64, tpu.core_type = #tpu.core_type<tc>, window_params = [{transform_indices = @transform_0, window_bounds = array<i64: 256, 672>}, {pipeline_mode = #tpu.pipeline_mode<synchronous>, transform_indices = @transform_1, window_bounds = array<i64: 1, 672>}, {pipeline_mode = #tpu.pipeline_mode<synchronous>, transform_indices = @transform_2, window_bounds = array<i64: 672, 672>}, {pipeline_mode = #tpu.pipeline_mode<synchronous>, transform_indices = @transform_3, window_bounds = array<i64: 672, 224>}, {pipeline_mode = #tpu.pipeline_mode<synchronous>, transform_indices = @transform_4, window_bounds = array<i64: 672, 224>}, {pipeline_mode = #tpu.pipeline_mode<synchronous>, transform_indices = @transform_5, window_bounds = array<i64: 1, 672>}, {pipeline_mode = #tpu.pipeline_mode<synchronous>, transform_indices = @transform_6, window_bounds = array<i64: 1, 224>}, {pipeline_mode = #tpu.pipeline_mode<synchronous>, transform_indices = @transform_7, window_bounds = array<i64: 672, 12>}, {pipeline_mode = #tpu.pipeline_mode<synchronous>, transform_indices = @transform_8, window_bounds = array<i64: 12, 672>}, {pipeline_mode = #tpu.pipeline_mode<synchronous>, transform_indices = @transform_9, window_bounds = array<i64: 224, 4>}, {pipeline_mode = #tpu.pipeline_mode<synchronous>, transform_indices = @transform_10, window_bounds = array<i64: 4, 224>}, {transform_indices = @transform_11, window_bounds = array<i64: 256, 56>}, {transform_indices = @transform_12, window_bounds = array<i64: 256, 56>}, {transform_indices = @transform_13, window_bounds = array<i64: 12, 256, 56>}, {transform_indices = @transform_14, window_bounds = array<i64: 4, 256, 56>}, {transform_indices = @transform_15, window_bounds = array<i64: 4, 256, 56>}]} {
    %get3A = arith.constant 0 : index
    %get3A_0 = arith.constant 0 : index
    %get3A_1 = vector.load %arg1[%get3A, %get3A_0] : memref<256x672xf32, #tpu.memory_space<vmem>>, vector<256x672xf32>
    %get3A_2 = arith.constant 0 : index
    %get3A_3 = arith.constant 0 : index
    %get3A_4 = vector.load %arg2[%get3A_2, %get3A_3] : memref<1x672xf32, #tpu.memory_space<vmem>>, vector<1x672xf32>
    %mul3A = arith.mulf %get3A_1, %get3A_1 : vector<256x672xf32>
    %reduce_sum3A = arith.constant dense<0.000000e+00> : vector<256xf32>
    %reduce_sum3A_5 = vector.multi_reduction <add>, %mul3A, %reduce_sum3A [1] : vector<256x672xf32> to vector<256xf32>
    %broadcast_in_dim3A = vector.shape_cast %reduce_sum3A_5 : vector<256xf32> to vector<256x1xf32>
    %div3A = arith.constant 6.720000e+02 : f32
    %div3A_6 = vector.broadcast %div3A : f32 to vector<256x1xf32>
    %div3A_7 = arith.divf %broadcast_in_dim3A, %div3A_6 : vector<256x1xf32>
    %add3A = arith.constant 9.99999974E-6 : f32
    %add3A_8 = vector.broadcast %add3A : f32 to vector<256x1xf32>
    %add3A_9 = arith.addf %div3A_7, %add3A_8 : vector<256x1xf32>
    %rsqrt3A = math.rsqrt %add3A_9 : vector<256x1xf32>
    %mul3A_10 = vector.broadcast %rsqrt3A : vector<256x1xf32> to vector<256x672xf32>
    %mul3A_11 = arith.mulf %get3A_1, %mul3A_10 : vector<256x672xf32>
    %mul3A_12 = vector.broadcast %get3A_4 : vector<1x672xf32> to vector<256x672xf32>
    %mul3A_13 = arith.mulf %mul3A_11, %mul3A_12 : vector<256x672xf32>
    %get3A_14 = arith.constant 0 : index
    %get3A_15 = arith.constant 0 : index
    %get3A_16 = vector.load %arg12[%get3A_14, %get3A_15] : memref<256x56xf32, #tpu.memory_space<vmem>>, vector<256x56xf32>
    %tile3A = tpu.concatenate %get3A_16, %get3A_16, %get3A_16, %get3A_16, %get3A_16, %get3A_16, %get3A_16, %get3A_16, %get3A_16, %get3A_16, %get3A_16, %get3A_16 in 1 : vector<256x56xf32>, vector<256x56xf32>, vector<256x56xf32>, vector<256x56xf32>, vector<256x56xf32>, vector<256x56xf32>, vector<256x56xf32>, vector<256x56xf32>, vector<256x56xf32>, vector<256x56xf32>, vector<256x56xf32>, vector<256x56xf32> -> vector<256x672xf32>
    %get3A_17 = arith.constant 0 : index
    %get3A_18 = arith.constant 0 : index
    %get3A_19 = vector.load %arg13[%get3A_17, %get3A_18] : memref<256x56xf32, #tpu.memory_space<vmem>>, vector<256x56xf32>
    %tile3A_20 = tpu.concatenate %get3A_19, %get3A_19, %get3A_19, %get3A_19, %get3A_19, %get3A_19, %get3A_19, %get3A_19, %get3A_19, %get3A_19, %get3A_19, %get3A_19 in 1 : vector<256x56xf32>, vector<256x56xf32>, vector<256x56xf32>, vector<256x56xf32>, vector<256x56xf32>, vector<256x56xf32>, vector<256x56xf32>, vector<256x56xf32>, vector<256x56xf32>, vector<256x56xf32>, vector<256x56xf32>, vector<256x56xf32> -> vector<256x672xf32>
    %get3A_21 = arith.constant 0 : index
    %get3A_22 = arith.constant 0 : index
    %get3A_23 = vector.load %arg12[%get3A_21, %get3A_22] : memref<256x56xf32, #tpu.memory_space<vmem>>, vector<256x56xf32>
    %tile3A_24 = tpu.concatenate %get3A_23, %get3A_23, %get3A_23, %get3A_23 in 1 : vector<256x56xf32>, vector<256x56xf32>, vector<256x56xf32>, vector<256x56xf32> -> vector<256x224xf32>
    %get3A_25 = arith.constant 0 : index
    %get3A_26 = arith.constant 0 : index
    %get3A_27 = vector.load %arg13[%get3A_25, %get3A_26] : memref<256x56xf32, #tpu.memory_space<vmem>>, vector<256x56xf32>
    %tile3A_28 = tpu.concatenate %get3A_27, %get3A_27, %get3A_27, %get3A_27 in 1 : vector<256x56xf32>, vector<256x56xf32>, vector<256x56xf32>, vector<256x56xf32> -> vector<256x224xf32>
    %get3A_29 = arith.constant 0 : index
    %get3A_30 = arith.constant 0 : index
    %get3A_31 = vector.load %arg3[%get3A_29, %get3A_30] : memref<672x672xf32, #tpu.memory_space<vmem>>, vector<672x672xf32>
    %dot_general3A = arith.constant dense<0.000000e+00> : vector<256x672xf32>
    %dot_general3A_32 = tpu.matmul %mul3A_13, %get3A_31, %dot_general3A {dimension_numbers = #tpu.dot_dimension_numbers<[1], [0], [0], [1], [0, 0, 1, 1], [], []>, transpose_lhs_hint = false} : vector<256x672xf32>, vector<672x672xf32>, vector<256x672xf32> -> vector<256x672xf32>
    %get3A_33 = arith.constant 0 : index
    %get3A_34 = arith.constant 0 : index
    %get3A_35 = vector.load %arg8[%get3A_33, %get3A_34] : memref<672x12xf32, #tpu.memory_space<vmem>>, vector<672x12xf32>
    %get3A_36 = arith.constant 0 : index
    %get3A_37 = arith.constant 0 : index
    %get3A_38 = vector.load %arg9[%get3A_36, %get3A_37] : memref<12x672xf32, #tpu.memory_space<vmem>>, vector<12x672xf32>
    %get3A_39 = arith.constant 0 : index
    %get3A_40 = arith.constant 0 : index
    %get3A_41 = vector.load %arg6[%get3A_39, %get3A_40] : memref<1x672xf32, #tpu.memory_space<vmem>>, vector<1x672xf32>
    %mul3A_42 = arith.mulf %dot_general3A_32, %dot_general3A_32 : vector<256x672xf32>
    %dot_general3A_43 = arith.constant dense<0.000000e+00> : vector<256x12xf32>
    %dot_general3A_44 = tpu.matmul %mul3A_42, %get3A_35, %dot_general3A_43 {dimension_numbers = #tpu.dot_dimension_numbers<[1], [0], [0], [1], [0, 0, 1, 1], [], []>, transpose_lhs_hint = false} : vector<256x672xf32>, vector<672x12xf32>, vector<256x12xf32> -> vector<256x12xf32>
    %mul3A_45 = arith.constant 0.0178571437 : f32
    %mul3A_46 = vector.broadcast %mul3A_45 : f32 to vector<256x12xf32>
    %mul3A_47 = arith.mulf %dot_general3A_44, %mul3A_46 : vector<256x12xf32>
    %add3A_48 = arith.constant 9.99999974E-6 : f32
    %add3A_49 = vector.broadcast %add3A_48 : f32 to vector<256x12xf32>
    %add3A_50 = arith.addf %mul3A_47, %add3A_49 : vector<256x12xf32>
    %rsqrt3A_51 = math.rsqrt %add3A_50 : vector<256x12xf32>
    %dot_general3A_52 = arith.constant dense<0.000000e+00> : vector<256x672xf32>
    %dot_general3A_53 = tpu.matmul %rsqrt3A_51, %get3A_38, %dot_general3A_52 {dimension_numbers = #tpu.dot_dimension_numbers<[1], [0], [0], [1], [0, 0, 1, 1], [], []>, transpose_lhs_hint = false} : vector<256x12xf32>, vector<12x672xf32>, vector<256x672xf32> -> vector<256x672xf32>
    %mul3A_54 = arith.mulf %dot_general3A_32, %dot_general3A_53 : vector<256x672xf32>
    %mul3A_55 = vector.broadcast %get3A_41 : vector<1x672xf32> to vector<256x672xf32>
    %mul3A_56 = arith.mulf %mul3A_54, %mul3A_55 : vector<256x672xf32>
    %mul3A_57 = arith.mulf %mul3A_56, %tile3A : vector<256x672xf32>
    %broadcast_in_dim3A_58 = arith.constant 0.000000e+00 : f32
    %broadcast_in_dim3A_59 = vector.broadcast %broadcast_in_dim3A_58 : f32 to vector<256x28xf32>
    %slice3A = vector.extract_strided_slice %mul3A_56 {offsets = [0, 28], sizes = [256, 644], strides = [1, 1]} : vector<256x672xf32> to vector<256x644xf32>
    %concatenate3A = tpu.concatenate %slice3A, %broadcast_in_dim3A_59 in 1 : vector<256x644xf32>, vector<256x28xf32> -> vector<256x672xf32>
    %slice3A_60 = vector.extract_strided_slice %mul3A_56 {offsets = [0, 0], sizes = [256, 644], strides = [1, 1]} : vector<256x672xf32> to vector<256x644xf32>
    %concatenate3A_61 = tpu.concatenate %broadcast_in_dim3A_59, %slice3A_60 in 1 : vector<256x28xf32>, vector<256x644xf32> -> vector<256x672xf32>
    %iota3A = tpu.iota {dimensions = array<i32: 1>} : vector<256x672xi32>
    %jit3A = arith.constant 56 : i32
    %eq3A = arith.constant 0 : i32
    %eq3A_62 = arith.cmpi eq, %jit3A, %eq3A : i32
    %jit3A_63 = arith.constant 1 : i32
    %select_n3A = arith.select %eq3A_62, %jit3A_63, %jit3A : i32
    %rem3A = vector.broadcast %select_n3A : i32 to vector<256x672xi32>
    %rem3A_64 = arith.remsi %iota3A, %rem3A : vector<256x672xi32>
    %ne3A = arith.constant 0 : i32
    %ne3A_65 = vector.broadcast %ne3A : i32 to vector<256x672xi32>
    %ne3A_66 = arith.cmpi ne, %rem3A_64, %ne3A_65 : vector<256x672xi32>
    %lt3A = arith.constant 0 : i32
    %lt3A_67 = vector.broadcast %lt3A : i32 to vector<256x672xi32>
    %lt3A_68 = arith.cmpi slt, %rem3A_64, %lt3A_67 : vector<256x672xi32>
    %lt3A_69 = arith.constant 0 : i32
    %lt3A_70 = arith.cmpi slt, %select_n3A, %lt3A_69 : i32
    %ne3A_71 = vector.broadcast %lt3A_70 : i1 to vector<256x672xi1>
    %ne3A_72 = vector.broadcast %ne3A_71 : vector<256x672xi1> to vector<256x672xi1>
    %ne3A_73 = arith.xori %lt3A_68, %ne3A_72 : vector<256x672xi1>
    %and3A = arith.andi %ne3A_73, %ne3A_66 : vector<256x672xi1>
    %add3A_74 = vector.broadcast %select_n3A : i32 to vector<256x672xi32>
    %add3A_75 = arith.addi %rem3A_64, %add3A_74 : vector<256x672xi32>
    %select_n3A_76 = arith.select %and3A, %add3A_75, %rem3A_64 : vector<256x672xi1>, vector<256x672xi32>
    %lt3A_77 = arith.constant 28 : i32
    %lt3A_78 = vector.broadcast %lt3A_77 : i32 to vector<256x672xi32>
    %lt3A_79 = arith.cmpi slt, %select_n3A_76, %lt3A_78 : vector<256x672xi32>
    %select_n3A_80 = arith.select %lt3A_79, %concatenate3A, %concatenate3A_61 : vector<256x672xi1>, vector<256x672xf32>
    %mul3A_81 = arith.mulf %select_n3A_80, %tile3A_20 : vector<256x672xf32>
    %add3A_82 = arith.addf %mul3A_57, %mul3A_81 : vector<256x672xf32>
    %convert_element_type3A = arith.truncf %add3A_82 : vector<256x672xf32> to vector<256x672xbf16>
    %slice3A_83 = vector.extract_strided_slice %convert_element_type3A {offsets = [0, 0], sizes = [256, 56], strides = [1, 1]} : vector<256x672xbf16> to vector<256x56xbf16>
    %swap3A = arith.constant 0 : index
    %swap3A_84 = arith.constant 0 : index
    %swap3A_85 = arith.constant 0 : index
    %swap3A_86 = vector.load %arg14[%swap3A, %swap3A_84, %swap3A_85] : memref<12x256x56xbf16, #tpu.memory_space<vmem>>, vector<1x256x56xbf16>
    %swap3A_87 = vector.shape_cast %swap3A_86 : vector<1x256x56xbf16> to vector<256x56xbf16>
    %swap3A_88 = vector.shape_cast %slice3A_83 : vector<256x56xbf16> to vector<1x256x56xbf16>
    tpu.vector_store %arg14[%swap3A, %swap3A_84, %swap3A_85], %swap3A_88 {strides = array<i32>} : memref<12x256x56xbf16, #tpu.memory_space<vmem>>, vector<1x256x56xbf16>,
    %slice3A_89 = vector.extract_strided_slice %convert_element_type3A {offsets = [0, 56], sizes = [256, 56], strides = [1, 1]} : vector<256x672xbf16> to vector<256x56xbf16>
    %swap3A_90 = arith.constant 1 : index
    %swap3A_91 = arith.constant 0 : index
    %swap3A_92 = arith.constant 0 : index
    %swap3A_93 = vector.load %arg14[%swap3A_90, %swap3A_91, %swap3A_92] : memref<12x256x56xbf16, #tpu.memory_space<vmem>>, vector<1x256x56xbf16>
    %swap3A_94 = vector.shape_cast %swap3A_93 : vector<1x256x56xbf16> to vector<256x56xbf16>
    %swap3A_95 = vector.shape_cast %slice3A_89 : vector<256x56xbf16> to vector<1x256x56xbf16>
    tpu.vector_store %arg14[%swap3A_90, %swap3A_91, %swap3A_92], %swap3A_95 {strides = array<i32>} : memref<12x256x56xbf16, #tpu.memory_space<vmem>>, vector<1x256x56xbf16>,
    %slice3A_96 = vector.extract_strided_slice %convert_element_type3A {offsets = [0, 112], sizes = [256, 56], strides = [1, 1]} : vector<256x672xbf16> to vector<256x56xbf16>
    %swap3A_97 = arith.constant 2 : index
    %swap3A_98 = arith.constant 0 : index
    %swap3A_99 = arith.constant 0 : index
    %swap3A_100 = vector.load %arg14[%swap3A_97, %swap3A_98, %swap3A_99] : memref<12x256x56xbf16, #tpu.memory_space<vmem>>, vector<1x256x56xbf16>
    %swap3A_101 = vector.shape_cast %swap3A_100 : vector<1x256x56xbf16> to vector<256x56xbf16>
    %swap3A_102 = vector.shape_cast %slice3A_96 : vector<256x56xbf16> to vector<1x256x56xbf16>
    tpu.vector_store %arg14[%swap3A_97, %swap3A_98, %swap3A_99], %swap3A_102 {strides = array<i32>} : memref<12x256x56xbf16, #tpu.memory_space<vmem>>, vector<1x256x56xbf16>,
    %slice3A_103 = vector.extract_strided_slice %convert_element_type3A {offsets = [0, 168], sizes = [256, 56], strides = [1, 1]} : vector<256x672xbf16> to vector<256x56xbf16>
    %swap3A_104 = arith.constant 3 : index
    %swap3A_105 = arith.constant 0 : index
    %swap3A_106 = arith.constant 0 : index
    %swap3A_107 = vector.load %arg14[%swap3A_104, %swap3A_105, %swap3A_106] : memref<12x256x56xbf16, #tpu.memory_space<vmem>>, vector<1x256x56xbf16>
    %swap3A_108 = vector.shape_cast %swap3A_107 : vector<1x256x56xbf16> to vector<256x56xbf16>
    %swap3A_109 = vector.shape_cast %slice3A_103 : vector<256x56xbf16> to vector<1x256x56xbf16>
    tpu.vector_store %arg14[%swap3A_104, %swap3A_105, %swap3A_106], %swap3A_109 {strides = array<i32>} : memref<12x256x56xbf16, #tpu.memory_space<vmem>>, vector<1x256x56xbf16>,
    %slice3A_110 = vector.extract_strided_slice %convert_element_type3A {offsets = [0, 224], sizes = [256, 56], strides = [1, 1]} : vector<256x672xbf16> to vector<256x56xbf16>
    %swap3A_111 = arith.constant 4 : index
    %swap3A_112 = arith.constant 0 : index
    %swap3A_113 = arith.constant 0 : index
    %swap3A_114 = vector.load %arg14[%swap3A_111, %swap3A_112, %swap3A_113] : memref<12x256x56xbf16, #tpu.memory_space<vmem>>, vector<1x256x56xbf16>
    %swap3A_115 = vector.shape_cast %swap3A_114 : vector<1x256x56xbf16> to vector<256x56xbf16>
    %swap3A_116 = vector.shape_cast %slice3A_110 : vector<256x56xbf16> to vector<1x256x56xbf16>
    tpu.vector_store %arg14[%swap3A_111, %swap3A_112, %swap3A_113], %swap3A_116 {strides = array<i32>} : memref<12x256x56xbf16, #tpu.memory_space<vmem>>, vector<1x256x56xbf16>,
    %slice3A_117 = vector.extract_strided_slice %convert_element_type3A {offsets = [0, 280], sizes = [256, 56], strides = [1, 1]} : vector<256x672xbf16> to vector<256x56xbf16>
    %swap3A_118 = arith.constant 5 : index
    %swap3A_119 = arith.constant 0 : index
    %swap3A_120 = arith.constant 0 : index
    %swap3A_121 = vector.load %arg14[%swap3A_118, %swap3A_119, %swap3A_120] : memref<12x256x56xbf16, #tpu.memory_space<vmem>>, vector<1x256x56xbf16>
    %swap3A_122 = vector.shape_cast %swap3A_121 : vector<1x256x56xbf16> to vector<256x56xbf16>
    %swap3A_123 = vector.shape_cast %slice3A_117 : vector<256x56xbf16> to vector<1x256x56xbf16>
    tpu.vector_store %arg14[%swap3A_118, %swap3A_119, %swap3A_120], %swap3A_123 {strides = array<i32>} : memref<12x256x56xbf16, #tpu.memory_space<vmem>>, vector<1x256x56xbf16>,
    %slice3A_124 = vector.extract_strided_slice %convert_element_type3A {offsets = [0, 336], sizes = [256, 56], strides = [1, 1]} : vector<256x672xbf16> to vector<256x56xbf16>
    %swap3A_125 = arith.constant 6 : index
    %swap3A_126 = arith.constant 0 : index
    %swap3A_127 = arith.constant 0 : index
    %swap3A_128 = vector.load %arg14[%swap3A_125, %swap3A_126, %swap3A_127] : memref<12x256x56xbf16, #tpu.memory_space<vmem>>, vector<1x256x56xbf16>
    %swap3A_129 = vector.shape_cast %swap3A_128 : vector<1x256x56xbf16> to vector<256x56xbf16>
    %swap3A_130 = vector.shape_cast %slice3A_124 : vector<256x56xbf16> to vector<1x256x56xbf16>
    tpu.vector_store %arg14[%swap3A_125, %swap3A_126, %swap3A_127], %swap3A_130 {strides = array<i32>} : memref<12x256x56xbf16, #tpu.memory_space<vmem>>, vector<1x256x56xbf16>,
    %slice3A_131 = vector.extract_strided_slice %convert_element_type3A {offsets = [0, 392], sizes = [256, 56], strides = [1, 1]} : vector<256x672xbf16> to vector<256x56xbf16>
    %swap3A_132 = arith.constant 7 : index
    %swap3A_133 = arith.constant 0 : index
    %swap3A_134 = arith.constant 0 : index
    %swap3A_135 = vector.load %arg14[%swap3A_132, %swap3A_133, %swap3A_134] : memref<12x256x56xbf16, #tpu.memory_space<vmem>>, vector<1x256x56xbf16>
    %swap3A_136 = vector.shape_cast %swap3A_135 : vector<1x256x56xbf16> to vector<256x56xbf16>
    %swap3A_137 = vector.shape_cast %slice3A_131 : vector<256x56xbf16> to vector<1x256x56xbf16>
    tpu.vector_store %arg14[%swap3A_132, %swap3A_133, %swap3A_134], %swap3A_137 {strides = array<i32>} : memref<12x256x56xbf16, #tpu.memory_space<vmem>>, vector<1x256x56xbf16>,
    %slice3A_138 = vector.extract_strided_slice %convert_element_type3A {offsets = [0, 448], sizes = [256, 56], strides = [1, 1]} : vector<256x672xbf16> to vector<256x56xbf16>
    %swap3A_139 = arith.constant 8 : index
    %swap3A_140 = arith.constant 0 : index
    %swap3A_141 = arith.constant 0 : index
    %swap3A_142 = vector.load %arg14[%swap3A_139, %swap3A_140, %swap3A_141] : memref<12x256x56xbf16, #tpu.memory_space<vmem>>, vector<1x256x56xbf16>
    %swap3A_143 = vector.shape_cast %swap3A_142 : vector<1x256x56xbf16> to vector<256x56xbf16>
    %swap3A_144 = vector.shape_cast %slice3A_138 : vector<256x56xbf16> to vector<1x256x56xbf16>
    tpu.vector_store %arg14[%swap3A_139, %swap3A_140, %swap3A_141], %swap3A_144 {strides = array<i32>} : memref<12x256x56xbf16, #tpu.memory_space<vmem>>, vector<1x256x56xbf16>,
    %slice3A_145 = vector.extract_strided_slice %convert_element_type3A {offsets = [0, 504], sizes = [256, 56], strides = [1, 1]} : vector<256x672xbf16> to vector<256x56xbf16>
    %swap3A_146 = arith.constant 9 : index
    %swap3A_147 = arith.constant 0 : index
    %swap3A_148 = arith.constant 0 : index
    %swap3A_149 = vector.load %arg14[%swap3A_146, %swap3A_147, %swap3A_148] : memref<12x256x56xbf16, #tpu.memory_space<vmem>>, vector<1x256x56xbf16>
    %swap3A_150 = vector.shape_cast %swap3A_149 : vector<1x256x56xbf16> to vector<256x56xbf16>
    %swap3A_151 = vector.shape_cast %slice3A_145 : vector<256x56xbf16> to vector<1x256x56xbf16>
    tpu.vector_store %arg14[%swap3A_146, %swap3A_147, %swap3A_148], %swap3A_151 {strides = array<i32>} : memref<12x256x56xbf16, #tpu.memory_space<vmem>>, vector<1x256x56xbf16>,
    %slice3A_152 = vector.extract_strided_slice %convert_element_type3A {offsets = [0, 560], sizes = [256, 56], strides = [1, 1]} : vector<256x672xbf16> to vector<256x56xbf16>
    %swap3A_153 = arith.constant 10 : index
    %swap3A_154 = arith.constant 0 : index
    %swap3A_155 = arith.constant 0 : index
    %swap3A_156 = vector.load %arg14[%swap3A_153, %swap3A_154, %swap3A_155] : memref<12x256x56xbf16, #tpu.memory_space<vmem>>, vector<1x256x56xbf16>
    %swap3A_157 = vector.shape_cast %swap3A_156 : vector<1x256x56xbf16> to vector<256x56xbf16>
    %swap3A_158 = vector.shape_cast %slice3A_152 : vector<256x56xbf16> to vector<1x256x56xbf16>
    tpu.vector_store %arg14[%swap3A_153, %swap3A_154, %swap3A_155], %swap3A_158 {strides = array<i32>} : memref<12x256x56xbf16, #tpu.memory_space<vmem>>, vector<1x256x56xbf16>,
    %slice3A_159 = vector.extract_strided_slice %convert_element_type3A {offsets = [0, 616], sizes = [256, 56], strides = [1, 1]} : vector<256x672xbf16> to vector<256x56xbf16>
    %swap3A_160 = arith.constant 11 : index
    %swap3A_161 = arith.constant 0 : index
    %swap3A_162 = arith.constant 0 : index
    %swap3A_163 = vector.load %arg14[%swap3A_160, %swap3A_161, %swap3A_162] : memref<12x256x56xbf16, #tpu.memory_space<vmem>>, vector<1x256x56xbf16>
    %swap3A_164 = vector.shape_cast %swap3A_163 : vector<1x256x56xbf16> to vector<256x56xbf16>
    %swap3A_165 = vector.shape_cast %slice3A_159 : vector<256x56xbf16> to vector<1x256x56xbf16>
    tpu.vector_store %arg14[%swap3A_160, %swap3A_161, %swap3A_162], %swap3A_165 {strides = array<i32>} : memref<12x256x56xbf16, #tpu.memory_space<vmem>>, vector<1x256x56xbf16>,
    %get3A_166 = arith.constant 0 : index
    %get3A_167 = arith.constant 0 : index
    %get3A_168 = vector.load %arg4[%get3A_166, %get3A_167] : memref<672x224xf32, #tpu.memory_space<vmem>>, vector<672x224xf32>
    %dot_general3A_169 = arith.constant dense<0.000000e+00> : vector<256x224xf32>
    %dot_general3A_170 = tpu.matmul %mul3A_13, %get3A_168, %dot_general3A_169 {dimension_numbers = #tpu.dot_dimension_numbers<[1], [0], [0], [1], [0, 0, 1, 1], [], []>, transpose_lhs_hint = false} : vector<256x672xf32>, vector<672x224xf32>, vector<256x224xf32> -> vector<256x224xf32>
    %get3A_171 = arith.constant 0 : index
    %get3A_172 = arith.constant 0 : index
    %get3A_173 = vector.load %arg10[%get3A_171, %get3A_172] : memref<224x4xf32, #tpu.memory_space<vmem>>, vector<224x4xf32>
    %get3A_174 = arith.constant 0 : index
    %get3A_175 = arith.constant 0 : index
    %get3A_176 = vector.load %arg11[%get3A_174, %get3A_175] : memref<4x224xf32, #tpu.memory_space<vmem>>, vector<4x224xf32>
    %get3A_177 = arith.constant 0 : index
    %get3A_178 = arith.constant 0 : index
    %get3A_179 = vector.load %arg7[%get3A_177, %get3A_178] : memref<1x224xf32, #tpu.memory_space<vmem>>, vector<1x224xf32>
    %mul3A_180 = arith.mulf %dot_general3A_170, %dot_general3A_170 : vector<256x224xf32>
    %dot_general3A_181 = arith.constant dense<0.000000e+00> : vector<256x4xf32>
    %dot_general3A_182 = tpu.matmul %mul3A_180, %get3A_173, %dot_general3A_181 {dimension_numbers = #tpu.dot_dimension_numbers<[1], [0], [0], [1], [0, 0, 1, 1], [], []>, transpose_lhs_hint = false} : vector<256x224xf32>, vector<224x4xf32>, vector<256x4xf32> -> vector<256x4xf32>
    %mul3A_183 = arith.constant 0.0178571437 : f32
    %mul3A_184 = vector.broadcast %mul3A_183 : f32 to vector<256x4xf32>
    %mul3A_185 = arith.mulf %dot_general3A_182, %mul3A_184 : vector<256x4xf32>
    %add3A_186 = arith.constant 9.99999974E-6 : f32
    %add3A_187 = vector.broadcast %add3A_186 : f32 to vector<256x4xf32>
    %add3A_188 = arith.addf %mul3A_185, %add3A_187 : vector<256x4xf32>
    %rsqrt3A_189 = math.rsqrt %add3A_188 : vector<256x4xf32>
    %dot_general3A_190 = arith.constant dense<0.000000e+00> : vector<256x224xf32>
    %dot_general3A_191 = tpu.matmul %rsqrt3A_189, %get3A_176, %dot_general3A_190 {dimension_numbers = #tpu.dot_dimension_numbers<[1], [0], [0], [1], [0, 0, 1, 1], [], []>, transpose_lhs_hint = false} : vector<256x4xf32>, vector<4x224xf32>, vector<256x224xf32> -> vector<256x224xf32>
    %mul3A_192 = arith.mulf %dot_general3A_170, %dot_general3A_191 : vector<256x224xf32>
    %mul3A_193 = vector.broadcast %get3A_179 : vector<1x224xf32> to vector<256x224xf32>
    %mul3A_194 = arith.mulf %mul3A_192, %mul3A_193 : vector<256x224xf32>
    %mul3A_195 = arith.mulf %mul3A_194, %tile3A_24 : vector<256x224xf32>
    %broadcast_in_dim3A_196 = arith.constant 0.000000e+00 : f32
    %broadcast_in_dim3A_197 = vector.broadcast %broadcast_in_dim3A_196 : f32 to vector<256x28xf32>
    %slice3A_198 = vector.extract_strided_slice %mul3A_194 {offsets = [0, 28], sizes = [256, 196], strides = [1, 1]} : vector<256x224xf32> to vector<256x196xf32>
    %concatenate3A_199 = tpu.concatenate %slice3A_198, %broadcast_in_dim3A_197 in 1 : vector<256x196xf32>, vector<256x28xf32> -> vector<256x224xf32>
    %slice3A_200 = vector.extract_strided_slice %mul3A_194 {offsets = [0, 0], sizes = [256, 196], strides = [1, 1]} : vector<256x224xf32> to vector<256x196xf32>
    %concatenate3A_201 = tpu.concatenate %broadcast_in_dim3A_197, %slice3A_200 in 1 : vector<256x28xf32>, vector<256x196xf32> -> vector<256x224xf32>
    %iota3A_202 = tpu.iota {dimensions = array<i32: 1>} : vector<256x224xi32>
    %jit3A_203 = arith.constant 56 : i32
    %eq3A_204 = arith.constant 0 : i32
    %eq3A_205 = arith.cmpi eq, %jit3A_203, %eq3A_204 : i32
    %jit3A_206 = arith.constant 1 : i32
    %select_n3A_207 = arith.select %eq3A_205, %jit3A_206, %jit3A_203 : i32
    %rem3A_208 = vector.broadcast %select_n3A_207 : i32 to vector<256x224xi32>
    %rem3A_209 = arith.remsi %iota3A_202, %rem3A_208 : vector<256x224xi32>
    %ne3A_210 = arith.constant 0 : i32
    %ne3A_211 = vector.broadcast %ne3A_210 : i32 to vector<256x224xi32>
    %ne3A_212 = arith.cmpi ne, %rem3A_209, %ne3A_211 : vector<256x224xi32>
    %lt3A_213 = arith.constant 0 : i32
    %lt3A_214 = vector.broadcast %lt3A_213 : i32 to vector<256x224xi32>
    %lt3A_215 = arith.cmpi slt, %rem3A_209, %lt3A_214 : vector<256x224xi32>
    %lt3A_216 = arith.constant 0 : i32
    %lt3A_217 = arith.cmpi slt, %select_n3A_207, %lt3A_216 : i32
    %ne3A_218 = vector.broadcast %lt3A_217 : i1 to vector<256x224xi1>
    %ne3A_219 = vector.broadcast %ne3A_218 : vector<256x224xi1> to vector<256x224xi1>
    %ne3A_220 = arith.xori %lt3A_215, %ne3A_219 : vector<256x224xi1>
    %and3A_221 = arith.andi %ne3A_220, %ne3A_212 : vector<256x224xi1>
    %add3A_222 = vector.broadcast %select_n3A_207 : i32 to vector<256x224xi32>
    %add3A_223 = arith.addi %rem3A_209, %add3A_222 : vector<256x224xi32>
    %select_n3A_224 = arith.select %and3A_221, %add3A_223, %rem3A_209 : vector<256x224xi1>, vector<256x224xi32>
    %lt3A_225 = arith.constant 28 : i32
    %lt3A_226 = vector.broadcast %lt3A_225 : i32 to vector<256x224xi32>
    %lt3A_227 = arith.cmpi slt, %select_n3A_224, %lt3A_226 : vector<256x224xi32>
    %select_n3A_228 = arith.select %lt3A_227, %concatenate3A_199, %concatenate3A_201 : vector<256x224xi1>, vector<256x224xf32>
    %mul3A_229 = arith.mulf %select_n3A_228, %tile3A_28 : vector<256x224xf32>
    %add3A_230 = arith.addf %mul3A_195, %mul3A_229 : vector<256x224xf32>
    %convert_element_type3A_231 = arith.truncf %add3A_230 : vector<256x224xf32> to vector<256x224xbf16>
    %get3A_232 = arith.constant 0 : index
    %get3A_233 = arith.constant 0 : index
    %get3A_234 = vector.load %arg5[%get3A_232, %get3A_233] : memref<672x224xf32, #tpu.memory_space<vmem>>, vector<672x224xf32>
    %dot_general3A_235 = arith.constant dense<0.000000e+00> : vector<256x224xf32>
    %dot_general3A_236 = tpu.matmul %mul3A_13, %get3A_234, %dot_general3A_235 {dimension_numbers = #tpu.dot_dimension_numbers<[1], [0], [0], [1], [0, 0, 1, 1], [], []>, transpose_lhs_hint = false} : vector<256x672xf32>, vector<672x224xf32>, vector<256x224xf32> -> vector<256x224xf32>
    %convert_element_type3A_237 = arith.truncf %dot_general3A_236 : vector<256x224xf32> to vector<256x224xbf16>
    %slice3A_238 = vector.extract_strided_slice %convert_element_type3A_231 {offsets = [0, 0], sizes = [256, 56], strides = [1, 1]} : vector<256x224xbf16> to vector<256x56xbf16>
    %swap3A_239 = arith.constant 0 : index
    %swap3A_240 = arith.constant 0 : index
    %swap3A_241 = arith.constant 0 : index
    %swap3A_242 = vector.load %arg15[%swap3A_239, %swap3A_240, %swap3A_241] : memref<4x256x56xbf16, #tpu.memory_space<vmem>>, vector<1x256x56xbf16>
    %swap3A_243 = vector.shape_cast %swap3A_242 : vector<1x256x56xbf16> to vector<256x56xbf16>
    %swap3A_244 = vector.shape_cast %slice3A_238 : vector<256x56xbf16> to vector<1x256x56xbf16>
    tpu.vector_store %arg15[%swap3A_239, %swap3A_240, %swap3A_241], %swap3A_244 {strides = array<i32>} : memref<4x256x56xbf16, #tpu.memory_space<vmem>>, vector<1x256x56xbf16>,
    %slice3A_245 = vector.extract_strided_slice %convert_element_type3A_237 {offsets = [0, 0], sizes = [256, 56], strides = [1, 1]} : vector<256x224xbf16> to vector<256x56xbf16>
    %swap3A_246 = arith.constant 0 : index
    %swap3A_247 = arith.constant 0 : index
    %swap3A_248 = arith.constant 0 : index
    %swap3A_249 = vector.load %arg16[%swap3A_246, %swap3A_247, %swap3A_248] : memref<4x256x56xbf16, #tpu.memory_space<vmem>>, vector<1x256x56xbf16>
    %swap3A_250 = vector.shape_cast %swap3A_249 : vector<1x256x56xbf16> to vector<256x56xbf16>
    %swap3A_251 = vector.shape_cast %slice3A_245 : vector<256x56xbf16> to vector<1x256x56xbf16>
    tpu.vector_store %arg16[%swap3A_246, %swap3A_247, %swap3A_248], %swap3A_251 {strides = array<i32>} : memref<4x256x56xbf16, #tpu.memory_space<vmem>>, vector<1x256x56xbf16>,
    %slice3A_252 = vector.extract_strided_slice %convert_element_type3A_231 {offsets = [0, 56], sizes = [256, 56], strides = [1, 1]} : vector<256x224xbf16> to vector<256x56xbf16>
    %swap3A_253 = arith.constant 1 : index
    %swap3A_254 = arith.constant 0 : index
    %swap3A_255 = arith.constant 0 : index
    %swap3A_256 = vector.load %arg15[%swap3A_253, %swap3A_254, %swap3A_255] : memref<4x256x56xbf16, #tpu.memory_space<vmem>>, vector<1x256x56xbf16>
    %swap3A_257 = vector.shape_cast %swap3A_256 : vector<1x256x56xbf16> to vector<256x56xbf16>
    %swap3A_258 = vector.shape_cast %slice3A_252 : vector<256x56xbf16> to vector<1x256x56xbf16>
    tpu.vector_store %arg15[%swap3A_253, %swap3A_254, %swap3A_255], %swap3A_258 {strides = array<i32>} : memref<4x256x56xbf16, #tpu.memory_space<vmem>>, vector<1x256x56xbf16>,
    %slice3A_259 = vector.extract_strided_slice %convert_element_type3A_237 {offsets = [0, 56], sizes = [256, 56], strides = [1, 1]} : vector<256x224xbf16> to vector<256x56xbf16>
    %swap3A_260 = arith.constant 1 : index
    %swap3A_261 = arith.constant 0 : index
    %swap3A_262 = arith.constant 0 : index
    %swap3A_263 = vector.load %arg16[%swap3A_260, %swap3A_261, %swap3A_262] : memref<4x256x56xbf16, #tpu.memory_space<vmem>>, vector<1x256x56xbf16>
    %swap3A_264 = vector.shape_cast %swap3A_263 : vector<1x256x56xbf16> to vector<256x56xbf16>
    %swap3A_265 = vector.shape_cast %slice3A_259 : vector<256x56xbf16> to vector<1x256x56xbf16>
    tpu.vector_store %arg16[%swap3A_260, %swap3A_261, %swap3A_262], %swap3A_265 {strides = array<i32>} : memref<4x256x56xbf16, #tpu.memory_space<vmem>>, vector<1x256x56xbf16>,
    %slice3A_266 = vector.extract_strided_slice %convert_element_type3A_231 {offsets = [0, 112], sizes = [256, 56], strides = [1, 1]} : vector<256x224xbf16> to vector<256x56xbf16>
    %swap3A_267 = arith.constant 2 : index
    %swap3A_268 = arith.constant 0 : index
    %swap3A_269 = arith.constant 0 : index
    %swap3A_270 = vector.load %arg15[%swap3A_267, %swap3A_268, %swap3A_269] : memref<4x256x56xbf16, #tpu.memory_space<vmem>>, vector<1x256x56xbf16>
    %swap3A_271 = vector.shape_cast %swap3A_270 : vector<1x256x56xbf16> to vector<256x56xbf16>
    %swap3A_272 = vector.shape_cast %slice3A_266 : vector<256x56xbf16> to vector<1x256x56xbf16>
    tpu.vector_store %arg15[%swap3A_267, %swap3A_268, %swap3A_269], %swap3A_272 {strides = array<i32>} : memref<4x256x56xbf16, #tpu.memory_space<vmem>>, vector<1x256x56xbf16>,
    %slice3A_273 = vector.extract_strided_slice %convert_element_type3A_237 {offsets = [0, 112], sizes = [256, 56], strides = [1, 1]} : vector<256x224xbf16> to vector<256x56xbf16>
    %swap3A_274 = arith.constant 2 : index
    %swap3A_275 = arith.constant 0 : index
    %swap3A_276 = arith.constant 0 : index
    %swap3A_277 = vector.load %arg16[%swap3A_274, %swap3A_275, %swap3A_276] : memref<4x256x56xbf16, #tpu.memory_space<vmem>>, vector<1x256x56xbf16>
    %swap3A_278 = vector.shape_cast %swap3A_277 : vector<1x256x56xbf16> to vector<256x56xbf16>
    %swap3A_279 = vector.shape_cast %slice3A_273 : vector<256x56xbf16> to vector<1x256x56xbf16>
    tpu.vector_store %arg16[%swap3A_274, %swap3A_275, %swap3A_276], %swap3A_279 {strides = array<i32>} : memref<4x256x56xbf16, #tpu.memory_space<vmem>>, vector<1x256x56xbf16>,
    %slice3A_280 = vector.extract_strided_slice %convert_element_type3A_231 {offsets = [0, 168], sizes = [256, 56], strides = [1, 1]} : vector<256x224xbf16> to vector<256x56xbf16>
    %swap3A_281 = arith.constant 3 : index
    %swap3A_282 = arith.constant 0 : index
    %swap3A_283 = arith.constant 0 : index
    %swap3A_284 = vector.load %arg15[%swap3A_281, %swap3A_282, %swap3A_283] : memref<4x256x56xbf16, #tpu.memory_space<vmem>>, vector<1x256x56xbf16>
    %swap3A_285 = vector.shape_cast %swap3A_284 : vector<1x256x56xbf16> to vector<256x56xbf16>
    %swap3A_286 = vector.shape_cast %slice3A_280 : vector<256x56xbf16> to vector<1x256x56xbf16>
    tpu.vector_store %arg15[%swap3A_281, %swap3A_282, %swap3A_283], %swap3A_286 {strides = array<i32>} : memref<4x256x56xbf16, #tpu.memory_space<vmem>>, vector<1x256x56xbf16>,
    %slice3A_287 = vector.extract_strided_slice %convert_element_type3A_237 {offsets = [0, 168], sizes = [256, 56], strides = [1, 1]} : vector<256x224xbf16> to vector<256x56xbf16>
    %swap3A_288 = arith.constant 3 : index
    %swap3A_289 = arith.constant 0 : index
    %swap3A_290 = arith.constant 0 : index
    %swap3A_291 = vector.load %arg16[%swap3A_288, %swap3A_289, %swap3A_290] : memref<4x256x56xbf16, #tpu.memory_space<vmem>>, vector<1x256x56xbf16>
    %swap3A_292 = vector.shape_cast %swap3A_291 : vector<1x256x56xbf16> to vector<256x56xbf16>
    %swap3A_293 = vector.shape_cast %slice3A_287 : vector<256x56xbf16> to vector<1x256x56xbf16>
    tpu.vector_store %arg16[%swap3A_288, %swap3A_289, %swap3A_290], %swap3A_293 {strides = array<i32>} : memref<4x256x56xbf16, #tpu.memory_space<vmem>>, vector<1x256x56xbf16>,
    return
  }
  func.func @transform_0(%arg0: i32) -> (i32, i32) {
    %c0_i32 = arith.constant 0 : i32
    %c0_i32_0 = arith.constant 0 : i32
    return %arg0, %c0_i32 : i32, i32
  }
  func.func @transform_1(%arg0: i32) -> (i32, i32) {
    %c0_i32 = arith.constant 0 : i32
    %c0_i32_0 = arith.constant 0 : i32
    %c0_i32_1 = arith.constant 0 : i32
    return %c0_i32, %c0_i32_0 : i32, i32
  }
  func.func @transform_2(%arg0: i32) -> (i32, i32) {
    %c0_i32 = arith.constant 0 : i32
    %c0_i32_0 = arith.constant 0 : i32
    %c0_i32_1 = arith.constant 0 : i32
    return %c0_i32, %c0_i32_0 : i32, i32
  }
  func.func @transform_3(%arg0: i32) -> (i32, i32) {
    %c0_i32 = arith.constant 0 : i32
    %c0_i32_0 = arith.constant 0 : i32
    %c0_i32_1 = arith.constant 0 : i32
    return %c0_i32, %c0_i32_0 : i32, i32
  }
  func.func @transform_4(%arg0: i32) -> (i32, i32) {
    %c0_i32 = arith.constant 0 : i32
    %c0_i32_0 = arith.constant 0 : i32
    %c0_i32_1 = arith.constant 0 : i32
    return %c0_i32, %c0_i32_0 : i32, i32
  }
  func.func @transform_5(%arg0: i32) -> (i32, i32) {
    %c0_i32 = arith.constant 0 : i32
    %c0_i32_0 = arith.constant 0 : i32
    %c0_i32_1 = arith.constant 0 : i32
    return %c0_i32, %c0_i32_0 : i32, i32
  }
  func.func @transform_6(%arg0: i32) -> (i32, i32) {
    %c0_i32 = arith.constant 0 : i32
    %c0_i32_0 = arith.constant 0 : i32
    %c0_i32_1 = arith.constant 0 : i32
    return %c0_i32, %c0_i32_0 : i32, i32
  }
  func.func @transform_7(%arg0: i32) -> (i32, i32) {
    %c0_i32 = arith.constant 0 : i32
    %c0_i32_0 = arith.constant 0 : i32
    %c0_i32_1 = arith.constant 0 : i32
    return %c0_i32, %c0_i32_0 : i32, i32
  }
  func.func @transform_8(%arg0: i32) -> (i32, i32) {
    %c0_i32 = arith.constant 0 : i32
    %c0_i32_0 = arith.constant 0 : i32
    %c0_i32_1 = arith.constant 0 : i32
    return %c0_i32, %c0_i32_0 : i32, i32
  }
  func.func @transform_9(%arg0: i32) -> (i32, i32) {
    %c0_i32 = arith.constant 0 : i32
    %c0_i32_0 = arith.constant 0 : i32
    %c0_i32_1 = arith.constant 0 : i32
    return %c0_i32, %c0_i32_0 : i32, i32
  }
  func.func @transform_10(%arg0: i32) -> (i32, i32) {
    %c0_i32 = arith.constant 0 : i32
    %c0_i32_0 = arith.constant 0 : i32
    %c0_i32_1 = arith.constant 0 : i32
    return %c0_i32, %c0_i32_0 : i32, i32
  }
  func.func @transform_11(%arg0: i32) -> (i32, i32) {
    %c0_i32 = arith.constant 0 : i32
    %c0_i32_0 = arith.constant 0 : i32
    return %arg0, %c0_i32 : i32, i32
  }
  func.func @transform_12(%arg0: i32) -> (i32, i32) {
    %c0_i32 = arith.constant 0 : i32
    %c0_i32_0 = arith.constant 0 : i32
    return %arg0, %c0_i32 : i32, i32
  }
  func.func @transform_13(%arg0: i32) -> (i32, i32, i32) {
    %c0_i32 = arith.constant 0 : i32
    %c0_i32_0 = arith.constant 0 : i32
    %c0_i32_1 = arith.constant 0 : i32
    return %c0_i32, %arg0, %c0_i32_0 : i32, i32, i32
  }
  func.func @transform_14(%arg0: i32) -> (i32, i32, i32) {
    %c0_i32 = arith.constant 0 : i32
    %c0_i32_0 = arith.constant 0 : i32
    %c0_i32_1 = arith.constant 0 : i32
    return %c0_i32, %arg0, %c0_i32_0 : i32, i32, i32
  }
  func.func @transform_15(%arg0: i32) -> (i32, i32, i32) {
    %c0_i32 = arith.constant 0 : i32
    %c0_i32_0 = arith.constant 0 : i32
    %c0_i32_1 = arith.constant 0 : i32
    return %c0_i32, %arg0, %c0_i32_0 : i32, i32, i32
  }
}

module attributes {stable_mosaic.version = 14 : i64} {
  func.func @_attn_body(%arg0: i32, %arg1: i32, %arg2: memref<1x512x56xbf16, #tpu.memory_space<vmem>>, %arg3: memref<1x2048x56xbf16, #tpu.memory_space<vmem>>, %arg4: memref<1x2048x56xbf16, #tpu.memory_space<vmem>>, %arg5: memref<1x512x56xf32, #tpu.memory_space<vmem>>) attributes {dimension_semantics = [#tpu.dimension_semantics<arbitrary>, #tpu.dimension_semantics<arbitrary>], iteration_bounds = array<i64: 12, 4>, scalar_prefetch = 0 : i64, scratch_operands = 0 : i64, tpu.core_type = #tpu.core_type<tc>, window_params = [{transform_indices = @transform_0, window_bounds = array<i64: 1, 512, 56>}, {transform_indices = @transform_1, window_bounds = array<i64: 1, 2048, 56>}, {transform_indices = @transform_2, window_bounds = array<i64: 1, 2048, 56>}, {transform_indices = @transform_3, window_bounds = array<i64: 1, 512, 56>}]} {
    %get3A = arith.constant 0 : index
    %get3A_0 = arith.constant 0 : index
    %get3A_1 = arith.constant 0 : index
    %get3A_2 = vector.load %arg2[%get3A, %get3A_0, %get3A_1] : memref<1x512x56xbf16, #tpu.memory_space<vmem>>, vector<1x512x56xbf16>
    %get3A_3 = vector.shape_cast %get3A_2 : vector<1x512x56xbf16> to vector<512x56xbf16>
    %convert_element_type3A = arith.extf %get3A_3 : vector<512x56xbf16> to vector<512x56xf32>
    %mul3A = arith.constant 0.133630618 : f32
    %mul3A_4 = vector.broadcast %mul3A : f32 to vector<512x56xf32>
    %mul3A_5 = arith.mulf %convert_element_type3A, %mul3A_4 : vector<512x56xf32>
    %convert_element_type3A_6 = arith.truncf %mul3A_5 : vector<512x56xf32> to vector<512x56xbf16>
    %broadcast_in_dim3A = arith.constant -1.000000e+30 : f32
    %broadcast_in_dim3A_7 = vector.broadcast %broadcast_in_dim3A : f32 to vector<512x1xf32>
    %broadcast_in_dim3A_8 = arith.constant 0.000000e+00 : f32
    %broadcast_in_dim3A_9 = vector.broadcast %broadcast_in_dim3A_8 : f32 to vector<512x1xf32>
    %broadcast_in_dim3A_10 = arith.constant 0.000000e+00 : f32
    %broadcast_in_dim3A_11 = vector.broadcast %broadcast_in_dim3A_10 : f32 to vector<512x56xf32>
    %while3A = arith.constant 0 : i32
    %while3A_12 = arith.subi %arg1, %while3A : i32
    %while3A_13 = arith.addi %while3A, %while3A_12 : i32
    %while3A_14 = arith.constant 1 : i32
    %while3A_15 = arith.divsi %while3A_12, %while3A_14 : i32
    %while3A_16 = arith.muli %while3A_15, %while3A_14 : i32
    %while3A_17 = arith.addi %while3A, %while3A_16 : i32
    %while3A_18 = arith.constant 1 : i32
    %while3A_19:3 = scf.for %while3A_59 = %while3A to %while3A_17 step %while3A_18 iter_args(%while3A_60 = %broadcast_in_dim3A_7, %while3A_61 = %broadcast_in_dim3A_9, %while3A_62 = %broadcast_in_dim3A_11) -> (vector<512x1xf32>, vector<512x1xf32>, vector<512x56xf32>)  : i32 {
      %mul3A_63 = arith.constant 512 : i32
      %mul3A_64 = arith.muli %while3A_59, %mul3A_63 : i32
      %get3A_65 = arith.constant 0 : index
      %get3A_66 = arith.index_cast %mul3A_64 : i32 to index
      %get3A_67 = arith.constant 0 : index
      %get3A_68 = vector.load %arg3[%get3A_65, %get3A_66, %get3A_67] : memref<1x2048x56xbf16, #tpu.memory_space<vmem>>, vector<1x512x56xbf16>
      %get3A_69 = vector.shape_cast %get3A_68 : vector<1x512x56xbf16> to vector<512x56xbf16>
      %mul3A_70 = arith.constant 512 : i32
      %mul3A_71 = arith.muli %while3A_59, %mul3A_70 : i32
      %get3A_72 = arith.constant 0 : index
      %get3A_73 = arith.index_cast %mul3A_71 : i32 to index
      %get3A_74 = arith.constant 0 : index
      %get3A_75 = vector.load %arg4[%get3A_72, %get3A_73, %get3A_74] : memref<1x2048x56xbf16, #tpu.memory_space<vmem>>, vector<1x512x56xbf16>
      %get3A_76 = vector.shape_cast %get3A_75 : vector<1x512x56xbf16> to vector<512x56xbf16>
      %dot_general3A_77 = arith.constant dense<0.000000e+00> : vector<512x512xf32>
      %dot_general3A_78 = tpu.matmul %convert_element_type3A_6, %get3A_69, %dot_general3A_77 {dimension_numbers = #tpu.dot_dimension_numbers<[1], [1], [0], [0], [0, 0, 1, 0], [], []>, transpose_lhs_hint = false} : vector<512x56xbf16>, vector<512x56xbf16>, vector<512x512xf32> -> vector<512x512xf32>
      %reduce_max3A_79 = arith.constant dense<0xFF800000> : vector<512xf32>
      %reduce_max3A_80 = vector.multi_reduction <maximumf>, %dot_general3A_78, %reduce_max3A_79 [1] : vector<512x512xf32> to vector<512xf32>
      %broadcast_in_dim3A_81 = vector.shape_cast %reduce_max3A_80 : vector<512xf32> to vector<512x1xf32>
      %max3A_82 = arith.maximumf %while3A_60, %broadcast_in_dim3A_81 : vector<512x1xf32>
      %sub3A_83 = vector.broadcast %max3A_82 : vector<512x1xf32> to vector<512x512xf32>
      %sub3A_84 = arith.subf %dot_general3A_78, %sub3A_83 : vector<512x512xf32>
      %exp3A_85 = math.exp %sub3A_84 : vector<512x512xf32>
      %sub3A_86 = arith.subf %while3A_60, %max3A_82 : vector<512x1xf32>
      %exp3A_87 = math.exp %sub3A_86 : vector<512x1xf32>
      %mul3A_88 = arith.mulf %while3A_61, %exp3A_87 : vector<512x1xf32>
      %reduce_sum3A_89 = arith.constant dense<0.000000e+00> : vector<512xf32>
      %reduce_sum3A_90 = vector.multi_reduction <add>, %exp3A_85, %reduce_sum3A_89 [1] : vector<512x512xf32> to vector<512xf32>
      %broadcast_in_dim3A_91 = vector.shape_cast %reduce_sum3A_90 : vector<512xf32> to vector<512x1xf32>
      %add3A_92 = arith.addf %mul3A_88, %broadcast_in_dim3A_91 : vector<512x1xf32>
      %mul3A_93 = vector.broadcast %exp3A_87 : vector<512x1xf32> to vector<512x56xf32>
      %mul3A_94 = arith.mulf %while3A_62, %mul3A_93 : vector<512x56xf32>
      %convert_element_type3A_95 = arith.truncf %exp3A_85 : vector<512x512xf32> to vector<512x512xbf16>
      %dot_general3A_96 = arith.constant dense<0.000000e+00> : vector<512x56xf32>
      %dot_general3A_97 = tpu.matmul %convert_element_type3A_95, %get3A_76, %dot_general3A_96 {dimension_numbers = #tpu.dot_dimension_numbers<[1], [0], [0], [1], [0, 0, 1, 1], [], []>, transpose_lhs_hint = false} : vector<512x512xbf16>, vector<512x56xbf16>, vector<512x56xf32> -> vector<512x56xf32>
      %add3A_98 = arith.addf %mul3A_94, %dot_general3A_97 : vector<512x56xf32>
      scf.yield %max3A_82, %add3A_92, %add3A_98 : vector<512x1xf32>, vector<512x1xf32>, vector<512x56xf32>
    }
    %while3A_20 = arith.constant 1 : i32
    %while3A_21:3 = scf.for %while3A_59 = %while3A_17 to %while3A_13 step %while3A_20 iter_args(%while3A_60 = %while3A_19#0, %while3A_61 = %while3A_19#1, %while3A_62 = %while3A_19#2) -> (vector<512x1xf32>, vector<512x1xf32>, vector<512x56xf32>)  : i32 {
      %mul3A_63 = arith.constant 512 : i32
      %mul3A_64 = arith.muli %while3A_59, %mul3A_63 : i32
      %get3A_65 = arith.constant 0 : index
      %get3A_66 = arith.index_cast %mul3A_64 : i32 to index
      %get3A_67 = arith.constant 0 : index
      %get3A_68 = vector.load %arg3[%get3A_65, %get3A_66, %get3A_67] : memref<1x2048x56xbf16, #tpu.memory_space<vmem>>, vector<1x512x56xbf16>
      %get3A_69 = vector.shape_cast %get3A_68 : vector<1x512x56xbf16> to vector<512x56xbf16>
      %mul3A_70 = arith.constant 512 : i32
      %mul3A_71 = arith.muli %while3A_59, %mul3A_70 : i32
      %get3A_72 = arith.constant 0 : index
      %get3A_73 = arith.index_cast %mul3A_71 : i32 to index
      %get3A_74 = arith.constant 0 : index
      %get3A_75 = vector.load %arg4[%get3A_72, %get3A_73, %get3A_74] : memref<1x2048x56xbf16, #tpu.memory_space<vmem>>, vector<1x512x56xbf16>
      %get3A_76 = vector.shape_cast %get3A_75 : vector<1x512x56xbf16> to vector<512x56xbf16>
      %dot_general3A_77 = arith.constant dense<0.000000e+00> : vector<512x512xf32>
      %dot_general3A_78 = tpu.matmul %convert_element_type3A_6, %get3A_69, %dot_general3A_77 {dimension_numbers = #tpu.dot_dimension_numbers<[1], [1], [0], [0], [0, 0, 1, 0], [], []>, transpose_lhs_hint = false} : vector<512x56xbf16>, vector<512x56xbf16>, vector<512x512xf32> -> vector<512x512xf32>
      %reduce_max3A_79 = arith.constant dense<0xFF800000> : vector<512xf32>
      %reduce_max3A_80 = vector.multi_reduction <maximumf>, %dot_general3A_78, %reduce_max3A_79 [1] : vector<512x512xf32> to vector<512xf32>
      %broadcast_in_dim3A_81 = vector.shape_cast %reduce_max3A_80 : vector<512xf32> to vector<512x1xf32>
      %max3A_82 = arith.maximumf %while3A_60, %broadcast_in_dim3A_81 : vector<512x1xf32>
      %sub3A_83 = vector.broadcast %max3A_82 : vector<512x1xf32> to vector<512x512xf32>
      %sub3A_84 = arith.subf %dot_general3A_78, %sub3A_83 : vector<512x512xf32>
      %exp3A_85 = math.exp %sub3A_84 : vector<512x512xf32>
      %sub3A_86 = arith.subf %while3A_60, %max3A_82 : vector<512x1xf32>
      %exp3A_87 = math.exp %sub3A_86 : vector<512x1xf32>
      %mul3A_88 = arith.mulf %while3A_61, %exp3A_87 : vector<512x1xf32>
      %reduce_sum3A_89 = arith.constant dense<0.000000e+00> : vector<512xf32>
      %reduce_sum3A_90 = vector.multi_reduction <add>, %exp3A_85, %reduce_sum3A_89 [1] : vector<512x512xf32> to vector<512xf32>
      %broadcast_in_dim3A_91 = vector.shape_cast %reduce_sum3A_90 : vector<512xf32> to vector<512x1xf32>
      %add3A_92 = arith.addf %mul3A_88, %broadcast_in_dim3A_91 : vector<512x1xf32>
      %mul3A_93 = vector.broadcast %exp3A_87 : vector<512x1xf32> to vector<512x56xf32>
      %mul3A_94 = arith.mulf %while3A_62, %mul3A_93 : vector<512x56xf32>
      %convert_element_type3A_95 = arith.truncf %exp3A_85 : vector<512x512xf32> to vector<512x512xbf16>
      %dot_general3A_96 = arith.constant dense<0.000000e+00> : vector<512x56xf32>
      %dot_general3A_97 = tpu.matmul %convert_element_type3A_95, %get3A_76, %dot_general3A_96 {dimension_numbers = #tpu.dot_dimension_numbers<[1], [0], [0], [1], [0, 0, 1, 1], [], []>, transpose_lhs_hint = false} : vector<512x512xbf16>, vector<512x56xbf16>, vector<512x56xf32> -> vector<512x56xf32>
      %add3A_98 = arith.addf %mul3A_94, %dot_general3A_97 : vector<512x56xf32>
      scf.yield %max3A_82, %add3A_92, %add3A_98 : vector<512x1xf32>, vector<512x1xf32>, vector<512x56xf32>
    }
    %mul3A_22 = arith.constant 512 : i32
    %mul3A_23 = arith.muli %arg1, %mul3A_22 : i32
    %get3A_24 = arith.constant 0 : index
    %get3A_25 = arith.index_cast %mul3A_23 : i32 to index
    %get3A_26 = arith.constant 0 : index
    %get3A_27 = vector.load %arg3[%get3A_24, %get3A_25, %get3A_26] : memref<1x2048x56xbf16, #tpu.memory_space<vmem>>, vector<1x512x56xbf16>
    %get3A_28 = vector.shape_cast %get3A_27 : vector<1x512x56xbf16> to vector<512x56xbf16>
    %mul3A_29 = arith.constant 512 : i32
    %mul3A_30 = arith.muli %arg1, %mul3A_29 : i32
    %get3A_31 = arith.constant 0 : index
    %get3A_32 = arith.index_cast %mul3A_30 : i32 to index
    %get3A_33 = arith.constant 0 : index
    %get3A_34 = vector.load %arg4[%get3A_31, %get3A_32, %get3A_33] : memref<1x2048x56xbf16, #tpu.memory_space<vmem>>, vector<1x512x56xbf16>
    %get3A_35 = vector.shape_cast %get3A_34 : vector<1x512x56xbf16> to vector<512x56xbf16>
    %dot_general3A = arith.constant dense<0.000000e+00> : vector<512x512xf32>
    %dot_general3A_36 = tpu.matmul %convert_element_type3A_6, %get3A_28, %dot_general3A {dimension_numbers = #tpu.dot_dimension_numbers<[1], [1], [0], [0], [0, 0, 1, 0], [], []>, transpose_lhs_hint = false} : vector<512x56xbf16>, vector<512x56xbf16>, vector<512x512xf32> -> vector<512x512xf32>
    %iota3A = tpu.iota {dimensions = array<i32: 0>} : vector<512x512xi32>
    %iota3A_37 = tpu.iota {dimensions = array<i32: 1>} : vector<512x512xi32>
    %ge3A = arith.cmpi sge, %iota3A, %iota3A_37 : vector<512x512xi32>
    %jit3A = arith.constant -1.000000e+30 : f32
    %broadcast_in_dim3A_38 = vector.broadcast %jit3A : f32 to vector<512x512xf32>
    %select_n3A = arith.select %ge3A, %dot_general3A_36, %broadcast_in_dim3A_38 : vector<512x512xi1>, vector<512x512xf32>
    %reduce_max3A = arith.constant dense<0xFF800000> : vector<512xf32>
    %reduce_max3A_39 = vector.multi_reduction <maximumf>, %select_n3A, %reduce_max3A [1] : vector<512x512xf32> to vector<512xf32>
    %broadcast_in_dim3A_40 = vector.shape_cast %reduce_max3A_39 : vector<512xf32> to vector<512x1xf32>
    %max3A = arith.maximumf %while3A_21#0, %broadcast_in_dim3A_40 : vector<512x1xf32>
    %sub3A = vector.broadcast %max3A : vector<512x1xf32> to vector<512x512xf32>
    %sub3A_41 = arith.subf %select_n3A, %sub3A : vector<512x512xf32>
    %exp3A = math.exp %sub3A_41 : vector<512x512xf32>
    %sub3A_42 = arith.subf %while3A_21#0, %max3A : vector<512x1xf32>
    %exp3A_43 = math.exp %sub3A_42 : vector<512x1xf32>
    %mul3A_44 = arith.mulf %while3A_21#1, %exp3A_43 : vector<512x1xf32>
    %reduce_sum3A = arith.constant dense<0.000000e+00> : vector<512xf32>
    %reduce_sum3A_45 = vector.multi_reduction <add>, %exp3A, %reduce_sum3A [1] : vector<512x512xf32> to vector<512xf32>
    %broadcast_in_dim3A_46 = vector.shape_cast %reduce_sum3A_45 : vector<512xf32> to vector<512x1xf32>
    %add3A = arith.addf %mul3A_44, %broadcast_in_dim3A_46 : vector<512x1xf32>
    %mul3A_47 = vector.broadcast %exp3A_43 : vector<512x1xf32> to vector<512x56xf32>
    %mul3A_48 = arith.mulf %while3A_21#2, %mul3A_47 : vector<512x56xf32>
    %convert_element_type3A_49 = arith.truncf %exp3A : vector<512x512xf32> to vector<512x512xbf16>
    %dot_general3A_50 = arith.constant dense<0.000000e+00> : vector<512x56xf32>
    %dot_general3A_51 = tpu.matmul %convert_element_type3A_49, %get3A_35, %dot_general3A_50 {dimension_numbers = #tpu.dot_dimension_numbers<[1], [0], [0], [1], [0, 0, 1, 1], [], []>, transpose_lhs_hint = false} : vector<512x512xbf16>, vector<512x56xbf16>, vector<512x56xf32> -> vector<512x56xf32>
    %add3A_52 = arith.addf %mul3A_48, %dot_general3A_51 : vector<512x56xf32>
    %div3A = vector.broadcast %add3A : vector<512x1xf32> to vector<512x56xf32>
    %div3A_53 = arith.divf %add3A_52, %div3A : vector<512x56xf32>
    %swap3A = arith.constant 0 : index
    %swap3A_54 = arith.constant 0 : index
    %swap3A_55 = arith.constant 0 : index
    %swap3A_56 = vector.load %arg5[%swap3A, %swap3A_54, %swap3A_55] : memref<1x512x56xf32, #tpu.memory_space<vmem>>, vector<1x512x56xf32>
    %swap3A_57 = vector.shape_cast %swap3A_56 : vector<1x512x56xf32> to vector<512x56xf32>
    %swap3A_58 = vector.shape_cast %div3A_53 : vector<512x56xf32> to vector<1x512x56xf32>
    tpu.vector_store %arg5[%swap3A, %swap3A_54, %swap3A_55], %swap3A_58 {strides = array<i32>} : memref<1x512x56xf32, #tpu.memory_space<vmem>>, vector<1x512x56xf32>,
    return
  }
  func.func @transform_0(%arg0: i32, %arg1: i32) -> (i32, i32, i32) {
    %c0_i32 = arith.constant 0 : i32
    %c0_i32_0 = arith.constant 0 : i32
    return %arg0, %arg1, %c0_i32 : i32, i32, i32
  }
  func.func @transform_1(%arg0: i32, %arg1: i32) -> (i32, i32, i32) {
    %jit3A = arith.constant 3 : i32
    %div3A = arith.divsi %arg0, %jit3A : i32
    %sign3A = arith.constant 0 : i32
    %sign3A_0 = arith.cmpi sgt, %arg0, %sign3A : i32
    %sign3A_1 = arith.extui %sign3A_0 : i1 to i32
    %sign3A_2 = arith.constant 0 : i32
    %sign3A_3 = arith.cmpi slt, %arg0, %sign3A_2 : i32
    %sign3A_4 = arith.extui %sign3A_3 : i1 to i32
    %sign3A_5 = arith.subi %sign3A_1, %sign3A_4 : i32
    %sign3A_6 = arith.constant 0 : i32
    %sign3A_7 = arith.cmpi sgt, %jit3A, %sign3A_6 : i32
    %sign3A_8 = arith.extui %sign3A_7 : i1 to i32
    %sign3A_9 = arith.constant 0 : i32
    %sign3A_10 = arith.cmpi slt, %jit3A, %sign3A_9 : i32
    %sign3A_11 = arith.extui %sign3A_10 : i1 to i32
    %sign3A_12 = arith.subi %sign3A_8, %sign3A_11 : i32
    %ne3A = arith.cmpi ne, %sign3A_5, %sign3A_12 : i32
    %rem3A = arith.remsi %arg0, %jit3A : i32
    %ne3A_13 = arith.constant 0 : i32
    %ne3A_14 = arith.cmpi ne, %rem3A, %ne3A_13 : i32
    %and3A = arith.andi %ne3A, %ne3A_14 : i1
    %sub3A = arith.constant 1 : i32
    %sub3A_15 = arith.subi %div3A, %sub3A : i32
    %select_n3A = arith.select %and3A, %sub3A_15, %div3A : i32
    %c0_i32 = arith.constant 0 : i32
    %c0_i32_16 = arith.constant 0 : i32
    %c0_i32_17 = arith.constant 0 : i32
    return %select_n3A, %c0_i32, %c0_i32_16 : i32, i32, i32
  }
  func.func @transform_2(%arg0: i32, %arg1: i32) -> (i32, i32, i32) {
    %jit3A = arith.constant 3 : i32
    %div3A = arith.divsi %arg0, %jit3A : i32
    %sign3A = arith.constant 0 : i32
    %sign3A_0 = arith.cmpi sgt, %arg0, %sign3A : i32
    %sign3A_1 = arith.extui %sign3A_0 : i1 to i32
    %sign3A_2 = arith.constant 0 : i32
    %sign3A_3 = arith.cmpi slt, %arg0, %sign3A_2 : i32
    %sign3A_4 = arith.extui %sign3A_3 : i1 to i32
    %sign3A_5 = arith.subi %sign3A_1, %sign3A_4 : i32
    %sign3A_6 = arith.constant 0 : i32
    %sign3A_7 = arith.cmpi sgt, %jit3A, %sign3A_6 : i32
    %sign3A_8 = arith.extui %sign3A_7 : i1 to i32
    %sign3A_9 = arith.constant 0 : i32
    %sign3A_10 = arith.cmpi slt, %jit3A, %sign3A_9 : i32
    %sign3A_11 = arith.extui %sign3A_10 : i1 to i32
    %sign3A_12 = arith.subi %sign3A_8, %sign3A_11 : i32
    %ne3A = arith.cmpi ne, %sign3A_5, %sign3A_12 : i32
    %rem3A = arith.remsi %arg0, %jit3A : i32
    %ne3A_13 = arith.constant 0 : i32
    %ne3A_14 = arith.cmpi ne, %rem3A, %ne3A_13 : i32
    %and3A = arith.andi %ne3A, %ne3A_14 : i1
    %sub3A = arith.constant 1 : i32
    %sub3A_15 = arith.subi %div3A, %sub3A : i32
    %select_n3A = arith.select %and3A, %sub3A_15, %div3A : i32
    %c0_i32 = arith.constant 0 : i32
    %c0_i32_16 = arith.constant 0 : i32
    %c0_i32_17 = arith.constant 0 : i32
    return %select_n3A, %c0_i32, %c0_i32_16 : i32, i32, i32
  }
  func.func @transform_3(%arg0: i32, %arg1: i32) -> (i32, i32, i32) {
    %c0_i32 = arith.constant 0 : i32
    %c0_i32_0 = arith.constant 0 : i32
    return %arg0, %arg1, %c0_i32 : i32, i32, i32
  }
}

module attributes {stable_mosaic.version = 14 : i64} {
  func.func @_post_body(%arg0: i32, %arg1: memref<12x256x56xf32, #tpu.memory_space<vmem>>, %arg2: memref<672x672xf32, #tpu.memory_space<vmem>>, %arg3: memref<256x672xf32, #tpu.memory_space<vmem>>, %arg4: memref<1x672xf32, #tpu.memory_space<vmem>>, %arg5: memref<672x8xf32, #tpu.memory_space<vmem>>, %arg6: memref<1x8xf32, #tpu.memory_space<vmem>>, %arg7: memref<256x672xf32, #tpu.memory_space<vmem>>, %arg8: memref<256x768xf32, #tpu.memory_space<vmem>>, %arg9: memref<256x8xf32, #tpu.memory_space<vmem>>) attributes {dimension_semantics = [#tpu.dimension_semantics<arbitrary>], iteration_bounds = array<i64: 8>, scalar_prefetch = 0 : i64, scratch_operands = 0 : i64, tpu.core_type = #tpu.core_type<tc>, window_params = [{transform_indices = @transform_0, window_bounds = array<i64: 12, 256, 56>}, {pipeline_mode = #tpu.pipeline_mode<synchronous>, transform_indices = @transform_1, window_bounds = array<i64: 672, 672>}, {transform_indices = @transform_2, window_bounds = array<i64: 256, 672>}, {pipeline_mode = #tpu.pipeline_mode<synchronous>, transform_indices = @transform_3, window_bounds = array<i64: 1, 672>}, {pipeline_mode = #tpu.pipeline_mode<synchronous>, transform_indices = @transform_4, window_bounds = array<i64: 672, 8>}, {pipeline_mode = #tpu.pipeline_mode<synchronous>, transform_indices = @transform_5, window_bounds = array<i64: 1, 8>}, {transform_indices = @transform_6, window_bounds = array<i64: 256, 672>}, {transform_indices = @transform_7, window_bounds = array<i64: 256, 768>}, {transform_indices = @transform_8, window_bounds = array<i64: 256, 8>}]} {
    %get3A = arith.constant 0 : index
    %get3A_0 = arith.constant 0 : index
    %get3A_1 = arith.constant 0 : index
    %get3A_2 = vector.load %arg1[%get3A, %get3A_0, %get3A_1] : memref<12x256x56xf32, #tpu.memory_space<vmem>>, vector<1x256x56xf32>
    %get3A_3 = vector.shape_cast %get3A_2 : vector<1x256x56xf32> to vector<256x56xf32>
    %get3A_4 = arith.constant 1 : index
    %get3A_5 = arith.constant 0 : index
    %get3A_6 = arith.constant 0 : index
    %get3A_7 = vector.load %arg1[%get3A_4, %get3A_5, %get3A_6] : memref<12x256x56xf32, #tpu.memory_space<vmem>>, vector<1x256x56xf32>
    %get3A_8 = vector.shape_cast %get3A_7 : vector<1x256x56xf32> to vector<256x56xf32>
    %get3A_9 = arith.constant 2 : index
    %get3A_10 = arith.constant 0 : index
    %get3A_11 = arith.constant 0 : index
    %get3A_12 = vector.load %arg1[%get3A_9, %get3A_10, %get3A_11] : memref<12x256x56xf32, #tpu.memory_space<vmem>>, vector<1x256x56xf32>
    %get3A_13 = vector.shape_cast %get3A_12 : vector<1x256x56xf32> to vector<256x56xf32>
    %get3A_14 = arith.constant 3 : index
    %get3A_15 = arith.constant 0 : index
    %get3A_16 = arith.constant 0 : index
    %get3A_17 = vector.load %arg1[%get3A_14, %get3A_15, %get3A_16] : memref<12x256x56xf32, #tpu.memory_space<vmem>>, vector<1x256x56xf32>
    %get3A_18 = vector.shape_cast %get3A_17 : vector<1x256x56xf32> to vector<256x56xf32>
    %get3A_19 = arith.constant 4 : index
    %get3A_20 = arith.constant 0 : index
    %get3A_21 = arith.constant 0 : index
    %get3A_22 = vector.load %arg1[%get3A_19, %get3A_20, %get3A_21] : memref<12x256x56xf32, #tpu.memory_space<vmem>>, vector<1x256x56xf32>
    %get3A_23 = vector.shape_cast %get3A_22 : vector<1x256x56xf32> to vector<256x56xf32>
    %get3A_24 = arith.constant 5 : index
    %get3A_25 = arith.constant 0 : index
    %get3A_26 = arith.constant 0 : index
    %get3A_27 = vector.load %arg1[%get3A_24, %get3A_25, %get3A_26] : memref<12x256x56xf32, #tpu.memory_space<vmem>>, vector<1x256x56xf32>
    %get3A_28 = vector.shape_cast %get3A_27 : vector<1x256x56xf32> to vector<256x56xf32>
    %get3A_29 = arith.constant 6 : index
    %get3A_30 = arith.constant 0 : index
    %get3A_31 = arith.constant 0 : index
    %get3A_32 = vector.load %arg1[%get3A_29, %get3A_30, %get3A_31] : memref<12x256x56xf32, #tpu.memory_space<vmem>>, vector<1x256x56xf32>
    %get3A_33 = vector.shape_cast %get3A_32 : vector<1x256x56xf32> to vector<256x56xf32>
    %get3A_34 = arith.constant 7 : index
    %get3A_35 = arith.constant 0 : index
    %get3A_36 = arith.constant 0 : index
    %get3A_37 = vector.load %arg1[%get3A_34, %get3A_35, %get3A_36] : memref<12x256x56xf32, #tpu.memory_space<vmem>>, vector<1x256x56xf32>
    %get3A_38 = vector.shape_cast %get3A_37 : vector<1x256x56xf32> to vector<256x56xf32>
    %get3A_39 = arith.constant 8 : index
    %get3A_40 = arith.constant 0 : index
    %get3A_41 = arith.constant 0 : index
    %get3A_42 = vector.load %arg1[%get3A_39, %get3A_40, %get3A_41] : memref<12x256x56xf32, #tpu.memory_space<vmem>>, vector<1x256x56xf32>
    %get3A_43 = vector.shape_cast %get3A_42 : vector<1x256x56xf32> to vector<256x56xf32>
    %get3A_44 = arith.constant 9 : index
    %get3A_45 = arith.constant 0 : index
    %get3A_46 = arith.constant 0 : index
    %get3A_47 = vector.load %arg1[%get3A_44, %get3A_45, %get3A_46] : memref<12x256x56xf32, #tpu.memory_space<vmem>>, vector<1x256x56xf32>
    %get3A_48 = vector.shape_cast %get3A_47 : vector<1x256x56xf32> to vector<256x56xf32>
    %get3A_49 = arith.constant 10 : index
    %get3A_50 = arith.constant 0 : index
    %get3A_51 = arith.constant 0 : index
    %get3A_52 = vector.load %arg1[%get3A_49, %get3A_50, %get3A_51] : memref<12x256x56xf32, #tpu.memory_space<vmem>>, vector<1x256x56xf32>
    %get3A_53 = vector.shape_cast %get3A_52 : vector<1x256x56xf32> to vector<256x56xf32>
    %get3A_54 = arith.constant 11 : index
    %get3A_55 = arith.constant 0 : index
    %get3A_56 = arith.constant 0 : index
    %get3A_57 = vector.load %arg1[%get3A_54, %get3A_55, %get3A_56] : memref<12x256x56xf32, #tpu.memory_space<vmem>>, vector<1x256x56xf32>
    %get3A_58 = vector.shape_cast %get3A_57 : vector<1x256x56xf32> to vector<256x56xf32>
    %concatenate3A = tpu.concatenate %get3A_3, %get3A_8, %get3A_13, %get3A_18, %get3A_23, %get3A_28, %get3A_33, %get3A_38, %get3A_43, %get3A_48, %get3A_53, %get3A_58 in 1 : vector<256x56xf32>, vector<256x56xf32>, vector<256x56xf32>, vector<256x56xf32>, vector<256x56xf32>, vector<256x56xf32>, vector<256x56xf32>, vector<256x56xf32>, vector<256x56xf32>, vector<256x56xf32>, vector<256x56xf32>, vector<256x56xf32> -> vector<256x672xf32>
    %get3A_59 = arith.constant 0 : index
    %get3A_60 = arith.constant 0 : index
    %get3A_61 = vector.load %arg3[%get3A_59, %get3A_60] : memref<256x672xf32, #tpu.memory_space<vmem>>, vector<256x672xf32>
    %get3A_62 = arith.constant 0 : index
    %get3A_63 = arith.constant 0 : index
    %get3A_64 = vector.load %arg2[%get3A_62, %get3A_63] : memref<672x672xf32, #tpu.memory_space<vmem>>, vector<672x672xf32>
    %dot_general3A = arith.constant dense<0.000000e+00> : vector<256x672xf32>
    %dot_general3A_65 = tpu.matmul %concatenate3A, %get3A_64, %dot_general3A {dimension_numbers = #tpu.dot_dimension_numbers<[1], [0], [0], [1], [0, 0, 1, 1], [], []>, transpose_lhs_hint = false} : vector<256x672xf32>, vector<672x672xf32>, vector<256x672xf32> -> vector<256x672xf32>
    %add3A = arith.addf %get3A_61, %dot_general3A_65 : vector<256x672xf32>
    %swap3A = arith.constant 0 : index
    %swap3A_66 = arith.constant 0 : index
    %swap3A_67 = vector.load %arg7[%swap3A, %swap3A_66] : memref<256x672xf32, #tpu.memory_space<vmem>>, vector<256x672xf32>
    tpu.vector_store %arg7[%swap3A, %swap3A_66], %add3A {strides = array<i32>} : memref<256x672xf32, #tpu.memory_space<vmem>>, vector<256x672xf32>,
    %get3A_68 = arith.constant 0 : index
    %get3A_69 = arith.constant 0 : index
    %get3A_70 = vector.load %arg4[%get3A_68, %get3A_69] : memref<1x672xf32, #tpu.memory_space<vmem>>, vector<1x672xf32>
    %mul3A = arith.mulf %add3A, %add3A : vector<256x672xf32>
    %reduce_sum3A = arith.constant dense<0.000000e+00> : vector<256xf32>
    %reduce_sum3A_71 = vector.multi_reduction <add>, %mul3A, %reduce_sum3A [1] : vector<256x672xf32> to vector<256xf32>
    %broadcast_in_dim3A = vector.shape_cast %reduce_sum3A_71 : vector<256xf32> to vector<256x1xf32>
    %div3A = arith.constant 6.720000e+02 : f32
    %div3A_72 = vector.broadcast %div3A : f32 to vector<256x1xf32>
    %div3A_73 = arith.divf %broadcast_in_dim3A, %div3A_72 : vector<256x1xf32>
    %add3A_74 = arith.constant 9.99999974E-6 : f32
    %add3A_75 = vector.broadcast %add3A_74 : f32 to vector<256x1xf32>
    %add3A_76 = arith.addf %div3A_73, %add3A_75 : vector<256x1xf32>
    %rsqrt3A = math.rsqrt %add3A_76 : vector<256x1xf32>
    %mul3A_77 = vector.broadcast %rsqrt3A : vector<256x1xf32> to vector<256x672xf32>
    %mul3A_78 = arith.mulf %add3A, %mul3A_77 : vector<256x672xf32>
    %mul3A_79 = vector.broadcast %get3A_70 : vector<1x672xf32> to vector<256x672xf32>
    %mul3A_80 = arith.mulf %mul3A_78, %mul3A_79 : vector<256x672xf32>
    %broadcast_in_dim3A_81 = arith.constant 0.000000e+00 : f32
    %broadcast_in_dim3A_82 = vector.broadcast %broadcast_in_dim3A_81 : f32 to vector<256x96xf32>
    %concatenate3A_83 = tpu.concatenate %mul3A_80, %broadcast_in_dim3A_82 in 1 : vector<256x672xf32>, vector<256x96xf32> -> vector<256x768xf32>
    %swap3A_84 = arith.constant 0 : index
    %swap3A_85 = arith.constant 0 : index
    %swap3A_86 = vector.load %arg8[%swap3A_84, %swap3A_85] : memref<256x768xf32, #tpu.memory_space<vmem>>, vector<256x768xf32>
    tpu.vector_store %arg8[%swap3A_84, %swap3A_85], %concatenate3A_83 {strides = array<i32>} : memref<256x768xf32, #tpu.memory_space<vmem>>, vector<256x768xf32>,
    %get3A_87 = arith.constant 0 : index
    %get3A_88 = arith.constant 0 : index
    %get3A_89 = vector.load %arg5[%get3A_87, %get3A_88] : memref<672x8xf32, #tpu.memory_space<vmem>>, vector<672x8xf32>
    %dot_general3A_90 = arith.constant dense<0.000000e+00> : vector<256x8xf32>
    %dot_general3A_91 = tpu.matmul %mul3A_80, %get3A_89, %dot_general3A_90 {dimension_numbers = #tpu.dot_dimension_numbers<[1], [0], [0], [1], [0, 0, 1, 1], [], []>, transpose_lhs_hint = false} : vector<256x672xf32>, vector<672x8xf32>, vector<256x8xf32> -> vector<256x8xf32>
    %get3A_92 = arith.constant 0 : index
    %get3A_93 = arith.constant 0 : index
    %get3A_94 = vector.load %arg6[%get3A_92, %get3A_93] : memref<1x8xf32, #tpu.memory_space<vmem>>, vector<1x8xf32>
    %add3A_95 = vector.broadcast %get3A_94 : vector<1x8xf32> to vector<256x8xf32>
    %add3A_96 = arith.addf %dot_general3A_91, %add3A_95 : vector<256x8xf32>
    %iota3A = tpu.iota {dimensions = array<i32: 1>} : vector<256x8xi32>
    %reduce_max3A = arith.constant dense<0xFF800000> : vector<256xf32>
    %reduce_max3A_97 = vector.multi_reduction <maximumf>, %add3A_96, %reduce_max3A [1] : vector<256x8xf32> to vector<256xf32>
    %broadcast_in_dim3A_98 = vector.shape_cast %reduce_max3A_97 : vector<256xf32> to vector<256x1xf32>
    %eq3A = vector.broadcast %broadcast_in_dim3A_98 : vector<256x1xf32> to vector<256x8xf32>
    %eq3A_99 = arith.cmpf oeq, %add3A_96, %eq3A : vector<256x8xf32>
    %jit3A = arith.constant 8 : i32
    %broadcast_in_dim3A_100 = vector.broadcast %jit3A : i32 to vector<256x8xi32>
    %select_n3A = arith.select %eq3A_99, %iota3A, %broadcast_in_dim3A_100 : vector<256x8xi1>, vector<256x8xi32>
    %reduce_min3A = arith.constant dense<2147483647> : vector<256xi32>
    %reduce_min3A_101 = vector.multi_reduction <minsi>, %select_n3A, %reduce_min3A [1] : vector<256x8xi32> to vector<256xi32>
    %broadcast_in_dim3A_102 = vector.shape_cast %reduce_min3A_101 : vector<256xi32> to vector<256x1xi32>
    %eq3A_103 = vector.broadcast %broadcast_in_dim3A_102 : vector<256x1xi32> to vector<256x8xi32>
    %eq3A_104 = arith.cmpi eq, %iota3A, %eq3A_103 : vector<256x8xi32>
    %jit3A_105 = arith.constant 0xFF800000 : f32
    %broadcast_in_dim3A_106 = vector.broadcast %jit3A_105 : f32 to vector<256x8xf32>
    %select_n3A_107 = arith.select %eq3A_104, %broadcast_in_dim3A_106, %add3A_96 : vector<256x8xi1>, vector<256x8xf32>
    %reduce_max3A_108 = arith.constant dense<0xFF800000> : vector<256xf32>
    %reduce_max3A_109 = vector.multi_reduction <maximumf>, %select_n3A_107, %reduce_max3A_108 [1] : vector<256x8xf32> to vector<256xf32>
    %broadcast_in_dim3A_110 = vector.shape_cast %reduce_max3A_109 : vector<256xf32> to vector<256x1xf32>
    %eq3A_111 = vector.broadcast %broadcast_in_dim3A_110 : vector<256x1xf32> to vector<256x8xf32>
    %eq3A_112 = arith.cmpf oeq, %select_n3A_107, %eq3A_111 : vector<256x8xf32>
    %jit3A_113 = arith.constant 8 : i32
    %broadcast_in_dim3A_114 = vector.broadcast %jit3A_113 : i32 to vector<256x8xi32>
    %select_n3A_115 = arith.select %eq3A_112, %iota3A, %broadcast_in_dim3A_114 : vector<256x8xi1>, vector<256x8xi32>
    %reduce_min3A_116 = arith.constant dense<2147483647> : vector<256xi32>
    %reduce_min3A_117 = vector.multi_reduction <minsi>, %select_n3A_115, %reduce_min3A_116 [1] : vector<256x8xi32> to vector<256xi32>
    %broadcast_in_dim3A_118 = vector.shape_cast %reduce_min3A_117 : vector<256xi32> to vector<256x1xi32>
    %sub3A = arith.subf %broadcast_in_dim3A_110, %broadcast_in_dim3A_98 : vector<256x1xf32>
    %exp3A = math.exp %sub3A : vector<256x1xf32>
    %add3A_119 = arith.constant 1.000000e+00 : f32
    %add3A_120 = vector.broadcast %add3A_119 : f32 to vector<256x1xf32>
    %add3A_121 = arith.addf %add3A_120, %exp3A : vector<256x1xf32>
    %div3A_122 = arith.constant 1.000000e+00 : f32
    %div3A_123 = vector.broadcast %div3A_122 : f32 to vector<256x1xf32>
    %div3A_124 = arith.divf %div3A_123, %add3A_121 : vector<256x1xf32>
    %sub3A_125 = arith.constant 1.000000e+00 : f32
    %sub3A_126 = vector.broadcast %sub3A_125 : f32 to vector<256x1xf32>
    %sub3A_127 = arith.subf %sub3A_126, %div3A_124 : vector<256x1xf32>
    %broadcast_in_dim3A_128 = arith.constant 0.000000e+00 : f32
    %broadcast_in_dim3A_129 = vector.broadcast %broadcast_in_dim3A_128 : f32 to vector<256x4xf32>
    %convert_element_type3A = arith.sitofp %broadcast_in_dim3A_102 : vector<256x1xi32> to vector<256x1xf32>
    %convert_element_type3A_130 = arith.sitofp %broadcast_in_dim3A_118 : vector<256x1xi32> to vector<256x1xf32>
    %concatenate3A_131 = tpu.concatenate %convert_element_type3A, %convert_element_type3A_130, %div3A_124, %sub3A_127, %broadcast_in_dim3A_129 in 1 : vector<256x1xf32>, vector<256x1xf32>, vector<256x1xf32>, vector<256x1xf32>, vector<256x4xf32> -> vector<256x8xf32>
    %swap3A_132 = arith.constant 0 : index
    %swap3A_133 = arith.constant 0 : index
    %swap3A_134 = vector.load %arg9[%swap3A_132, %swap3A_133] : memref<256x8xf32, #tpu.memory_space<vmem>>, vector<256x8xf32>
    tpu.vector_store %arg9[%swap3A_132, %swap3A_133], %concatenate3A_131 {strides = array<i32>} : memref<256x8xf32, #tpu.memory_space<vmem>>, vector<256x8xf32>,
    return
  }
  func.func @transform_0(%arg0: i32) -> (i32, i32, i32) {
    %c0_i32 = arith.constant 0 : i32
    %c0_i32_0 = arith.constant 0 : i32
    %c0_i32_1 = arith.constant 0 : i32
    return %c0_i32, %arg0, %c0_i32_0 : i32, i32, i32
  }
  func.func @transform_1(%arg0: i32) -> (i32, i32) {
    %c0_i32 = arith.constant 0 : i32
    %c0_i32_0 = arith.constant 0 : i32
    %c0_i32_1 = arith.constant 0 : i32
    return %c0_i32, %c0_i32_0 : i32, i32
  }
  func.func @transform_2(%arg0: i32) -> (i32, i32) {
    %c0_i32 = arith.constant 0 : i32
    %c0_i32_0 = arith.constant 0 : i32
    return %arg0, %c0_i32 : i32, i32
  }
  func.func @transform_3(%arg0: i32) -> (i32, i32) {
    %c0_i32 = arith.constant 0 : i32
    %c0_i32_0 = arith.constant 0 : i32
    %c0_i32_1 = arith.constant 0 : i32
    return %c0_i32, %c0_i32_0 : i32, i32
  }
  func.func @transform_4(%arg0: i32) -> (i32, i32) {
    %c0_i32 = arith.constant 0 : i32
    %c0_i32_0 = arith.constant 0 : i32
    %c0_i32_1 = arith.constant 0 : i32
    return %c0_i32, %c0_i32_0 : i32, i32
  }
  func.func @transform_5(%arg0: i32) -> (i32, i32) {
    %c0_i32 = arith.constant 0 : i32
    %c0_i32_0 = arith.constant 0 : i32
    %c0_i32_1 = arith.constant 0 : i32
    return %c0_i32, %c0_i32_0 : i32, i32
  }
  func.func @transform_6(%arg0: i32) -> (i32, i32) {
    %c0_i32 = arith.constant 0 : i32
    %c0_i32_0 = arith.constant 0 : i32
    return %arg0, %c0_i32 : i32, i32
  }
  func.func @transform_7(%arg0: i32) -> (i32, i32) {
    %c0_i32 = arith.constant 0 : i32
    %c0_i32_0 = arith.constant 0 : i32
    return %arg0, %c0_i32 : i32, i32
  }
  func.func @transform_8(%arg0: i32) -> (i32, i32) {
    %c0_i32 = arith.constant 0 : i32
    %c0_i32_0 = arith.constant 0 : i32
    return %arg0, %c0_i32 : i32, i32
  }
}

module attributes {stable_mosaic.version = 14 : i64} {
  func.func @_route_body(%arg0: memref<2048x8xf32, #tpu.memory_space<vmem>>, %arg1: memref<2048x8xi32, #tpu.memory_space<vmem>>, %arg2: memref<1x128xi32, #tpu.memory_space<vmem>>) attributes {dimension_semantics = [], scalar_prefetch = 0 : i64, scratch_operands = 0 : i64, tpu.core_type = #tpu.core_type<tc>} {
    %get3A = arith.constant 0 : index
    %get3A_0 = arith.constant 0 : index
    %get3A_1 = vector.load %arg0[%get3A, %get3A_0] : memref<2048x8xf32, #tpu.memory_space<vmem>>, vector<2048x8xf32>
    %slice3A = vector.extract_strided_slice %get3A_1 {offsets = [0, 0], sizes = [2048, 1], strides = [1, 1]} : vector<2048x8xf32> to vector<2048x1xf32>
    %convert_element_type3A = arith.fptosi %slice3A : vector<2048x1xf32> to vector<2048x1xi32>
    %slice3A_2 = vector.extract_strided_slice %get3A_1 {offsets = [0, 1], sizes = [2048, 1], strides = [1, 1]} : vector<2048x8xf32> to vector<2048x1xf32>
    %convert_element_type3A_3 = arith.fptosi %slice3A_2 : vector<2048x1xf32> to vector<2048x1xi32>
    %iota3A = tpu.iota {dimensions = array<i32: 1>} : vector<2048x8xi32>
    %eq3A = vector.broadcast %convert_element_type3A : vector<2048x1xi32> to vector<2048x8xi32>
    %eq3A_4 = arith.cmpi eq, %eq3A, %iota3A : vector<2048x8xi32>
    %convert_element_type3A_5 = arith.extui %eq3A_4 : vector<2048x8xi1> to vector<2048x8xi32>
    %convert_element_type3A_6 = arith.sitofp %convert_element_type3A_5 : vector<2048x8xi32> to vector<2048x8xf32>
    %eq3A_7 = vector.broadcast %convert_element_type3A_3 : vector<2048x1xi32> to vector<2048x8xi32>
    %eq3A_8 = arith.cmpi eq, %eq3A_7, %iota3A : vector<2048x8xi32>
    %convert_element_type3A_9 = arith.extui %eq3A_8 : vector<2048x8xi1> to vector<2048x8xi32>
    %convert_element_type3A_10 = arith.sitofp %convert_element_type3A_9 : vector<2048x8xi32> to vector<2048x8xf32>
    %broadcast_in_dim3A = arith.constant 0.000000e+00 : f32
    %broadcast_in_dim3A_11 = vector.broadcast %broadcast_in_dim3A : f32 to vector<1x8xf32>
    %slice3A_12 = vector.extract_strided_slice %convert_element_type3A_6 {offsets = [0, 0], sizes = [2047, 8], strides = [1, 1]} : vector<2048x8xf32> to vector<2047x8xf32>
    %concatenate3A = tpu.concatenate %broadcast_in_dim3A_11, %slice3A_12 in 0 : vector<1x8xf32>, vector<2047x8xf32> -> vector<2048x8xf32>
    %add3A = arith.addf %convert_element_type3A_6, %concatenate3A : vector<2048x8xf32>
    %broadcast_in_dim3A_13 = arith.constant 0.000000e+00 : f32
    %broadcast_in_dim3A_14 = vector.broadcast %broadcast_in_dim3A_13 : f32 to vector<2x8xf32>
    %slice3A_15 = vector.extract_strided_slice %add3A {offsets = [0, 0], sizes = [2046, 8], strides = [1, 1]} : vector<2048x8xf32> to vector<2046x8xf32>
    %concatenate3A_16 = tpu.concatenate %broadcast_in_dim3A_14, %slice3A_15 in 0 : vector<2x8xf32>, vector<2046x8xf32> -> vector<2048x8xf32>
    %add3A_17 = arith.addf %add3A, %concatenate3A_16 : vector<2048x8xf32>
    %broadcast_in_dim3A_18 = arith.constant 0.000000e+00 : f32
    %broadcast_in_dim3A_19 = vector.broadcast %broadcast_in_dim3A_18 : f32 to vector<4x8xf32>
    %slice3A_20 = vector.extract_strided_slice %add3A_17 {offsets = [0, 0], sizes = [2044, 8], strides = [1, 1]} : vector<2048x8xf32> to vector<2044x8xf32>
    %concatenate3A_21 = tpu.concatenate %broadcast_in_dim3A_19, %slice3A_20 in 0 : vector<4x8xf32>, vector<2044x8xf32> -> vector<2048x8xf32>
    %add3A_22 = arith.addf %add3A_17, %concatenate3A_21 : vector<2048x8xf32>
    %broadcast_in_dim3A_23 = arith.constant 0.000000e+00 : f32
    %broadcast_in_dim3A_24 = vector.broadcast %broadcast_in_dim3A_23 : f32 to vector<8x8xf32>
    %slice3A_25 = vector.extract_strided_slice %add3A_22 {offsets = [0, 0], sizes = [2040, 8], strides = [1, 1]} : vector<2048x8xf32> to vector<2040x8xf32>
    %concatenate3A_26 = tpu.concatenate %broadcast_in_dim3A_24, %slice3A_25 in 0 : vector<8x8xf32>, vector<2040x8xf32> -> vector<2048x8xf32>
    %add3A_27 = arith.addf %add3A_22, %concatenate3A_26 : vector<2048x8xf32>
    %broadcast_in_dim3A_28 = arith.constant 0.000000e+00 : f32
    %broadcast_in_dim3A_29 = vector.broadcast %broadcast_in_dim3A_28 : f32 to vector<16x8xf32>
    %slice3A_30 = vector.extract_strided_slice %add3A_27 {offsets = [0, 0], sizes = [2032, 8], strides = [1, 1]} : vector<2048x8xf32> to vector<2032x8xf32>
    %concatenate3A_31 = tpu.concatenate %broadcast_in_dim3A_29, %slice3A_30 in 0 : vector<16x8xf32>, vector<2032x8xf32> -> vector<2048x8xf32>
    %add3A_32 = arith.addf %add3A_27, %concatenate3A_31 : vector<2048x8xf32>
    %broadcast_in_dim3A_33 = arith.constant 0.000000e+00 : f32
    %broadcast_in_dim3A_34 = vector.broadcast %broadcast_in_dim3A_33 : f32 to vector<32x8xf32>
    %slice3A_35 = vector.extract_strided_slice %add3A_32 {offsets = [0, 0], sizes = [2016, 8], strides = [1, 1]} : vector<2048x8xf32> to vector<2016x8xf32>
    %concatenate3A_36 = tpu.concatenate %broadcast_in_dim3A_34, %slice3A_35 in 0 : vector<32x8xf32>, vector<2016x8xf32> -> vector<2048x8xf32>
    %add3A_37 = arith.addf %add3A_32, %concatenate3A_36 : vector<2048x8xf32>
    %broadcast_in_dim3A_38 = arith.constant 0.000000e+00 : f32
    %broadcast_in_dim3A_39 = vector.broadcast %broadcast_in_dim3A_38 : f32 to vector<64x8xf32>
    %slice3A_40 = vector.extract_strided_slice %add3A_37 {offsets = [0, 0], sizes = [1984, 8], strides = [1, 1]} : vector<2048x8xf32> to vector<1984x8xf32>
    %concatenate3A_41 = tpu.concatenate %broadcast_in_dim3A_39, %slice3A_40 in 0 : vector<64x8xf32>, vector<1984x8xf32> -> vector<2048x8xf32>
    %add3A_42 = arith.addf %add3A_37, %concatenate3A_41 : vector<2048x8xf32>
    %broadcast_in_dim3A_43 = arith.constant 0.000000e+00 : f32
    %broadcast_in_dim3A_44 = vector.broadcast %broadcast_in_dim3A_43 : f32 to vector<128x8xf32>
    %slice3A_45 = vector.extract_strided_slice %add3A_42 {offsets = [0, 0], sizes = [1920, 8], strides = [1, 1]} : vector<2048x8xf32> to vector<1920x8xf32>
    %concatenate3A_46 = tpu.concatenate %broadcast_in_dim3A_44, %slice3A_45 in 0 : vector<128x8xf32>, vector<1920x8xf32> -> vector<2048x8xf32>
    %add3A_47 = arith.addf %add3A_42, %concatenate3A_46 : vector<2048x8xf32>
    %broadcast_in_dim3A_48 = arith.constant 0.000000e+00 : f32
    %broadcast_in_dim3A_49 = vector.broadcast %broadcast_in_dim3A_48 : f32 to vector<256x8xf32>
    %slice3A_50 = vector.extract_strided_slice %add3A_47 {offsets = [0, 0], sizes = [1792, 8], strides = [1, 1]} : vector<2048x8xf32> to vector<1792x8xf32>
    %concatenate3A_51 = tpu.concatenate %broadcast_in_dim3A_49, %slice3A_50 in 0 : vector<256x8xf32>, vector<1792x8xf32> -> vector<2048x8xf32>
    %add3A_52 = arith.addf %add3A_47, %concatenate3A_51 : vector<2048x8xf32>
    %broadcast_in_dim3A_53 = arith.constant 0.000000e+00 : f32
    %broadcast_in_dim3A_54 = vector.broadcast %broadcast_in_dim3A_53 : f32 to vector<512x8xf32>
    %slice3A_55 = vector.extract_strided_slice %add3A_52 {offsets = [0, 0], sizes = [1536, 8], strides = [1, 1]} : vector<2048x8xf32> to vector<1536x8xf32>
    %concatenate3A_56 = tpu.concatenate %broadcast_in_dim3A_54, %slice3A_55 in 0 : vector<512x8xf32>, vector<1536x8xf32> -> vector<2048x8xf32>
    %add3A_57 = arith.addf %add3A_52, %concatenate3A_56 : vector<2048x8xf32>
    %broadcast_in_dim3A_58 = arith.constant 0.000000e+00 : f32
    %broadcast_in_dim3A_59 = vector.broadcast %broadcast_in_dim3A_58 : f32 to vector<1024x8xf32>
    %slice3A_60 = vector.extract_strided_slice %add3A_57 {offsets = [0, 0], sizes = [1024, 8], strides = [1, 1]} : vector<2048x8xf32> to vector<1024x8xf32>
    %concatenate3A_61 = tpu.concatenate %broadcast_in_dim3A_59, %slice3A_60 in 0 : vector<1024x8xf32>, vector<1024x8xf32> -> vector<2048x8xf32>
    %add3A_62 = arith.addf %add3A_57, %concatenate3A_61 : vector<2048x8xf32>
    %sub3A = arith.subf %add3A_62, %convert_element_type3A_6 : vector<2048x8xf32>
    %broadcast_in_dim3A_63 = arith.constant 0.000000e+00 : f32
    %broadcast_in_dim3A_64 = vector.broadcast %broadcast_in_dim3A_63 : f32 to vector<1x8xf32>
    %slice3A_65 = vector.extract_strided_slice %convert_element_type3A_10 {offsets = [0, 0], sizes = [2047, 8], strides = [1, 1]} : vector<2048x8xf32> to vector<2047x8xf32>
    %concatenate3A_66 = tpu.concatenate %broadcast_in_dim3A_64, %slice3A_65 in 0 : vector<1x8xf32>, vector<2047x8xf32> -> vector<2048x8xf32>
    %add3A_67 = arith.addf %convert_element_type3A_10, %concatenate3A_66 : vector<2048x8xf32>
    %broadcast_in_dim3A_68 = arith.constant 0.000000e+00 : f32
    %broadcast_in_dim3A_69 = vector.broadcast %broadcast_in_dim3A_68 : f32 to vector<2x8xf32>
    %slice3A_70 = vector.extract_strided_slice %add3A_67 {offsets = [0, 0], sizes = [2046, 8], strides = [1, 1]} : vector<2048x8xf32> to vector<2046x8xf32>
    %concatenate3A_71 = tpu.concatenate %broadcast_in_dim3A_69, %slice3A_70 in 0 : vector<2x8xf32>, vector<2046x8xf32> -> vector<2048x8xf32>
    %add3A_72 = arith.addf %add3A_67, %concatenate3A_71 : vector<2048x8xf32>
    %broadcast_in_dim3A_73 = arith.constant 0.000000e+00 : f32
    %broadcast_in_dim3A_74 = vector.broadcast %broadcast_in_dim3A_73 : f32 to vector<4x8xf32>
    %slice3A_75 = vector.extract_strided_slice %add3A_72 {offsets = [0, 0], sizes = [2044, 8], strides = [1, 1]} : vector<2048x8xf32> to vector<2044x8xf32>
    %concatenate3A_76 = tpu.concatenate %broadcast_in_dim3A_74, %slice3A_75 in 0 : vector<4x8xf32>, vector<2044x8xf32> -> vector<2048x8xf32>
    %add3A_77 = arith.addf %add3A_72, %concatenate3A_76 : vector<2048x8xf32>
    %broadcast_in_dim3A_78 = arith.constant 0.000000e+00 : f32
    %broadcast_in_dim3A_79 = vector.broadcast %broadcast_in_dim3A_78 : f32 to vector<8x8xf32>
    %slice3A_80 = vector.extract_strided_slice %add3A_77 {offsets = [0, 0], sizes = [2040, 8], strides = [1, 1]} : vector<2048x8xf32> to vector<2040x8xf32>
    %concatenate3A_81 = tpu.concatenate %broadcast_in_dim3A_79, %slice3A_80 in 0 : vector<8x8xf32>, vector<2040x8xf32> -> vector<2048x8xf32>
    %add3A_82 = arith.addf %add3A_77, %concatenate3A_81 : vector<2048x8xf32>
    %broadcast_in_dim3A_83 = arith.constant 0.000000e+00 : f32
    %broadcast_in_dim3A_84 = vector.broadcast %broadcast_in_dim3A_83 : f32 to vector<16x8xf32>
    %slice3A_85 = vector.extract_strided_slice %add3A_82 {offsets = [0, 0], sizes = [2032, 8], strides = [1, 1]} : vector<2048x8xf32> to vector<2032x8xf32>
    %concatenate3A_86 = tpu.concatenate %broadcast_in_dim3A_84, %slice3A_85 in 0 : vector<16x8xf32>, vector<2032x8xf32> -> vector<2048x8xf32>
    %add3A_87 = arith.addf %add3A_82, %concatenate3A_86 : vector<2048x8xf32>
    %broadcast_in_dim3A_88 = arith.constant 0.000000e+00 : f32
    %broadcast_in_dim3A_89 = vector.broadcast %broadcast_in_dim3A_88 : f32 to vector<32x8xf32>
    %slice3A_90 = vector.extract_strided_slice %add3A_87 {offsets = [0, 0], sizes = [2016, 8], strides = [1, 1]} : vector<2048x8xf32> to vector<2016x8xf32>
    %concatenate3A_91 = tpu.concatenate %broadcast_in_dim3A_89, %slice3A_90 in 0 : vector<32x8xf32>, vector<2016x8xf32> -> vector<2048x8xf32>
    %add3A_92 = arith.addf %add3A_87, %concatenate3A_91 : vector<2048x8xf32>
    %broadcast_in_dim3A_93 = arith.constant 0.000000e+00 : f32
    %broadcast_in_dim3A_94 = vector.broadcast %broadcast_in_dim3A_93 : f32 to vector<64x8xf32>
    %slice3A_95 = vector.extract_strided_slice %add3A_92 {offsets = [0, 0], sizes = [1984, 8], strides = [1, 1]} : vector<2048x8xf32> to vector<1984x8xf32>
    %concatenate3A_96 = tpu.concatenate %broadcast_in_dim3A_94, %slice3A_95 in 0 : vector<64x8xf32>, vector<1984x8xf32> -> vector<2048x8xf32>
    %add3A_97 = arith.addf %add3A_92, %concatenate3A_96 : vector<2048x8xf32>
    %broadcast_in_dim3A_98 = arith.constant 0.000000e+00 : f32
    %broadcast_in_dim3A_99 = vector.broadcast %broadcast_in_dim3A_98 : f32 to vector<128x8xf32>
    %slice3A_100 = vector.extract_strided_slice %add3A_97 {offsets = [0, 0], sizes = [1920, 8], strides = [1, 1]} : vector<2048x8xf32> to vector<1920x8xf32>
    %concatenate3A_101 = tpu.concatenate %broadcast_in_dim3A_99, %slice3A_100 in 0 : vector<128x8xf32>, vector<1920x8xf32> -> vector<2048x8xf32>
    %add3A_102 = arith.addf %add3A_97, %concatenate3A_101 : vector<2048x8xf32>
    %broadcast_in_dim3A_103 = arith.constant 0.000000e+00 : f32
    %broadcast_in_dim3A_104 = vector.broadcast %broadcast_in_dim3A_103 : f32 to vector<256x8xf32>
    %slice3A_105 = vector.extract_strided_slice %add3A_102 {offsets = [0, 0], sizes = [1792, 8], strides = [1, 1]} : vector<2048x8xf32> to vector<1792x8xf32>
    %concatenate3A_106 = tpu.concatenate %broadcast_in_dim3A_104, %slice3A_105 in 0 : vector<256x8xf32>, vector<1792x8xf32> -> vector<2048x8xf32>
    %add3A_107 = arith.addf %add3A_102, %concatenate3A_106 : vector<2048x8xf32>
    %broadcast_in_dim3A_108 = arith.constant 0.000000e+00 : f32
    %broadcast_in_dim3A_109 = vector.broadcast %broadcast_in_dim3A_108 : f32 to vector<512x8xf32>
    %slice3A_110 = vector.extract_strided_slice %add3A_107 {offsets = [0, 0], sizes = [1536, 8], strides = [1, 1]} : vector<2048x8xf32> to vector<1536x8xf32>
    %concatenate3A_111 = tpu.concatenate %broadcast_in_dim3A_109, %slice3A_110 in 0 : vector<512x8xf32>, vector<1536x8xf32> -> vector<2048x8xf32>
    %add3A_112 = arith.addf %add3A_107, %concatenate3A_111 : vector<2048x8xf32>
    %broadcast_in_dim3A_113 = arith.constant 0.000000e+00 : f32
    %broadcast_in_dim3A_114 = vector.broadcast %broadcast_in_dim3A_113 : f32 to vector<1024x8xf32>
    %slice3A_115 = vector.extract_strided_slice %add3A_112 {offsets = [0, 0], sizes = [1024, 8], strides = [1, 1]} : vector<2048x8xf32> to vector<1024x8xf32>
    %concatenate3A_116 = tpu.concatenate %broadcast_in_dim3A_114, %slice3A_115 in 0 : vector<1024x8xf32>, vector<1024x8xf32> -> vector<2048x8xf32>
    %add3A_117 = arith.addf %add3A_112, %concatenate3A_116 : vector<2048x8xf32>
    %sub3A_118 = arith.subf %add3A_117, %convert_element_type3A_10 : vector<2048x8xf32>
    %reduce_sum3A = arith.constant dense<0.000000e+00> : vector<8xf32>
    %reduce_sum3A_119 = vector.multi_reduction <add>, %convert_element_type3A_6, %reduce_sum3A [0] : vector<2048x8xf32> to vector<8xf32>
    %broadcast_in_dim3A_120 = vector.shape_cast %reduce_sum3A_119 : vector<8xf32> to vector<1x8xf32>
    %reduce_sum3A_121 = arith.constant dense<0.000000e+00> : vector<8xf32>
    %reduce_sum3A_122 = vector.multi_reduction <add>, %convert_element_type3A_10, %reduce_sum3A_121 [0] : vector<2048x8xf32> to vector<8xf32>
    %broadcast_in_dim3A_123 = vector.shape_cast %reduce_sum3A_122 : vector<8xf32> to vector<1x8xf32>
    %add3A_124 = arith.addf %broadcast_in_dim3A_120, %broadcast_in_dim3A_123 : vector<1x8xf32>
    %add3A_125 = arith.constant 2.550000e+02 : f32
    %add3A_126 = vector.broadcast %add3A_125 : f32 to vector<1x8xf32>
    %add3A_127 = arith.addf %add3A_124, %add3A_126 : vector<1x8xf32>
    %div3A = arith.constant 2.560000e+02 : f32
    %div3A_128 = vector.broadcast %div3A : f32 to vector<1x8xf32>
    %div3A_129 = arith.divf %add3A_127, %div3A_128 : vector<1x8xf32>
    %floor3A = math.floor %div3A_129 : vector<1x8xf32>
    %mul3A = arith.constant 2.560000e+02 : f32
    %mul3A_130 = vector.broadcast %mul3A : f32 to vector<1x8xf32>
    %mul3A_131 = arith.mulf %floor3A, %mul3A_130 : vector<1x8xf32>
    %broadcast_in_dim3A_132 = arith.constant 0.000000e+00 : f32
    %broadcast_in_dim3A_133 = vector.broadcast %broadcast_in_dim3A_132 : f32 to vector<1x1xf32>
    %slice3A_134 = vector.extract_strided_slice %mul3A_131 {offsets = [0, 0], sizes = [1, 7], strides = [1, 1]} : vector<1x8xf32> to vector<1x7xf32>
    %concatenate3A_135 = tpu.concatenate %broadcast_in_dim3A_133, %slice3A_134 in 1 : vector<1x1xf32>, vector<1x7xf32> -> vector<1x8xf32>
    %add3A_136 = arith.addf %mul3A_131, %concatenate3A_135 : vector<1x8xf32>
    %broadcast_in_dim3A_137 = arith.constant 0.000000e+00 : f32
    %broadcast_in_dim3A_138 = vector.broadcast %broadcast_in_dim3A_137 : f32 to vector<1x2xf32>
    %slice3A_139 = vector.extract_strided_slice %add3A_136 {offsets = [0, 0], sizes = [1, 6], strides = [1, 1]} : vector<1x8xf32> to vector<1x6xf32>
    %concatenate3A_140 = tpu.concatenate %broadcast_in_dim3A_138, %slice3A_139 in 1 : vector<1x2xf32>, vector<1x6xf32> -> vector<1x8xf32>
    %add3A_141 = arith.addf %add3A_136, %concatenate3A_140 : vector<1x8xf32>
    %broadcast_in_dim3A_142 = arith.constant 0.000000e+00 : f32
    %broadcast_in_dim3A_143 = vector.broadcast %broadcast_in_dim3A_142 : f32 to vector<1x4xf32>
    %slice3A_144 = vector.extract_strided_slice %add3A_141 {offsets = [0, 0], sizes = [1, 4], strides = [1, 1]} : vector<1x8xf32> to vector<1x4xf32>
    %concatenate3A_145 = tpu.concatenate %broadcast_in_dim3A_143, %slice3A_144 in 1 : vector<1x4xf32>, vector<1x4xf32> -> vector<1x8xf32>
    %add3A_146 = arith.addf %add3A_141, %concatenate3A_145 : vector<1x8xf32>
    %sub3A_147 = arith.subf %add3A_146, %mul3A_131 : vector<1x8xf32>
    %add3A_148 = vector.broadcast %sub3A_147 : vector<1x8xf32> to vector<2048x8xf32>
    %add3A_149 = arith.addf %add3A_148, %sub3A : vector<2048x8xf32>
    %mul3A_150 = arith.mulf %convert_element_type3A_6, %add3A_149 : vector<2048x8xf32>
    %reduce_sum3A_151 = arith.constant dense<0.000000e+00> : vector<2048xf32>
    %reduce_sum3A_152 = vector.multi_reduction <add>, %mul3A_150, %reduce_sum3A_151 [1] : vector<2048x8xf32> to vector<2048xf32>
    %broadcast_in_dim3A_153 = vector.shape_cast %reduce_sum3A_152 : vector<2048xf32> to vector<2048x1xf32>
    %add3A_154 = arith.addf %sub3A_147, %broadcast_in_dim3A_120 : vector<1x8xf32>
    %add3A_155 = vector.broadcast %add3A_154 : vector<1x8xf32> to vector<2048x8xf32>
    %add3A_156 = arith.addf %add3A_155, %sub3A_118 : vector<2048x8xf32>
    %mul3A_157 = arith.mulf %convert_element_type3A_10, %add3A_156 : vector<2048x8xf32>
    %reduce_sum3A_158 = arith.constant dense<0.000000e+00> : vector<2048xf32>
    %reduce_sum3A_159 = vector.multi_reduction <add>, %mul3A_157, %reduce_sum3A_158 [1] : vector<2048x8xf32> to vector<2048xf32>
    %broadcast_in_dim3A_160 = vector.shape_cast %reduce_sum3A_159 : vector<2048xf32> to vector<2048x1xf32>
    %broadcast_in_dim3A_161 = arith.constant 0.000000e+00 : f32
    %broadcast_in_dim3A_162 = vector.broadcast %broadcast_in_dim3A_161 : f32 to vector<2048x6xf32>
    %concatenate3A_163 = tpu.concatenate %broadcast_in_dim3A_153, %broadcast_in_dim3A_160, %broadcast_in_dim3A_162 in 1 : vector<2048x1xf32>, vector<2048x1xf32>, vector<2048x6xf32> -> vector<2048x8xf32>
    %convert_element_type3A_164 = arith.fptosi %concatenate3A_163 : vector<2048x8xf32> to vector<2048x8xi32>
    %swap3A = arith.constant 0 : index
    %swap3A_165 = arith.constant 0 : index
    %swap3A_166 = vector.load %arg1[%swap3A, %swap3A_165] : memref<2048x8xi32, #tpu.memory_space<vmem>>, vector<2048x8xi32>
    tpu.vector_store %arg1[%swap3A, %swap3A_165], %convert_element_type3A_164 {strides = array<i32>} : memref<2048x8xi32, #tpu.memory_space<vmem>>, vector<2048x8xi32>,
    %div3A_167 = arith.constant 2.560000e+02 : f32
    %div3A_168 = vector.broadcast %div3A_167 : f32 to vector<1x8xf32>
    %div3A_169 = arith.divf %sub3A_147, %div3A_168 : vector<1x8xf32>
    %div3A_170 = arith.constant 2.560000e+02 : f32
    %div3A_171 = vector.broadcast %div3A_170 : f32 to vector<1x8xf32>
    %div3A_172 = arith.divf %mul3A_131, %div3A_171 : vector<1x8xf32>
    %reduce_sum3A_173 = vector.shape_cast %div3A_172 : vector<1x8xf32> to vector<1x1x8xf32>
    %reduce_sum3A_174 = arith.constant dense<0.000000e+00> : vector<1xf32>
    %reduce_sum3A_175 = vector.multi_reduction <add>, %reduce_sum3A_173, %reduce_sum3A_174 [1, 2] : vector<1x1x8xf32> to vector<1xf32>
    %reduce_sum3A_176 = vector.shape_cast %reduce_sum3A_175 : vector<1xf32> to vector<1x1x1xf32>
    %reduce_sum3A_177 = vector.extract %reduce_sum3A_176[0, 0, 0] : f32 from vector<1x1x1xf32>
    %iota3A_178 = tpu.iota {dimensions = array<i32: 1>} : vector<1x8xi32>
    %convert_element_type3A_179 = arith.sitofp %iota3A_178 : vector<1x8xi32> to vector<1x8xf32>
    %gt3A = arith.constant 0.000000e+00 : f32
    %gt3A_180 = vector.broadcast %gt3A : f32 to vector<1x8xf32>
    %gt3A_181 = arith.cmpf ogt, %div3A_172, %gt3A_180 : vector<1x8xf32>
    %jit3A = arith.constant 0.000000e+00 : f32
    %broadcast_in_dim3A_182 = vector.broadcast %jit3A : f32 to vector<1x8xf32>
    %select_n3A = arith.select %gt3A_181, %convert_element_type3A_179, %broadcast_in_dim3A_182 : vector<1x8xi1>, vector<1x8xf32>
    %reduce_max3A = vector.shape_cast %select_n3A : vector<1x8xf32> to vector<1x1x8xf32>
    %reduce_max3A_183 = arith.constant dense<0xFF800000> : vector<1xf32>
    %reduce_max3A_184 = vector.multi_reduction <maximumf>, %reduce_max3A, %reduce_max3A_183 [1, 2] : vector<1x1x8xf32> to vector<1xf32>
    %reduce_max3A_185 = vector.shape_cast %reduce_max3A_184 : vector<1xf32> to vector<1x1x1xf32>
    %reduce_max3A_186 = vector.extract %reduce_max3A_185[0, 0, 0] : f32 from vector<1x1x1xf32>
    %iota3A_187 = tpu.iota {dimensions = array<i32: 1>} : vector<1x128xi32>
    %convert_element_type3A_188 = arith.sitofp %iota3A_187 : vector<1x128xi32> to vector<1x128xf32>
    %broadcast_in_dim3A_189 = arith.constant 0.000000e+00 : f32
    %broadcast_in_dim3A_190 = vector.broadcast %broadcast_in_dim3A_189 : f32 to vector<1x128xf32>
    %slice3A_191 = vector.extract_strided_slice %div3A_169 {offsets = [0, 0], sizes = [1, 1], strides = [1, 1]} : vector<1x8xf32> to vector<1x1xf32>
    %squeeze3A = vector.extract %slice3A_191[0, 0] : f32 from vector<1x1xf32>
    %ge3A = vector.broadcast %squeeze3A : f32 to vector<1x128xf32>
    %ge3A_192 = arith.cmpf oge, %convert_element_type3A_188, %ge3A : vector<1x128xf32>
    %slice3A_193 = vector.extract_strided_slice %div3A_169 {offsets = [0, 0], sizes = [1, 1], strides = [1, 1]} : vector<1x8xf32> to vector<1x1xf32>
    %squeeze3A_194 = vector.extract %slice3A_193[0, 0] : f32 from vector<1x1xf32>
    %slice3A_195 = vector.extract_strided_slice %div3A_172 {offsets = [0, 0], sizes = [1, 1], strides = [1, 1]} : vector<1x8xf32> to vector<1x1xf32>
    %squeeze3A_196 = vector.extract %slice3A_195[0, 0] : f32 from vector<1x1xf32>
    %add3A_197 = arith.addf %squeeze3A_194, %squeeze3A_196 : f32
    %lt3A = vector.broadcast %add3A_197 : f32 to vector<1x128xf32>
    %lt3A_198 = arith.cmpf olt, %convert_element_type3A_188, %lt3A : vector<1x128xf32>
    %and3A = arith.andi %ge3A_192, %lt3A_198 : vector<1x128xi1>
    %jit3A_199 = arith.constant 0.000000e+00 : f32
    %broadcast_in_dim3A_200 = vector.broadcast %jit3A_199 : f32 to vector<1x128xf32>
    %select_n3A_201 = arith.select %and3A, %broadcast_in_dim3A_200, %broadcast_in_dim3A_190 : vector<1x128xi1>, vector<1x128xf32>
    %slice3A_202 = vector.extract_strided_slice %div3A_169 {offsets = [0, 1], sizes = [1, 1], strides = [1, 1]} : vector<1x8xf32> to vector<1x1xf32>
    %squeeze3A_203 = vector.extract %slice3A_202[0, 0] : f32 from vector<1x1xf32>
    %ge3A_204 = vector.broadcast %squeeze3A_203 : f32 to vector<1x128xf32>
    %ge3A_205 = arith.cmpf oge, %convert_element_type3A_188, %ge3A_204 : vector<1x128xf32>
    %slice3A_206 = vector.extract_strided_slice %div3A_169 {offsets = [0, 1], sizes = [1, 1], strides = [1, 1]} : vector<1x8xf32> to vector<1x1xf32>
    %squeeze3A_207 = vector.extract %slice3A_206[0, 0] : f32 from vector<1x1xf32>
    %slice3A_208 = vector.extract_strided_slice %div3A_172 {offsets = [0, 1], sizes = [1, 1], strides = [1, 1]} : vector<1x8xf32> to vector<1x1xf32>
    %squeeze3A_209 = vector.extract %slice3A_208[0, 0] : f32 from vector<1x1xf32>
    %add3A_210 = arith.addf %squeeze3A_207, %squeeze3A_209 : f32
    %lt3A_211 = vector.broadcast %add3A_210 : f32 to vector<1x128xf32>
    %lt3A_212 = arith.cmpf olt, %convert_element_type3A_188, %lt3A_211 : vector<1x128xf32>
    %and3A_213 = arith.andi %ge3A_205, %lt3A_212 : vector<1x128xi1>
    %jit3A_214 = arith.constant 1.000000e+00 : f32
    %broadcast_in_dim3A_215 = vector.broadcast %jit3A_214 : f32 to vector<1x128xf32>
    %select_n3A_216 = arith.select %and3A_213, %broadcast_in_dim3A_215, %select_n3A_201 : vector<1x128xi1>, vector<1x128xf32>
    %slice3A_217 = vector.extract_strided_slice %div3A_169 {offsets = [0, 2], sizes = [1, 1], strides = [1, 1]} : vector<1x8xf32> to vector<1x1xf32>
    %squeeze3A_218 = vector.extract %slice3A_217[0, 0] : f32 from vector<1x1xf32>
    %ge3A_219 = vector.broadcast %squeeze3A_218 : f32 to vector<1x128xf32>
    %ge3A_220 = arith.cmpf oge, %convert_element_type3A_188, %ge3A_219 : vector<1x128xf32>
    %slice3A_221 = vector.extract_strided_slice %div3A_169 {offsets = [0, 2], sizes = [1, 1], strides = [1, 1]} : vector<1x8xf32> to vector<1x1xf32>
    %squeeze3A_222 = vector.extract %slice3A_221[0, 0] : f32 from vector<1x1xf32>
    %slice3A_223 = vector.extract_strided_slice %div3A_172 {offsets = [0, 2], sizes = [1, 1], strides = [1, 1]} : vector<1x8xf32> to vector<1x1xf32>
    %squeeze3A_224 = vector.extract %slice3A_223[0, 0] : f32 from vector<1x1xf32>
    %add3A_225 = arith.addf %squeeze3A_222, %squeeze3A_224 : f32
    %lt3A_226 = vector.broadcast %add3A_225 : f32 to vector<1x128xf32>
    %lt3A_227 = arith.cmpf olt, %convert_element_type3A_188, %lt3A_226 : vector<1x128xf32>
    %and3A_228 = arith.andi %ge3A_220, %lt3A_227 : vector<1x128xi1>
    %jit3A_229 = arith.constant 2.000000e+00 : f32
    %broadcast_in_dim3A_230 = vector.broadcast %jit3A_229 : f32 to vector<1x128xf32>
    %select_n3A_231 = arith.select %and3A_228, %broadcast_in_dim3A_230, %select_n3A_216 : vector<1x128xi1>, vector<1x128xf32>
    %slice3A_232 = vector.extract_strided_slice %div3A_169 {offsets = [0, 3], sizes = [1, 1], strides = [1, 1]} : vector<1x8xf32> to vector<1x1xf32>
    %squeeze3A_233 = vector.extract %slice3A_232[0, 0] : f32 from vector<1x1xf32>
    %ge3A_234 = vector.broadcast %squeeze3A_233 : f32 to vector<1x128xf32>
    %ge3A_235 = arith.cmpf oge, %convert_element_type3A_188, %ge3A_234 : vector<1x128xf32>
    %slice3A_236 = vector.extract_strided_slice %div3A_169 {offsets = [0, 3], sizes = [1, 1], strides = [1, 1]} : vector<1x8xf32> to vector<1x1xf32>
    %squeeze3A_237 = vector.extract %slice3A_236[0, 0] : f32 from vector<1x1xf32>
    %slice3A_238 = vector.extract_strided_slice %div3A_172 {offsets = [0, 3], sizes = [1, 1], strides = [1, 1]} : vector<1x8xf32> to vector<1x1xf32>
    %squeeze3A_239 = vector.extract %slice3A_238[0, 0] : f32 from vector<1x1xf32>
    %add3A_240 = arith.addf %squeeze3A_237, %squeeze3A_239 : f32
    %lt3A_241 = vector.broadcast %add3A_240 : f32 to vector<1x128xf32>
    %lt3A_242 = arith.cmpf olt, %convert_element_type3A_188, %lt3A_241 : vector<1x128xf32>
    %and3A_243 = arith.andi %ge3A_235, %lt3A_242 : vector<1x128xi1>
    %jit3A_244 = arith.constant 3.000000e+00 : f32
    %broadcast_in_dim3A_245 = vector.broadcast %jit3A_244 : f32 to vector<1x128xf32>
    %select_n3A_246 = arith.select %and3A_243, %broadcast_in_dim3A_245, %select_n3A_231 : vector<1x128xi1>, vector<1x128xf32>
    %slice3A_247 = vector.extract_strided_slice %div3A_169 {offsets = [0, 4], sizes = [1, 1], strides = [1, 1]} : vector<1x8xf32> to vector<1x1xf32>
    %squeeze3A_248 = vector.extract %slice3A_247[0, 0] : f32 from vector<1x1xf32>
    %ge3A_249 = vector.broadcast %squeeze3A_248 : f32 to vector<1x128xf32>
    %ge3A_250 = arith.cmpf oge, %convert_element_type3A_188, %ge3A_249 : vector<1x128xf32>
    %slice3A_251 = vector.extract_strided_slice %div3A_169 {offsets = [0, 4], sizes = [1, 1], strides = [1, 1]} : vector<1x8xf32> to vector<1x1xf32>
    %squeeze3A_252 = vector.extract %slice3A_251[0, 0] : f32 from vector<1x1xf32>
    %slice3A_253 = vector.extract_strided_slice %div3A_172 {offsets = [0, 4], sizes = [1, 1], strides = [1, 1]} : vector<1x8xf32> to vector<1x1xf32>
    %squeeze3A_254 = vector.extract %slice3A_253[0, 0] : f32 from vector<1x1xf32>
    %add3A_255 = arith.addf %squeeze3A_252, %squeeze3A_254 : f32
    %lt3A_256 = vector.broadcast %add3A_255 : f32 to vector<1x128xf32>
    %lt3A_257 = arith.cmpf olt, %convert_element_type3A_188, %lt3A_256 : vector<1x128xf32>
    %and3A_258 = arith.andi %ge3A_250, %lt3A_257 : vector<1x128xi1>
    %jit3A_259 = arith.constant 4.000000e+00 : f32
    %broadcast_in_dim3A_260 = vector.broadcast %jit3A_259 : f32 to vector<1x128xf32>
    %select_n3A_261 = arith.select %and3A_258, %broadcast_in_dim3A_260, %select_n3A_246 : vector<1x128xi1>, vector<1x128xf32>
    %slice3A_262 = vector.extract_strided_slice %div3A_169 {offsets = [0, 5], sizes = [1, 1], strides = [1, 1]} : vector<1x8xf32> to vector<1x1xf32>
    %squeeze3A_263 = vector.extract %slice3A_262[0, 0] : f32 from vector<1x1xf32>
    %ge3A_264 = vector.broadcast %squeeze3A_263 : f32 to vector<1x128xf32>
    %ge3A_265 = arith.cmpf oge, %convert_element_type3A_188, %ge3A_264 : vector<1x128xf32>
    %slice3A_266 = vector.extract_strided_slice %div3A_169 {offsets = [0, 5], sizes = [1, 1], strides = [1, 1]} : vector<1x8xf32> to vector<1x1xf32>
    %squeeze3A_267 = vector.extract %slice3A_266[0, 0] : f32 from vector<1x1xf32>
    %slice3A_268 = vector.extract_strided_slice %div3A_172 {offsets = [0, 5], sizes = [1, 1], strides = [1, 1]} : vector<1x8xf32> to vector<1x1xf32>
    %squeeze3A_269 = vector.extract %slice3A_268[0, 0] : f32 from vector<1x1xf32>
    %add3A_270 = arith.addf %squeeze3A_267, %squeeze3A_269 : f32
    %lt3A_271 = vector.broadcast %add3A_270 : f32 to vector<1x128xf32>
    %lt3A_272 = arith.cmpf olt, %convert_element_type3A_188, %lt3A_271 : vector<1x128xf32>
    %and3A_273 = arith.andi %ge3A_265, %lt3A_272 : vector<1x128xi1>
    %jit3A_274 = arith.constant 5.000000e+00 : f32
    %broadcast_in_dim3A_275 = vector.broadcast %jit3A_274 : f32 to vector<1x128xf32>
    %select_n3A_276 = arith.select %and3A_273, %broadcast_in_dim3A_275, %select_n3A_261 : vector<1x128xi1>, vector<1x128xf32>
    %slice3A_277 = vector.extract_strided_slice %div3A_169 {offsets = [0, 6], sizes = [1, 1], strides = [1, 1]} : vector<1x8xf32> to vector<1x1xf32>
    %squeeze3A_278 = vector.extract %slice3A_277[0, 0] : f32 from vector<1x1xf32>
    %ge3A_279 = vector.broadcast %squeeze3A_278 : f32 to vector<1x128xf32>
    %ge3A_280 = arith.cmpf oge, %convert_element_type3A_188, %ge3A_279 : vector<1x128xf32>
    %slice3A_281 = vector.extract_strided_slice %div3A_169 {offsets = [0, 6], sizes = [1, 1], strides = [1, 1]} : vector<1x8xf32> to vector<1x1xf32>
    %squeeze3A_282 = vector.extract %slice3A_281[0, 0] : f32 from vector<1x1xf32>
    %slice3A_283 = vector.extract_strided_slice %div3A_172 {offsets = [0, 6], sizes = [1, 1], strides = [1, 1]} : vector<1x8xf32> to vector<1x1xf32>
    %squeeze3A_284 = vector.extract %slice3A_283[0, 0] : f32 from vector<1x1xf32>
    %add3A_285 = arith.addf %squeeze3A_282, %squeeze3A_284 : f32
    %lt3A_286 = vector.broadcast %add3A_285 : f32 to vector<1x128xf32>
    %lt3A_287 = arith.cmpf olt, %convert_element_type3A_188, %lt3A_286 : vector<1x128xf32>
    %and3A_288 = arith.andi %ge3A_280, %lt3A_287 : vector<1x128xi1>
    %jit3A_289 = arith.constant 6.000000e+00 : f32
    %broadcast_in_dim3A_290 = vector.broadcast %jit3A_289 : f32 to vector<1x128xf32>
    %select_n3A_291 = arith.select %and3A_288, %broadcast_in_dim3A_290, %select_n3A_276 : vector<1x128xi1>, vector<1x128xf32>
    %slice3A_292 = vector.extract_strided_slice %div3A_169 {offsets = [0, 7], sizes = [1, 1], strides = [1, 1]} : vector<1x8xf32> to vector<1x1xf32>
    %squeeze3A_293 = vector.extract %slice3A_292[0, 0] : f32 from vector<1x1xf32>
    %ge3A_294 = vector.broadcast %squeeze3A_293 : f32 to vector<1x128xf32>
    %ge3A_295 = arith.cmpf oge, %convert_element_type3A_188, %ge3A_294 : vector<1x128xf32>
    %slice3A_296 = vector.extract_strided_slice %div3A_169 {offsets = [0, 7], sizes = [1, 1], strides = [1, 1]} : vector<1x8xf32> to vector<1x1xf32>
    %squeeze3A_297 = vector.extract %slice3A_296[0, 0] : f32 from vector<1x1xf32>
    %slice3A_298 = vector.extract_strided_slice %div3A_172 {offsets = [0, 7], sizes = [1, 1], strides = [1, 1]} : vector<1x8xf32> to vector<1x1xf32>
    %squeeze3A_299 = vector.extract %slice3A_298[0, 0] : f32 from vector<1x1xf32>
    %add3A_300 = arith.addf %squeeze3A_297, %squeeze3A_299 : f32
    %lt3A_301 = vector.broadcast %add3A_300 : f32 to vector<1x128xf32>
    %lt3A_302 = arith.cmpf olt, %convert_element_type3A_188, %lt3A_301 : vector<1x128xf32>
    %and3A_303 = arith.andi %ge3A_295, %lt3A_302 : vector<1x128xi1>
    %jit3A_304 = arith.constant 7.000000e+00 : f32
    %broadcast_in_dim3A_305 = vector.broadcast %jit3A_304 : f32 to vector<1x128xf32>
    %select_n3A_306 = arith.select %and3A_303, %broadcast_in_dim3A_305, %select_n3A_291 : vector<1x128xi1>, vector<1x128xf32>
    %ge3A_307 = vector.broadcast %reduce_sum3A_177 : f32 to vector<1x128xf32>
    %ge3A_308 = arith.cmpf oge, %convert_element_type3A_188, %ge3A_307 : vector<1x128xf32>
    %lt3A_309 = arith.constant 2.400000e+01 : f32
    %lt3A_310 = vector.broadcast %lt3A_309 : f32 to vector<1x128xf32>
    %lt3A_311 = arith.cmpf olt, %convert_element_type3A_188, %lt3A_310 : vector<1x128xf32>
    %and3A_312 = arith.andi %ge3A_308, %lt3A_311 : vector<1x128xi1>
    %broadcast_in_dim3A_313 = vector.broadcast %reduce_max3A_186 : f32 to vector<1x128xf32>
    %select_n3A_314 = arith.select %and3A_312, %broadcast_in_dim3A_313, %select_n3A_306 : vector<1x128xi1>, vector<1x128xf32>
    %eq3A_315 = arith.constant 3.200000e+01 : f32
    %eq3A_316 = vector.broadcast %eq3A_315 : f32 to vector<1x128xf32>
    %eq3A_317 = arith.cmpf oeq, %convert_element_type3A_188, %eq3A_316 : vector<1x128xf32>
    %broadcast_in_dim3A_318 = vector.broadcast %reduce_sum3A_177 : f32 to vector<1x128xf32>
    %select_n3A_319 = arith.select %eq3A_317, %broadcast_in_dim3A_318, %select_n3A_314 : vector<1x128xi1>, vector<1x128xf32>
    %convert_element_type3A_320 = arith.fptosi %select_n3A_319 : vector<1x128xf32> to vector<1x128xi32>
    %swap3A_321 = arith.constant 0 : index
    %swap3A_322 = arith.constant 0 : index
    %swap3A_323 = vector.load %arg2[%swap3A_321, %swap3A_322] : memref<1x128xi32, #tpu.memory_space<vmem>>, vector<1x128xi32>
    tpu.vector_store %arg2[%swap3A_321, %swap3A_322], %convert_element_type3A_320 {strides = array<i32>} : memref<1x128xi32, #tpu.memory_space<vmem>>, vector<1x128xi32>,
    return
  }
}

module attributes {stable_mosaic.version = 14 : i64} {
  func.func @_ffn_body(%arg0: i32, %arg1: memref<128xi32, #tpu.memory_space<smem>>, %arg2: memref<256x768xf32, #tpu.memory_space<vmem>>, %arg3: memref<672x2048xf32, #tpu.memory_space<vmem>>, %arg4: memref<1x1x2048xf32, #tpu.memory_space<vmem>>, %arg5: memref<2048x672xf32, #tpu.memory_space<vmem>>, %arg6: memref<1x1x672xf32, #tpu.memory_space<vmem>>, %arg7: memref<256x768xf32, #tpu.memory_space<vmem>>) attributes {dimension_semantics = [#tpu.dimension_semantics<arbitrary>], iteration_bounds = array<i64: 24>, scalar_prefetch = 1 : i64, scratch_operands = 0 : i64, tpu.core_type = #tpu.core_type<tc>, window_params = [{transform_indices = @transform_0, window_bounds = array<i64: 256, 768>}, {transform_indices = @transform_1, window_bounds = array<i64: 672, 2048>}, {transform_indices = @transform_2, window_bounds = array<i64: 1, 1, 2048>}, {transform_indices = @transform_3, window_bounds = array<i64: 2048, 672>}, {transform_indices = @transform_4, window_bounds = array<i64: 1, 1, 672>}, {transform_indices = @transform_5, window_bounds = array<i64: 256, 768>}]} {
    %get3A = arith.constant 32 : index
    %get3A_0 = memref.load %arg1[%get3A] : memref<128xi32, #tpu.memory_space<smem>>
    %lt3A = arith.cmpi slt, %arg0, %get3A_0 : i32
    %convert_element_type3A = arith.extui %lt3A : i1 to i32
    %cond3A = arith.constant 0 : i32
    %cond3A_1 = arith.cmpi ne, %convert_element_type3A, %cond3A : i32
    scf.if %cond3A_1 {
      %get3A_2 = arith.constant 0 : index
      %get3A_3 = arith.constant 0 : index
      %get3A_4 = vector.load %arg2[%get3A_2, %get3A_3] : memref<256x768xf32, #tpu.memory_space<vmem>>, vector<256x768xf32>
      %slice3A = vector.extract_strided_slice %get3A_4 {offsets = [0, 0], sizes = [256, 672], strides = [1, 1]} : vector<256x768xf32> to vector<256x672xf32>
      %get3A_5 = arith.constant 0 : index
      %get3A_6 = arith.constant 0 : index
      %get3A_7 = vector.load %arg3[%get3A_5, %get3A_6] : memref<672x2048xf32, #tpu.memory_space<vmem>>, vector<672x2048xf32>
      %dot_general3A = arith.constant dense<0.000000e+00> : vector<256x2048xf32>
      %dot_general3A_8 = tpu.matmul %slice3A, %get3A_7, %dot_general3A {dimension_numbers = #tpu.dot_dimension_numbers<[1], [0], [0], [1], [0, 0, 1, 1], [], []>, transpose_lhs_hint = false} : vector<256x672xf32>, vector<672x2048xf32>, vector<256x2048xf32> -> vector<256x2048xf32>
      %get3A_9 = arith.constant 0 : index
      %get3A_10 = arith.constant 0 : index
      %get3A_11 = arith.constant 0 : index
      %get3A_12 = vector.load %arg4[%get3A_9, %get3A_10, %get3A_11] : memref<1x1x2048xf32, #tpu.memory_space<vmem>>, vector<1x1x2048xf32>
      %get3A_13 = vector.shape_cast %get3A_12 : vector<1x1x2048xf32> to vector<1x2048xf32>
      %add3A = vector.broadcast %get3A_13 : vector<1x2048xf32> to vector<256x2048xf32>
      %add3A_14 = arith.addf %dot_general3A_8, %add3A : vector<256x2048xf32>
      %max3A = arith.constant 0.000000e+00 : f32
      %max3A_15 = vector.broadcast %max3A : f32 to vector<256x2048xf32>
      %max3A_16 = arith.maximumf %add3A_14, %max3A_15 : vector<256x2048xf32>
      %square3A = arith.mulf %max3A_16, %max3A_16 : vector<256x2048xf32>
      %get3A_17 = arith.constant 0 : index
      %get3A_18 = arith.constant 0 : index
      %get3A_19 = vector.load %arg5[%get3A_17, %get3A_18] : memref<2048x672xf32, #tpu.memory_space<vmem>>, vector<2048x672xf32>
      %dot_general3A_20 = arith.constant dense<0.000000e+00> : vector<256x672xf32>
      %dot_general3A_21 = tpu.matmul %square3A, %get3A_19, %dot_general3A_20 {dimension_numbers = #tpu.dot_dimension_numbers<[1], [0], [0], [1], [0, 0, 1, 1], [], []>, transpose_lhs_hint = false} : vector<256x2048xf32>, vector<2048x672xf32>, vector<256x672xf32> -> vector<256x672xf32>
      %get3A_22 = arith.constant 0 : index
      %get3A_23 = arith.constant 0 : index
      %get3A_24 = arith.constant 0 : index
      %get3A_25 = vector.load %arg6[%get3A_22, %get3A_23, %get3A_24] : memref<1x1x672xf32, #tpu.memory_space<vmem>>, vector<1x1x672xf32>
      %get3A_26 = vector.shape_cast %get3A_25 : vector<1x1x672xf32> to vector<1x672xf32>
      %add3A_27 = vector.broadcast %get3A_26 : vector<1x672xf32> to vector<256x672xf32>
      %add3A_28 = arith.addf %dot_general3A_21, %add3A_27 : vector<256x672xf32>
      %broadcast_in_dim3A = arith.constant 0.000000e+00 : f32
      %broadcast_in_dim3A_29 = vector.broadcast %broadcast_in_dim3A : f32 to vector<256x96xf32>
      %concatenate3A = tpu.concatenate %add3A_28, %broadcast_in_dim3A_29 in 1 : vector<256x672xf32>, vector<256x96xf32> -> vector<256x768xf32>
      %swap3A = arith.constant 0 : index
      %swap3A_30 = arith.constant 0 : index
      %swap3A_31 = vector.load %arg7[%swap3A, %swap3A_30] : memref<256x768xf32, #tpu.memory_space<vmem>>, vector<256x768xf32>
      tpu.vector_store %arg7[%swap3A, %swap3A_30], %concatenate3A {strides = array<i32>} : memref<256x768xf32, #tpu.memory_space<vmem>>, vector<256x768xf32>,
    } else {
    }
    return
  }
  func.func @transform_0(%arg0: i32, %arg1: memref<128xi32, #tpu.memory_space<smem>>) -> (i32, i32) {
    %c0_i32 = arith.constant 0 : i32
    %c0_i32_0 = arith.constant 0 : i32
    return %arg0, %c0_i32 : i32, i32
  }
  func.func @transform_1(%arg0: i32, %arg1: memref<128xi32, #tpu.memory_space<smem>>) -> (i32, i32) {
    %get3A = arith.index_cast %arg0 : i32 to index
    %get3A_0 = memref.load %arg1[%get3A] : memref<128xi32, #tpu.memory_space<smem>>
    %c0_i32 = arith.constant 0 : i32
    %c0_i32_1 = arith.constant 0 : i32
    return %get3A_0, %c0_i32 : i32, i32
  }
  func.func @transform_2(%arg0: i32, %arg1: memref<128xi32, #tpu.memory_space<smem>>) -> (i32, i32, i32) {
    %get3A = arith.index_cast %arg0 : i32 to index
    %get3A_0 = memref.load %arg1[%get3A] : memref<128xi32, #tpu.memory_space<smem>>
    %c0_i32 = arith.constant 0 : i32
    %c0_i32_1 = arith.constant 0 : i32
    %c0_i32_2 = arith.constant 0 : i32
    return %get3A_0, %c0_i32, %c0_i32_1 : i32, i32, i32
  }
  func.func @transform_3(%arg0: i32, %arg1: memref<128xi32, #tpu.memory_space<smem>>) -> (i32, i32) {
    %get3A = arith.index_cast %arg0 : i32 to index
    %get3A_0 = memref.load %arg1[%get3A] : memref<128xi32, #tpu.memory_space<smem>>
    %c0_i32 = arith.constant 0 : i32
    %c0_i32_1 = arith.constant 0 : i32
    return %get3A_0, %c0_i32 : i32, i32
  }
  func.func @transform_4(%arg0: i32, %arg1: memref<128xi32, #tpu.memory_space<smem>>) -> (i32, i32, i32) {
    %get3A = arith.index_cast %arg0 : i32 to index
    %get3A_0 = memref.load %arg1[%get3A] : memref<128xi32, #tpu.memory_space<smem>>
    %c0_i32 = arith.constant 0 : i32
    %c0_i32_1 = arith.constant 0 : i32
    %c0_i32_2 = arith.constant 0 : i32
    return %get3A_0, %c0_i32, %c0_i32_1 : i32, i32, i32
  }
  func.func @transform_5(%arg0: i32, %arg1: memref<128xi32, #tpu.memory_space<smem>>) -> (i32, i32) {
    %c0_i32 = arith.constant 0 : i32
    %c0_i32_0 = arith.constant 0 : i32
    return %arg0, %c0_i32 : i32, i32
  }
}

module attributes {stable_mosaic.version = 14 : i64} {
  func.func @_comb_body(%arg0: i32, %arg1: memref<256x672xf32, #tpu.memory_space<vmem>>, %arg2: memref<256x768xf32, #tpu.memory_space<vmem>>, %arg3: memref<256x768xf32, #tpu.memory_space<vmem>>, %arg4: memref<256x8xf32, #tpu.memory_space<vmem>>, %arg5: memref<256x672xf32, #tpu.memory_space<vmem>>) attributes {dimension_semantics = [#tpu.dimension_semantics<arbitrary>], iteration_bounds = array<i64: 8>, scalar_prefetch = 0 : i64, scratch_operands = 0 : i64, tpu.core_type = #tpu.core_type<tc>, window_params = [{transform_indices = @transform_0, window_bounds = array<i64: 256, 672>}, {transform_indices = @transform_1, window_bounds = array<i64: 256, 768>}, {transform_indices = @transform_2, window_bounds = array<i64: 256, 768>}, {transform_indices = @transform_3, window_bounds = array<i64: 256, 8>}, {transform_indices = @transform_4, window_bounds = array<i64: 256, 672>}]} {
    %get3A = arith.constant 0 : index
    %get3A_0 = arith.constant 2 : index
    %get3A_1 = vector.load %arg4[%get3A, %get3A_0] : memref<256x8xf32, #tpu.memory_space<vmem>>, vector<256x1xf32>
    %get3A_2 = arith.constant 0 : index
    %get3A_3 = arith.constant 3 : index
    %get3A_4 = vector.load %arg4[%get3A_2, %get3A_3] : memref<256x8xf32, #tpu.memory_space<vmem>>, vector<256x1xf32>
    %get3A_5 = arith.constant 0 : index
    %get3A_6 = arith.constant 0 : index
    %get3A_7 = vector.load %arg1[%get3A_5, %get3A_6] : memref<256x672xf32, #tpu.memory_space<vmem>>, vector<256x672xf32>
    %get3A_8 = arith.constant 0 : index
    %get3A_9 = arith.constant 0 : index
    %get3A_10 = vector.load %arg2[%get3A_8, %get3A_9] : memref<256x768xf32, #tpu.memory_space<vmem>>, vector<256x768xf32>
    %slice3A = vector.extract_strided_slice %get3A_10 {offsets = [0, 0], sizes = [256, 672], strides = [1, 1]} : vector<256x768xf32> to vector<256x672xf32>
    %mul3A = vector.broadcast %get3A_1 : vector<256x1xf32> to vector<256x672xf32>
    %mul3A_11 = arith.mulf %mul3A, %slice3A : vector<256x672xf32>
    %add3A = arith.addf %get3A_7, %mul3A_11 : vector<256x672xf32>
    %get3A_12 = arith.constant 0 : index
    %get3A_13 = arith.constant 0 : index
    %get3A_14 = vector.load %arg3[%get3A_12, %get3A_13] : memref<256x768xf32, #tpu.memory_space<vmem>>, vector<256x768xf32>
    %slice3A_15 = vector.extract_strided_slice %get3A_14 {offsets = [0, 0], sizes = [256, 672], strides = [1, 1]} : vector<256x768xf32> to vector<256x672xf32>
    %mul3A_16 = vector.broadcast %get3A_4 : vector<256x1xf32> to vector<256x672xf32>
    %mul3A_17 = arith.mulf %mul3A_16, %slice3A_15 : vector<256x672xf32>
    %add3A_18 = arith.addf %add3A, %mul3A_17 : vector<256x672xf32>
    %swap3A = arith.constant 0 : index
    %swap3A_19 = arith.constant 0 : index
    %swap3A_20 = vector.load %arg5[%swap3A, %swap3A_19] : memref<256x672xf32, #tpu.memory_space<vmem>>, vector<256x672xf32>
    tpu.vector_store %arg5[%swap3A, %swap3A_19], %add3A_18 {strides = array<i32>} : memref<256x672xf32, #tpu.memory_space<vmem>>, vector<256x672xf32>,
    return
  }
  func.func @transform_0(%arg0: i32) -> (i32, i32) {
    %c0_i32 = arith.constant 0 : i32
    %c0_i32_0 = arith.constant 0 : i32
    return %arg0, %c0_i32 : i32, i32
  }
  func.func @transform_1(%arg0: i32) -> (i32, i32) {
    %c0_i32 = arith.constant 0 : i32
    %c0_i32_0 = arith.constant 0 : i32
    return %arg0, %c0_i32 : i32, i32
  }
  func.func @transform_2(%arg0: i32) -> (i32, i32) {
    %c0_i32 = arith.constant 0 : i32
    %c0_i32_0 = arith.constant 0 : i32
    return %arg0, %c0_i32 : i32, i32
  }
  func.func @transform_3(%arg0: i32) -> (i32, i32) {
    %c0_i32 = arith.constant 0 : i32
    %c0_i32_0 = arith.constant 0 : i32
    return %arg0, %c0_i32 : i32, i32
  }
  func.func @transform_4(%arg0: i32) -> (i32, i32) {
    %c0_i32 = arith.constant 0 : i32
    %c0_i32_0 = arith.constant 0 : i32
    return %arg0, %c0_i32 : i32, i32
  }
}

</mosaic_0001>

<sc_bundles>
// kernel: kernel.10.cloned.1.call-start
scs
__scs_entry_jumppad:
0x0: {  	(pc) =	sbr.rel $0x88, $3  }
0x1: {  	(tag) =	ssettag $0x0;
	lr =	simm.s32 $0x1  }
0x2: {  	[smem:$0x3F92] =	sst lr;
	_ =	strace $0xD0000000  }
0x3: {  	_ = 	snop  }
0x4: {  	_ = 	snop  }
0x5: {  	_ = 	snop  }
0x6: {  	_ = 	snop  }
0x7: {  	_ = 	snop  }
__scs_overlays_trampoline_lowered:
0x8: {  	[smem:$0x3FA1] =	sst s0  }
0x9: {  	[smem:$0x3FA2] =	sst s1  }
0xa: {  	[smem:$0x3FA3] =	sst s2  }
0xb: {  	[smem:$0x3FA4] =	sst s3  }
0xc: {  	[smem:$0x3FA5] =	sst s4  }
0xd: {  	[smem:$0x3FA6] =	sst s5  }
0xe: {  	[smem:$0x3FA7] =	sst s6  }
0xf: {  	[smem:$0x3FA8] =	sst s7  }
0x10: {  	[smem:$0x3FA9] =	sst s8  }
0x11: {  	[smem:$0x3FAA] =	sst s9;
	s0 =	simm.s32 @!p0 $0x0  }
0x12: {  	s1 =	sld [smem:$0x3F90];
	s0 =	simm.s32 @p0 $0x1  }
0x13: {  	[smem:$0x3FAB] =	sst s0;
	s0 =	simm.s32 @!p1 $0x0  }
0x14: {  	s2 =	sld [smem:$0x3F8F];
	s0 =	simm.s32 @p1 $0x1  }
0x15: {  	[smem:$0x3FAC] =	sst s0;
	s0 =	simm.s32 @!p2 $0x0  }
0x16: {  	s3 =	sld [smem:$0x3FDB];
	s0 =	simm.s32 @p2 $0x1  }
0x17: {  	s4 =	simm.s32 $0x1BF5;
	[smem:$0x3FAE] =	sst s0  }
0x18: {  	s0 =	sld [smem:$0x3F91];
	_ =	swait.ge [sflag:s4], $0x0  }
0x19: {  	s7 =	sld [smem:$0x3F92]  }
0x1a: {  	s8 =	sadd.s32 $0xFFFFE003, lr  }
0x1b: {  	s9 =	sadd.s32 $0xFFFFFEF7, lr;
	s5 =	simm.s32 $0xFFFFFFFF;
	p2 =	slt.u32 s8, $0xFFFFF086  }
0x1c: {  	p1 =	slt.u32 s9, $0xF7A;
	s5 =	simm.s32 @!p2 $0x0  }
0x1d: {  	s5 =	simm.s32 @p1 $0x1;
	p0 =	seq.s32 s7, s2  }
0x1e: {  	s7 =	smul.u32 @!p0 $0xF7A, s2;
	p2 =	seq.s32 @!p0 s5, $0x0  }
0x1f: {  	s9 =	smul.u32 $0xF7A, s1;
	s8 =	simm.s32 @!p0 $0x1BF5;
	p2 =	por !p2, p0  }
0x20: {  	[sflag:s8] =	ssyncset.s32 @!p0 $0xFFFFF086;
	s6 =	sadd.s32 @!p0 s3, s7;
	s7 =	simm.s32 @!p0 $0x108  }
0x21: {  	s3 =	sadd.s32 s3, s9;
	s6 =	sadd.s32 @!p0 $0x88, s6;
	s7 =	simm.s32 @p2 $0x1082  }
0x22: {  	[simem:s7], [sflag:s8] =	dma.local @!p0 [hbm:s6], $0xF7A  }
0x23: {  	s9 =	sor.u32 $0xD0000000, s2;
	s6 =	simm.s32 $0x108;
	_ =	swait.ge @!p0 [sflag:s8], $0x0  }
0x24: {  	s3 =	sadd.s32 $0x88, s3;
	s6 =	simm.s32 @!p1 $0x1082;
	[sflag:s4] =	ssyncset.s32 $0xFFFFF086  }
0x25: {  	[simem:s6], [sflag:s4] =	dma.local [hbm:s3], $0xF7A  }
0x26: {  	[smem:$0x3F92] =	sst s1;
	(tag) =	ssettag s2;
	_ =	strace s9  }
0x27: {  	s1 =	sld [smem:$0x3FA2]  }
0x28: {  	s2 =	sld [smem:$0x3FA3]  }
0x29: {  	s4 =	sld [smem:$0x3FA5]  }
0x2a: {  	p0 =	seq.s32 s5, $0x0;
	s5 =	sld [smem:$0x3FA6]  }
0x2b: {  	s6 =	sld [smem:$0x3FA7]  }
0x2c: {  	s7 =	sld [smem:$0x3FA8]  }
0x2d: {  	s3 =	simm.s32 $0x108;
	s8 =	sld [smem:$0x3FA9]  }
0x2e: {  	s3 =	simm.s32 @!p0 $0x1082;
	s9 =	sld [smem:$0x3FAA]  }
0x2f: {  	lr =	sadd.s32 s0, s3;
	s0 =	sld [smem:$0x3FA1]  }
0x30: {  	s3 =	sld [smem:$0x3FA4]  }
0x31: {  	[smem:$0x3FAD] =	sst s10  }
0x32: {  	s10 =	sld [smem:$0x3FAB];
	_ =	sdelay $0x3  }
0x33: {  	p0 =	seq.s32 s10, $0x1;
	s10 =	sld [smem:$0x3FAD];
	_ =	sdelay $0x3  }
0x34: {  	[smem:$0x3FAD] =	sst s10  }
0x35: {  	s10 =	sld [smem:$0x3FAC];
	_ =	sdelay $0x3  }
0x36: {  	p1 =	seq.s32 s10, $0x1;
	s10 =	sld [smem:$0x3FAD];
	_ =	sdelay $0x3  }
0x37: {  	[smem:$0x3FAD] =	sst s10  }
0x38: {  	s10 =	sld [smem:$0x3FAE]  }
0x39: {  	_ = 	snop;
	(pc) =	sbr.ind lr, $3  }
0x3a: {  	_ = 	snop  }
0x3b: {  	_ = 	snop  }
0x3c: {  	p2 =	seq.s32 s10, $0x1;
	s10 =	sld [smem:$0x3FAD]  }
0x3d: {  	_ =	shalt  }
0x3e: {  	_ =	shalt  }
0x3f: {  	_ =	shalt  }
0x40: {  	_ =	shalt  }
0x41: {  	_ =	shalt  }
0x42: {  	_ =	shalt  }
0x43: {  	_ =	shalt  }
0x44: {  	_ =	shalt  }
0x45: {  	_ =	shalt  }
0x46: {  	_ =	shalt  }
0x47: {  	_ =	shalt  }
0x48: {  	_ =	shalt  }
0x49: {  	_ =	shalt  }
0x4a: {  	_ =	shalt  }
0x4b: {  	_ =	shalt  }
0x4c: {  	_ =	shalt  }
0x4d: {  	_ =	shalt  }
0x4e: {  	_ =	shalt  }
0x4f: {  	_ =	shalt  }
0x50: {  	_ =	shalt  }
0x51: {  	_ =	shalt  }
0x52: {  	_ =	shalt  }
0x53: {  	_ =	shalt  }
0x54: {  	_ =	shalt  }
0x55: {  	_ =	shalt  }
0x56: {  	_ =	shalt  }
0x57: {  	_ =	shalt  }
0x58: {  	_ =	shalt  }
0x59: {  	_ =	shalt  }
0x5a: {  	_ =	shalt  }
0x5b: {  	_ =	shalt  }
0x5c: {  	_ =	shalt  }
0x5d: {  	_ =	shalt  }
0x5e: {  	_ =	shalt  }
0x5f: {  	_ =	shalt  }
0x60: {  	_ =	shalt  }
0x61: {  	_ =	shalt  }
0x62: {  	_ =	shalt  }
0x63: {  	_ =	shalt  }
0x64: {  	_ =	shalt  }
0x65: {  	_ =	shalt  }
0x66: {  	_ =	shalt  }
0x67: {  	_ =	shalt  }
0x68: {  	_ =	shalt  }
0x69: {  	_ =	shalt  }
0x6a: {  	_ =	shalt  }
0x6b: {  	_ =	shalt  }
0x6c: {  	_ =	shalt  }
0x6d: {  	_ =	shalt  }
0x6e: {  	_ =	shalt  }
0x6f: {  	_ =	shalt  }
0x70: {  	_ =	shalt  }
0x71: {  	_ =	shalt  }
0x72: {  	_ =	shalt  }
0x73: {  	_ =	shalt  }
0x74: {  	_ =	shalt  }
0x75: {  	_ =	shalt  }
0x76: {  	_ =	shalt  }
0x77: {  	_ =	shalt  }
0x78: {  	_ =	shalt  }
0x79: {  	_ =	shalt  }
0x7a: {  	_ =	shalt  }
0x7b: {  	_ =	shalt  }
0x7c: {  	_ =	shalt  }
0x7d: {  	_ =	shalt  }
0x7e: {  	_ =	shalt  }
0x7f: {  	_ =	shalt  }
0x80: {  	_ =	shalt  }
0x81: {  	_ =	shalt  }
0x82: {  	_ =	shalt  }
0x83: {  	_ =	shalt  }
0x84: {  	_ =	shalt  }
0x85: {  	_ =	shalt  }
0x86: {  	_ =	shalt  }
0x87: {  	_ =	shalt  }
.Lfunc_end0:
.L_simem_size_0:
called_computation_lowered:
.L_overlay_start_0:
0x88: {  	s2 =	sld [smem:$0x3FD9]  }
0x89: {  	s3 =	sld [smem:$0x3FFE];
	_ =	sdelay $0x1  }
0x8a: {  	s1 =	srdreg.scid  }
0x8b: {  	s0 =	sand.u32 $0x1, s1  }
0x8c: {  	s17 =	sshll.u32 s0, $0xA;
	s2 =	sadd.s32 s3, s2  }
0x8d: {  	s2 =	sadd.s32 s2, s17  }
0x8e: {  	[smem:$0x3FB9] =	sst s2  }
0x8f: {  	_ = 	snop  }
0x90: {  	s2 =	sld [smem:$0x3FD0];
	(tm) =	ssettm $0x1  }
0x91: {  	s18 =	sld [smem:$0x3FFB];
	_ =	sdelay $0x3  }
0x92: {  	_ =	strace s18  }
0x93: {  	s3 =	sld [smem:$0x3FFC];
	_ =	sdelay $0x3  }
0x94: {  	_ =	strace s3  }
0x95: {  	s3 =	sld [smem:$0x3FFD];
	_ =	sdelay $0x3  }
0x96: {  	_ =	strace s3  }
0x97: {  	_ =	strace $0x8FFFFFFF  }
0x98: {  	s19 =	sld [smem:$0x3FDB];
	_ =	sdelay $0x1  }
0x99: {  	s4 =	simm.s32 $_scs_section_size  }
0x9a: {  	s5 =	simm.s32 $_size__tile_overlayer_lowered;
	s6 =	simm.s32 $_tile_overlayer_lowered  }
0x9b: {  	s22 =	simm.s32 $0x1BFF;
	s21 =	sshll.u32 s6, $0x1;
	s3 =	sadd.s32 s4, s19  }
0x9c: {  	s7 =	simm.s32 $0x0;
	s20 =	sshll.u32 s5, $0x1;
	s5 =	sadd.s32 s21, s3  }
0x9d: {  	[timem:s7], [sflag:s22] =	dma.local [hbm:s5], s20  }
0x9e: {  	_ =	swait.ge [sflag:s22], s20  }
0x9f: {  	s4 =	ssub.s32 $0x0, s20;
	[sflag:s22] =	ssyncset.done $0x0  }
0xa0: {  	[sflag:s22] =	ssyncadd.s32 s4;
	_ =	sdelay $0x1  }
0xa1: {  	s23 =	simm.s32 $0x1B8B  }
0xa2: {  	_ =	swait.ge [sflag:s23], $0x1  }
0xa3: {  	[sflag:s23] =	ssyncset.done $0x0  }
0xa4: {  	s25 =	simm.s32 $0x1B8E;
	s24 =	sld [smem:$0x3FFE];
	[sflag:s23] =	ssyncadd.s32 $0xFFFFFFFF  }
0xa5: {  	s26 =	simm.s32 $execute0_lowered;
	[smem:$0x3FD2] =	sst s25  }
0xa6: {  	s5 =	sshll.u32 s26, $0x1;
	_ =	strace $0x80000046;
	[dreg:$0x1] =	wrdreg $0xFFFFFFFF  }
0xa7: {  	s28 =	simm.s32 $_size_execute0_lowered;
	s3 =	sadd.s32 s3, s5;
	[dreg:$0x0] =	wrdreg $0x0  }
0xa8: {  	s5 =	sshll.u32 s28, $0x1;
	[dreg:$0x2] =	wrdreg s3  }
0xa9: {  	[dreg:$0x3] =	wrdreg s5  }
0xaa: {  	[dreg:$0x4] =	wrdreg $0xC0  }
0xab: {  	_ =	task [dreg:s7], $0x5FFFF  }
0xac: {  	[dreg:$0x1] =	wrdreg $0xFFFFFFFF  }
0xad: {  	[dreg:$0x0] =	wrdreg $0x60  }
0xae: {  	[dreg:$0x2] =	wrdreg s2  }
0xaf: {  	[dreg:$0x3] =	wrdreg s24  }
0xb0: {  	[dreg:$0x4] =	wrdreg $0x9  }
0xb1: {  	_ =	task.clear_ibuf [dreg:s7], $0x5FFFF;
	_ =	strace $0x90000046  }
0xb2: {  	s29 =	simm.s32 $0x9;
	_ =	strace $0x80000048  }
0xb3: {  	_ =	swait.ge [sflag:s29], $0x1  }
0xb4: {  	[sflag:s29] =	ssyncadd.s32 $0xFFFFFFFF  }
0xb5: {  	_ =	strace $0x90000048  }
0xb6: {  	_ =	sfence  }
0xb7: {  	s30 =	sld [smem:$0x0];
	_ =	sdelay $0x2  }
0xb8: {  	s31 =	sshll.u32 s1, $0xD;
	s1 =	sshrl.u32 s1, $0x2  }
0xb9: {  	s3 =	sand.u32 $0x4000, s31;
	s1 =	sadd.s32 s1, s30  }
0xba: {  	s0 =	sor.u32 s3, s0;
	s1 =	sshll.u32 s1, $0x11  }
0xbb: {  	s0 =	sor.u32 s1, s0  }
0xbc: {  	s0 =	sadd.s32 $0x8F2B, s0  }
0xbd: {  	[sflag:s0] =	ssyncadd.remote.s32 $0x1  }
0xbe: {  	_ =	sfence.sel $0xFFFF  }
0xbf: {  	[dreg:$0x0] =	wrdreg $0xFFFFFFFF;
	(pc) =	sbr.abs _section_cstart, $3  }
0xc0: {  	[dreg:$0x1] =	wrdreg $0xFFFFFFFF  }
0xc1: {  	_ =	task.clear_ibuf [dreg:s7], $0x2FFFF;
	_ =	strace $0x9FFFFFFF  }
0xc2: {  	(tm) =	ssettm $0x7FFFFFFF  }
0xc3: {  	_ =	shalt  }
tec
execute0_lowered:
.L_overlay_start_1:
0x0: {  	(tag) =	ssettag $0x1  }
0x1: {  	s1 =	srdreg.scid  }
0x2: {  	s0 =	stileid.u32;
	s1 =	sand.u32 $0x1, s1  }
0x3: {  	s4 =	rddreg [dreg:$0x0];
	s2 =	sshll.u32 s0, $0x5;
	s3 =	sshll.u32 s1, $0x4  }
0x4: {  	s5 =	rddreg [dreg:$0x1];
	s3 =	sor.u32 s3, s2;
	s2 =	simm.s32 $0x0  }
0x5: {  	s6 =	sand.u32 $0xF0, s3;
	[smem:$0x7FF] =	sst s2;
	s3 =	sadd.s32 s4, s3  }
0x6: {  	s25 =	simm.s32 $0x880;
	_ =	strace $0x80000047;
	[dreg:$0x3] =	wrdreg s3  }
0x7: {  	s26 =	simm.s32 $0x1080;
	[dreg:$0x5] =	wrdreg s25  }
0x8: {  	s0 =	simm.s32 $0x1880;
	[dreg:$0x6] =	wrdreg s26  }
0x9: {  	s4 =	simm.s32 $0x2080;
	[dreg:$0x7] =	wrdreg s0  }
0xa: {  	s7 =	simm.s32 $0x3080;
	[dreg:$0x8] =	wrdreg s4  }
0xb: {  	s8 =	simm.s32 $0x3880;
	[dreg:$0xa] =	wrdreg s7  }
0xc: {  	s9 =	simm.s32 $0x4080;
	[dreg:$0xb] =	wrdreg s8  }
0xd: {  	s10 =	simm.s32 $0x4880;
	[dreg:$0xc] =	wrdreg s9  }
0xe: {  	s11 =	simm.s32 $0x5080;
	[dreg:$0xd] =	wrdreg s10  }
0xf: {  	s12 =	simm.s32 $0x5880;
	[dreg:$0xe] =	wrdreg s11  }
0x10: {  	s13 =	simm.s32 $0x6080;
	s14 =	simm.s32 $0x6880;
	[dreg:$0xf] =	wrdreg s12  }
0x11: {  	s15 =	simm.s32 $0x7080;
	s16 =	simm.s32 $0x7880;
	[dreg:$0x10] =	wrdreg s13  }
0x12: {  	s17 =	simm.s32 $0x8080;
	s18 =	simm.s32 $0x8880;
	[dreg:$0x11] =	wrdreg s14  }
0x13: {  	s19 =	simm.s32 $0x9080;
	s21 =	simm.s32 $0x9880;
	[dreg:$0x12] =	wrdreg s15  }
0x14: {  	s22 =	simm.s32 $0xA080;
	s23 =	simm.s32 $0xA880;
	[dreg:$0x13] =	wrdreg s16  }
0x15: {  	s28 =	simm.s32 $0x16080;
	s29 =	simm.s32 $0x16880;
	[dreg:$0x14] =	wrdreg s17  }
0x16: {  	s30 =	simm.s32 $0x17080;
	s1 =	ssub.s32 $0x2, s1;
	[dreg:$0x15] =	wrdreg s18  }
0x17: {  	s31 =	simm.s32 $0x17880;
	s20 =	sshrl.u32 s1, $0x1;
	[dreg:$0x16] =	wrdreg s19  }
0x18: {  	s1 =	ssub.s32 s1, s20;
	s20 =	simm.s32 $0x12880;
	[dreg:$0x17] =	wrdreg s21  }
0x19: {  	s6 =	smul.u32 $0x300, s6;
	s3 =	sadd.s32 $0x63600, s5;
	[dreg:$0x18] =	wrdreg s22  }
0x1a: {  	s4 =	sadd.s32 $0x63700, s5;
	[dreg:$0x19] =	wrdreg s23;
	s7 =	simm.s32 $0xB080  }
0x1b: {  	s25 =	simm.s32 $0xC080;
	s8 =	simm.s32 $0x80;
	s26 =	simm.s32 $0xC880  }
0x1c: {  	s10 =	simm.s32 $0xD880;
	s11 =	simm.s32 $0xE080;
	s12 =	simm.s32 $0xE880  }
0x1d: {  	s13 =	simm.s32 $0xF080;
	s14 =	simm.s32 $0xF880;
	s15 =	simm.s32 $0x10080  }
0x1e: {  	s16 =	simm.s32 $0x10880;
	s17 =	simm.s32 $0x11080;
	s18 =	simm.s32 $0x11880  }
0x1f: {  	s19 =	simm.s32 $0x12080;
	s21 =	simm.s32 $0x13080;
	[dreg:$0x1a] =	wrdreg s7  }
0x20: {  	s22 =	simm.s32 $0x13880;
	s23 =	simm.s32 $0x14080;
	[dreg:$0x1c] =	wrdreg s25  }
0x21: {  	s7 =	simm.s32 $0x2;
	[dreg:$0x1d] =	wrdreg s26;
	s6 =	sadd.s32 s6, s5  }
0x22: {  	s25 =	simm.s32 $0x15080;
	s26 =	simm.s32 $0x15880;
	s24 =	sadd.s32 $0x3200, s6  }
0x23: {  	v2 =	vlaneseq.u32;
	s5 =	sadd.s32 $0x63800, s5;
	s6 =	simm.s32 $0x2880;
	[dreg:$0x4] =	wrdreg s24  }
0x24: {  	vm0 =	vmmov $0xffff;
	v1 =	vshrl.u32 v2, $0x3;
	[dreg:$0x9] =	wrdreg s6;
	s6 =	smax.u32 s1, $0x1;
	s24 =	simm.s32 $0xB880  }
0x25: {  	v0 =	vand.u32 $0x7, v2;
	v2 =	vor.u32 $0x8, v2;
	v1 =	vmul.u32 $0x8, v1;
	s1 =	simm.s32 $0x1;
	[dreg:$0x1b] =	wrdreg s24;
	s24 =	simm.s32 $0x14880  }
.LBB2_1:
0x26: {  	s0 =	rddreg [dreg:$0x3]  }
0x27: {  	[tilespmem:s2], [sflag:$0x2] =	stream.linear.gather [hbm4b:s0+s2], $0x80, $0x38;
	[tilespmem:$0x18080] =	vst v63  }
0x28: {  	_ =	swait.ge [sflag:s7], $0x80  }
0x29: {  	[sflag:s7] =	ssyncset.done $0x0  }
0x2a: {  	s9 =	rddreg [dreg:$0x4];
	[sflag:s7] =	ssyncadd.s32 $0xFFFFFF80  }
0x2b: {  	[tilespmem:s8], [sflag:$0x2] =	stream.linear.gather [hbm4b:s9+s2], $0x18000, $0x38;
	[tilespmem:$0x18080] =	vst v63  }
0x2c: {  	_ =	swait.ge [sflag:s7], $0x18000  }
0x2d: {  	[sflag:s7] =	ssyncset.done $0x0  }
0x2e: {  	[sflag:s7] =	ssyncadd.s32 $0xFFFE8000  }
0x2f: {  	v3 =	vld [tilespmem:$0x0];
	_ =	sdelay $0x4  }
0x30: {  	v4 =	vshrl.u32 v3, $0x3  }
0x31: {  	v4 =	vmul.u32 $0x30, v4  }
0x32: {  	v3 =	vand.u32 $0x7, v3  }
0x33: {  	v3 =	vor.u32 v3, v4  }
0x34: {  	v4 =	vperm.xlane v3, v0;
	_ =	sdelay $0x1  }
0x35: {  	v4 =	vadd.s32 v1, v4;
	_ =	sdelay $0x3  }
0x36: {  	v3 =	vperm.xlane v3, v2  }
0x37: {  	[hbm4b:s3+s2] =	stream.indirect_vreg.scatter [tilespmem:s8], [sflag:$0x1], $0x80, v4, vm0, $0xb8;
	[tilespmem:$0x18080] =	vst v63  }
0x38: {  	s0 =	rddreg [dreg:$0x5];
	v3 =	vadd.s32 v1, v3  }
0x39: {  	[hbm4b:s4+s2] =	stream.indirect_vreg.scatter [tilespmem:s0], [sflag:$0x1], $0x80, v4, vm0, $0xb8;
	[tilespmem:$0x18080] =	vst v63  }
0x3a: {  	s9 =	rddreg [dreg:$0x6]  }
0x3b: {  	[hbm4b:s5+s2] =	stream.indirect_vreg.scatter [tilespmem:s9], [sflag:$0x1], $0x80, v4, vm0, $0xb8;
	[tilespmem:$0x18080] =	vst v63  }
0x3c: {  	s0 =	rddreg [dreg:$0x7]  }
0x3d: {  	[hbm4b:s3+s2] =	stream.indirect_vreg.scatter [tilespmem:s0], [sflag:$0x1], $0x80, v3, vm0, $0xb8;
	[tilespmem:$0x18080] =	vst v63  }
0x3e: {  	s9 =	rddreg [dreg:$0x8]  }
0x3f: {  	[hbm4b:s4+s2] =	stream.indirect_vreg.scatter [tilespmem:s9], [sflag:$0x1], $0x80, v3, vm0, $0xb8;
	[tilespmem:$0x18080] =	vst v63  }
0x40: {  	s0 =	rddreg [dreg:$0x9]  }
0x41: {  	[hbm4b:s5+s2] =	stream.indirect_vreg.scatter [tilespmem:s0], [sflag:$0x1], $0x80, v3, vm0, $0xb8;
	[tilespmem:$0x18080] =	vst v63  }
0x42: {  	v3 =	vld [tilespmem:$0x10];
	_ =	sdelay $0x4  }
0x43: {  	v57 =	vshrl.u32 v3, $0x3  }
0x44: {  	v4 =	vmul.u32 $0x30, v57  }
0x45: {  	v3 =	vand.u32 $0x7, v3  }
0x46: {  	v3 =	vor.u32 v3, v4  }
0x47: {  	v4 =	vperm.xlane v3, v0;
	_ =	sdelay $0x1  }
0x48: {  	v4 =	vadd.s32 v1, v4;
	_ =	sdelay $0x3  }
0x49: {  	s0 =	rddreg [dreg:$0xa];
	v3 =	vperm.xlane v3, v2  }
0x4a: {  	[hbm4b:s3+s2] =	stream.indirect_vreg.scatter [tilespmem:s0], [sflag:$0x1], $0x80, v4, vm0, $0xb8;
	[tilespmem:$0x18080] =	vst v63  }
0x4b: {  	s9 =	rddreg [dreg:$0xb];
	v3 =	vadd.s32 v1, v3  }
0x4c: {  	[hbm4b:s4+s2] =	stream.indirect_vreg.scatter [tilespmem:s9], [sflag:$0x1], $0x80, v4, vm0, $0xb8;
	[tilespmem:$0x18080] =	vst v63  }
0x4d: {  	s0 =	rddreg [dreg:$0xc]  }
0x4e: {  	[hbm4b:s5+s2] =	stream.indirect_vreg.scatter [tilespmem:s0], [sflag:$0x1], $0x80, v4, vm0, $0xb8;
	[tilespmem:$0x18080] =	vst v63  }
0x4f: {  	s9 =	rddreg [dreg:$0xd]  }
0x50: {  	[hbm4b:s3+s2] =	stream.indirect_vreg.scatter [tilespmem:s9], [sflag:$0x1], $0x80, v3, vm0, $0xb8;
	[tilespmem:$0x18080] =	vst v63  }
0x51: {  	s0 =	rddreg [dreg:$0xe]  }
0x52: {  	[hbm4b:s4+s2] =	stream.indirect_vreg.scatter [tilespmem:s0], [sflag:$0x1], $0x80, v3, vm0, $0xb8;
	[tilespmem:$0x18080] =	vst v63  }
0x53: {  	s9 =	rddreg [dreg:$0xf]  }
0x54: {  	[hbm4b:s5+s2] =	stream.indirect_vreg.scatter [tilespmem:s9], [sflag:$0x1], $0x80, v3, vm0, $0xb8;
	[tilespmem:$0x18080] =	vst v63  }
0x55: {  	v3 =	vld [tilespmem:$0x20];
	_ =	sdelay $0x4  }
0x56: {  	v58 =	vshrl.u32 v3, $0x3  }
0x57: {  	v4 =	vmul.u32 $0x30, v58  }
0x58: {  	v3 =	vand.u32 $0x7, v3  }
0x59: {  	v3 =	vor.u32 v3, v4  }
0x5a: {  	v4 =	vperm.xlane v3, v0;
	_ =	sdelay $0x1  }
0x5b: {  	v4 =	vadd.s32 v1, v4;
	_ =	sdelay $0x3  }
0x5c: {  	s0 =	rddreg [dreg:$0x10];
	v3 =	vperm.xlane v3, v2  }
0x5d: {  	[hbm4b:s3+s2] =	stream.indirect_vreg.scatter [tilespmem:s0], [sflag:$0x1], $0x80, v4, vm0, $0xb8;
	[tilespmem:$0x18080] =	vst v63  }
0x5e: {  	s9 =	rddreg [dreg:$0x11];
	v3 =	vadd.s32 v1, v3  }
0x5f: {  	[hbm4b:s4+s2] =	stream.indirect_vreg.scatter [tilespmem:s9], [sflag:$0x1], $0x80, v4, vm0, $0xb8;
	[tilespmem:$0x18080] =	vst v63  }
0x60: {  	s0 =	rddreg [dreg:$0x12]  }
0x61: {  	[hbm4b:s5+s2] =	stream.indirect_vreg.scatter [tilespmem:s0], [sflag:$0x1], $0x80, v4, vm0, $0xb8;
	[tilespmem:$0x18080] =	vst v63  }
0x62: {  	s9 =	rddreg [dreg:$0x13]  }
0x63: {  	[hbm4b:s3+s2] =	stream.indirect_vreg.scatter [tilespmem:s9], [sflag:$0x1], $0x80, v3, vm0, $0xb8;
	[tilespmem:$0x18080] =	vst v63  }
0x64: {  	s0 =	rddreg [dreg:$0x14]  }
0x65: {  	[hbm4b:s4+s2] =	stream.indirect_vreg.scatter [tilespmem:s0], [sflag:$0x1], $0x80, v3, vm0, $0xb8;
	[tilespmem:$0x18080] =	vst v63  }
0x66: {  	s9 =	rddreg [dreg:$0x15]  }
0x67: {  	[hbm4b:s5+s2] =	stream.indirect_vreg.scatter [tilespmem:s9], [sflag:$0x1], $0x80, v3, vm0, $0xb8;
	[tilespmem:$0x18080] =	vst v63  }
0x68: {  	v3 =	vld [tilespmem:$0x30];
	_ =	sdelay $0x4  }
0x69: {  	v59 =	vshrl.u32 v3, $0x3  }
0x6a: {  	v4 =	vmul.u32 $0x30, v59  }
0x6b: {  	v3 =	vand.u32 $0x7, v3  }
0x6c: {  	v3 =	vor.u32 v3, v4  }
0x6d: {  	v4 =	vperm.xlane v3, v0;
	_ =	sdelay $0x1  }
0x6e: {  	v4 =	vadd.s32 v1, v4;
	_ =	sdelay $0x3  }
0x6f: {  	s0 =	rddreg [dreg:$0x16];
	v3 =	vperm.xlane v3, v2  }
0x70: {  	[hbm4b:s3+s2] =	stream.indirect_vreg.scatter [tilespmem:s0], [sflag:$0x1], $0x80, v4, vm0, $0xb8;
	[tilespmem:$0x18080] =	vst v63  }
0x71: {  	s9 =	rddreg [dreg:$0x17];
	v3 =	vadd.s32 v1, v3  }
0x72: {  	[hbm4b:s4+s2] =	stream.indirect_vreg.scatter [tilespmem:s9], [sflag:$0x1], $0x80, v4, vm0, $0xb8;
	[tilespmem:$0x18080] =	vst v63  }
0x73: {  	s0 =	rddreg [dreg:$0x18]  }
0x74: {  	[hbm4b:s5+s2] =	stream.indirect_vreg.scatter [tilespmem:s0], [sflag:$0x1], $0x80, v4, vm0, $0xb8;
	[tilespmem:$0x18080] =	vst v63  }
0x75: {  	s9 =	rddreg [dreg:$0x19]  }
0x76: {  	[hbm4b:s3+s2] =	stream.indirect_vreg.scatter [tilespmem:s9], [sflag:$0x1], $0x80, v3, vm0, $0xb8;
	[tilespmem:$0x18080] =	vst v63  }
0x77: {  	s0 =	rddreg [dreg:$0x1a]  }
0x78: {  	[hbm4b:s4+s2] =	stream.indirect_vreg.scatter [tilespmem:s0], [sflag:$0x1], $0x80, v3, vm0, $0xb8;
	[tilespmem:$0x18080] =	vst v63  }
0x79: {  	s9 =	rddreg [dreg:$0x1b]  }
0x7a: {  	[hbm4b:s5+s2] =	stream.indirect_vreg.scatter [tilespmem:s9], [sflag:$0x1], $0x80, v3, vm0, $0xb8;
	[tilespmem:$0x18080] =	vst v63  }
0x7b: {  	v3 =	vld [tilespmem:$0x40];
	_ =	sdelay $0x4  }
0x7c: {  	v60 =	vshrl.u32 v3, $0x3  }
0x7d: {  	v4 =	vmul.u32 $0x30, v60  }
0x7e: {  	v3 =	vand.u32 $0x7, v3  }
0x7f: {  	v3 =	vor.u32 v3, v4  }
0x80: {  	v4 =	vperm.xlane v3, v0;
	_ =	sdelay $0x1  }
0x81: {  	v4 =	vadd.s32 v1, v4;
	_ =	sdelay $0x3  }
0x82: {  	s0 =	rddreg [dreg:$0x1c];
	v3 =	vperm.xlane v3, v2  }
0x83: {  	[hbm4b:s3+s2] =	stream.indirect_vreg.scatter [tilespmem:s0], [sflag:$0x1], $0x80, v4, vm0, $0xb8;
	[tilespmem:$0x18080] =	vst v63  }
0x84: {  	s9 =	rddreg [dreg:$0x1d];
	v3 =	vadd.s32 v1, v3  }
0x85: {  	[hbm4b:s4+s2] =	stream.indirect_vreg.scatter [tilespmem:s9], [sflag:$0x1], $0x80, v4, vm0, $0xb8;
	[tilespmem:$0x18080] =	vst v63  }
0x86: {  	s9 =	simm.s32 $0xD080  }
0x87: {  	[hbm4b:s5+s2] =	stream.indirect_vreg.scatter [tilespmem:s9], [sflag:$0x1], $0x80, v4, vm0, $0xb8;
	[tilespmem:$0x18080] =	vst v63  }
0x88: {  	_ = 	snop  }
0x89: {  	[hbm4b:s3+s2] =	stream.indirect_vreg.scatter [tilespmem:s10], [sflag:$0x1], $0x80, v3, vm0, $0xb8;
	[tilespmem:$0x18080] =	vst v63  }
0x8a: {  	_ = 	snop  }
0x8b: {  	[hbm4b:s4+s2] =	stream.indirect_vreg.scatter [tilespmem:s11], [sflag:$0x1], $0x80, v3, vm0, $0xb8;
	[tilespmem:$0x18080] =	vst v63  }
0x8c: {  	_ = 	snop  }
0x8d: {  	[hbm4b:s5+s2] =	stream.indirect_vreg.scatter [tilespmem:s12], [sflag:$0x1], $0x80, v3, vm0, $0xb8;
	[tilespmem:$0x18080] =	vst v63  }
0x8e: {  	v3 =	vld [tilespmem:$0x50];
	_ =	sdelay $0x4  }
0x8f: {  	v61 =	vshrl.u32 v3, $0x3  }
0x90: {  	v4 =	vmul.u32 $0x30, v61  }
0x91: {  	v3 =	vand.u32 $0x7, v3  }
0x92: {  	v3 =	vor.u32 v3, v4  }
0x93: {  	v4 =	vperm.xlane v3, v0;
	_ =	sdelay $0x1  }
0x94: {  	v4 =	vadd.s32 v1, v4;
	_ =	sdelay $0x3  }
0x95: {  	v3 =	vperm.xlane v3, v2  }
0x96: {  	[hbm4b:s3+s2] =	stream.indirect_vreg.scatter [tilespmem:s13], [sflag:$0x1], $0x80, v4, vm0, $0xb8;
	[tilespmem:$0x18080] =	vst v63  }
0x97: {  	v3 =	vadd.s32 v1, v3  }
0x98: {  	[hbm4b:s4+s2] =	stream.indirect_vreg.scatter [tilespmem:s14], [sflag:$0x1], $0x80, v4, vm0, $0xb8;
	[tilespmem:$0x18080] =	vst v63  }
0x99: {  	_ = 	snop  }
0x9a: {  	[hbm4b:s5+s2] =	stream.indirect_vreg.scatter [tilespmem:s15], [sflag:$0x1], $0x80, v4, vm0, $0xb8;
	[tilespmem:$0x18080] =	vst v63  }
0x9b: {  	_ = 	snop  }
0x9c: {  	[hbm4b:s3+s2] =	stream.indirect_vreg.scatter [tilespmem:s16], [sflag:$0x1], $0x80, v3, vm0, $0xb8;
	[tilespmem:$0x18080] =	vst v63  }
0x9d: {  	_ = 	snop  }
0x9e: {  	[hbm4b:s4+s2] =	stream.indirect_vreg.scatter [tilespmem:s17], [sflag:$0x1], $0x80, v3, vm0, $0xb8;
	[tilespmem:$0x18080] =	vst v63  }
0x9f: {  	_ = 	snop  }
0xa0: {  	[hbm4b:s5+s2] =	stream.indirect_vreg.scatter [tilespmem:s18], [sflag:$0x1], $0x80, v3, vm0, $0xb8;
	[tilespmem:$0x18080] =	vst v63  }
0xa1: {  	v3 =	vld [tilespmem:$0x60];
	_ =	sdelay $0x4  }
0xa2: {  	v62 =	vshrl.u32 v3, $0x3  }
0xa3: {  	v4 =	vmul.u32 $0x30, v62  }
0xa4: {  	v3 =	vand.u32 $0x7, v3  }
0xa5: {  	v3 =	vor.u32 v3, v4  }
0xa6: {  	v4 =	vperm.xlane v3, v0;
	_ =	sdelay $0x1  }
0xa7: {  	v4 =	vadd.s32 v1, v4;
	_ =	sdelay $0x3  }
0xa8: {  	v3 =	vperm.xlane v3, v2  }
0xa9: {  	[hbm4b:s3+s2] =	stream.indirect_vreg.scatter [tilespmem:s19], [sflag:$0x1], $0x80, v4, vm0, $0xb8;
	[tilespmem:$0x18080] =	vst v63  }
0xaa: {  	v3 =	vadd.s32 v1, v3  }
0xab: {  	[hbm4b:s4+s2] =	stream.indirect_vreg.scatter [tilespmem:s20], [sflag:$0x1], $0x80, v4, vm0, $0xb8;
	[tilespmem:$0x18080] =	vst v63  }
0xac: {  	_ = 	snop  }
0xad: {  	[hbm4b:s5+s2] =	stream.indirect_vreg.scatter [tilespmem:s21], [sflag:$0x1], $0x80, v4, vm0, $0xb8;
	[tilespmem:$0x18080] =	vst v63  }
0xae: {  	_ = 	snop  }
0xaf: {  	[hbm4b:s3+s2] =	stream.indirect_vreg.scatter [tilespmem:s22], [sflag:$0x1], $0x80, v3, vm0, $0xb8;
	[tilespmem:$0x18080] =	vst v63  }
0xb0: {  	_ = 	snop  }
0xb1: {  	[hbm4b:s4+s2] =	stream.indirect_vreg.scatter [tilespmem:s23], [sflag:$0x1], $0x80, v3, vm0, $0xb8;
	[tilespmem:$0x18080] =	vst v63  }
0xb2: {  	_ = 	snop  }
0xb3: {  	[hbm4b:s5+s2] =	stream.indirect_vreg.scatter [tilespmem:s24], [sflag:$0x1], $0x80, v3, vm0, $0xb8;
	[tilespmem:$0x18080] =	vst v63  }
0xb4: {  	v3 =	vld [tilespmem:$0x70];
	_ =	sdelay $0x4  }
0xb5: {  	v63 =	vshrl.u32 v3, $0x3  }
0xb6: {  	v4 =	vmul.u32 $0x30, v63  }
0xb7: {  	v3 =	vand.u32 $0x7, v3  }
0xb8: {  	v3 =	vor.u32 v3, v4  }
0xb9: {  	v4 =	vperm.xlane v3, v0;
	_ =	sdelay $0x1  }
0xba: {  	v4 =	vadd.s32 v1, v4;
	_ =	sdelay $0x3  }
0xbb: {  	v3 =	vperm.xlane v3, v2  }
0xbc: {  	[hbm4b:s3+s2] =	stream.indirect_vreg.scatter [tilespmem:s25], [sflag:$0x1], $0x80, v4, vm0, $0xb8;
	[tilespmem:$0x18080] =	vst v63  }
0xbd: {  	v3 =	vadd.s32 v1, v3  }
0xbe: {  	[hbm4b:s4+s2] =	stream.indirect_vreg.scatter [tilespmem:s26], [sflag:$0x1], $0x80, v4, vm0, $0xb8;
	[tilespmem:$0x18080] =	vst v63  }
0xbf: {  	_ = 	snop  }
0xc0: {  	[hbm4b:s5+s2] =	stream.indirect_vreg.scatter [tilespmem:s28], [sflag:$0x1], $0x80, v4, vm0, $0xb8;
	[tilespmem:$0x18080] =	vst v63  }
0xc1: {  	_ = 	snop  }
0xc2: {  	[hbm4b:s3+s2] =	stream.indirect_vreg.scatter [tilespmem:s29], [sflag:$0x1], $0x80, v3, vm0, $0xb8;
	[tilespmem:$0x18080] =	vst v63  }
0xc3: {  	p0 =	sne.s32 s6, $0x1  }
0xc4: {  	[hbm4b:s4+s2] =	stream.indirect_vreg.scatter [tilespmem:s30], [sflag:$0x1], $0x80, v3, vm0, $0xb8;
	[tilespmem:$0x18080] =	vst v63  }
.Ltmp0:
0xc5: {  	_ = 	snop;
	(pc) =	sbr.rel @p0 .LBB2_1-.Ltmp0, $4  }
0xc6: {  	[hbm4b:s5+s2] =	stream.indirect_vreg.scatter [tilespmem:s31], [sflag:$0x1], $0x80, v3, vm0, $0xb8;
	[tilespmem:$0x18080] =	vst v63  }
0xc7: {  	_ =	swait.ge [sflag:s1], $0x18000  }
0xc8: {  	[sflag:s1] =	ssyncset.done $0x0  }
0xc9: {  	s6 =	sadd.s32 $0xFFFFFFFF, s6;
	[sflag:s1] =	ssyncadd.s32 $0xFFFE8000  }
0xca: {  	_ =	sfence.sel $0x180000  }
0xcb: {  	[bflag:$0x0] =	sbarrier.arrive $0xFFFF  }
0xcc: {  	_ =	strace $0x90000047  }
0xcd: {  	s0 =	stileid.u32;
	[bflag:$0x2] =	sbarrier.arrive $0xFFFF  }
0xce: {  	p0 =	sne.s32 s0, $0x0;
	s0 =	rddreg [dreg:$0x2]  }
0xcf: {  	s0 =	sadd.s32 @!p0 $0x100000, s0  }
0xd0: {  	[sflag:s0] =	ssyncadd.tile.s32 @!p0 $0x1;
	_ =	shalt  }
.Lfunc_end2:
_tile_overlayer_lowered:
.L_overlay_start_2:
0xd1: {  	(tag) =	ssettag $0x2  }
0xd2: {  	s0 =	rddreg [dreg:$0x0];
	s2 =	stileid.u32  }
0xd3: {  	s1 =	rddreg [dreg:$0x1];
	p0 =	sne.s32 s2, $0x0  }
0xd4: {  	s3 =	rddreg [dreg:$0x2];
	[bflag:$0x3] =	sbarrier.arrive $0xFFFF;
	s2 =	simm.s32 @!p0 $0x1C02  }
0xd5: {  	[timem:s3], [sflag:s2] =	dma.local @!p0 [hbm:s0], s1  }
0xd6: {  	s0 =	simm.s32 @!p0 $0x2  }
0xd7: {  	_ =	swait.ge @!p0 [sflag:s0], s1  }
0xd8: {  	s1 =	ssub.s32 @!p0 $0x0, s1;
	[sflag:s0] =	ssyncset.done @!p0 $0x0  }
0xd9: {  	[sflag:s0] =	ssyncadd.s32 @!p0 s1  }
0xda: {  	[bflag:$0x3] =	sbarrier.arrive $0xFFFF  }
0xdb: {  	_ =	shalt  }

// kernel: kernel.13.cloned.1.call-start
scs
__scs_entry_jumppad:
0x0: {  	(pc) =	sbr.rel $0x88, $3  }
0x1: {  	(tag) =	ssettag $0x0;
	lr =	simm.s32 $0x1  }
0x2: {  	[smem:$0x3F92] =	sst lr;
	_ =	strace $0xD0000000  }
0x3: {  	_ = 	snop  }
0x4: {  	_ = 	snop  }
0x5: {  	_ = 	snop  }
0x6: {  	_ = 	snop  }
0x7: {  	_ = 	snop  }
__scs_overlays_trampoline_lowered:
0x8: {  	[smem:$0x3FA1] =	sst s0  }
0x9: {  	[smem:$0x3FA2] =	sst s1  }
0xa: {  	[smem:$0x3FA3] =	sst s2  }
0xb: {  	[smem:$0x3FA4] =	sst s3  }
0xc: {  	[smem:$0x3FA5] =	sst s4  }
0xd: {  	[smem:$0x3FA6] =	sst s5  }
0xe: {  	[smem:$0x3FA7] =	sst s6  }
0xf: {  	[smem:$0x3FA8] =	sst s7  }
0x10: {  	[smem:$0x3FA9] =	sst s8  }
0x11: {  	[smem:$0x3FAA] =	sst s9;
	s0 =	simm.s32 @!p0 $0x0  }
0x12: {  	s1 =	sld [smem:$0x3F90];
	s0 =	simm.s32 @p0 $0x1  }
0x13: {  	[smem:$0x3FAB] =	sst s0;
	s0 =	simm.s32 @!p1 $0x0  }
0x14: {  	s2 =	sld [smem:$0x3F8F];
	s0 =	simm.s32 @p1 $0x1  }
0x15: {  	[smem:$0x3FAC] =	sst s0;
	s0 =	simm.s32 @!p2 $0x0  }
0x16: {  	s3 =	sld [smem:$0x3FDB];
	s0 =	simm.s32 @p2 $0x1  }
0x17: {  	s4 =	simm.s32 $0x1BF5;
	[smem:$0x3FAE] =	sst s0  }
0x18: {  	s0 =	sld [smem:$0x3F91];
	_ =	swait.ge [sflag:s4], $0x0  }
0x19: {  	s7 =	sld [smem:$0x3F92]  }
0x1a: {  	s8 =	sadd.s32 $0xFFFFE003, lr  }
0x1b: {  	s9 =	sadd.s32 $0xFFFFFEF7, lr;
	s5 =	simm.s32 $0xFFFFFFFF;
	p2 =	slt.u32 s8, $0xFFFFF086  }
0x1c: {  	p1 =	slt.u32 s9, $0xF7A;
	s5 =	simm.s32 @!p2 $0x0  }
0x1d: {  	s5 =	simm.s32 @p1 $0x1;
	p0 =	seq.s32 s7, s2  }
0x1e: {  	s7 =	smul.u32 @!p0 $0xF7A, s2;
	p2 =	seq.s32 @!p0 s5, $0x0  }
0x1f: {  	s9 =	smul.u32 $0xF7A, s1;
	s8 =	simm.s32 @!p0 $0x1BF5;
	p2 =	por !p2, p0  }
0x20: {  	[sflag:s8] =	ssyncset.s32 @!p0 $0xFFFFF086;
	s6 =	sadd.s32 @!p0 s3, s7;
	s7 =	simm.s32 @!p0 $0x108  }
0x21: {  	s3 =	sadd.s32 s3, s9;
	s6 =	sadd.s32 @!p0 $0x88, s6;
	s7 =	simm.s32 @p2 $0x1082  }
0x22: {  	[simem:s7], [sflag:s8] =	dma.local @!p0 [hbm:s6], $0xF7A  }
0x23: {  	s9 =	sor.u32 $0xD0000000, s2;
	s6 =	simm.s32 $0x108;
	_ =	swait.ge @!p0 [sflag:s8], $0x0  }
0x24: {  	s3 =	sadd.s32 $0x88, s3;
	s6 =	simm.s32 @!p1 $0x1082;
	[sflag:s4] =	ssyncset.s32 $0xFFFFF086  }
0x25: {  	[simem:s6], [sflag:s4] =	dma.local [hbm:s3], $0xF7A  }
0x26: {  	[smem:$0x3F92] =	sst s1;
	(tag) =	ssettag s2;
	_ =	strace s9  }
0x27: {  	s1 =	sld [smem:$0x3FA2]  }
0x28: {  	s2 =	sld [smem:$0x3FA3]  }
0x29: {  	s4 =	sld [smem:$0x3FA5]  }
0x2a: {  	p0 =	seq.s32 s5, $0x0;
	s5 =	sld [smem:$0x3FA6]  }
0x2b: {  	s6 =	sld [smem:$0x3FA7]  }
0x2c: {  	s7 =	sld [smem:$0x3FA8]  }
0x2d: {  	s3 =	simm.s32 $0x108;
	s8 =	sld [smem:$0x3FA9]  }
0x2e: {  	s3 =	simm.s32 @!p0 $0x1082;
	s9 =	sld [smem:$0x3FAA]  }
0x2f: {  	lr =	sadd.s32 s0, s3;
	s0 =	sld [smem:$0x3FA1]  }
0x30: {  	s3 =	sld [smem:$0x3FA4]  }
0x31: {  	[smem:$0x3FAD] =	sst s10  }
0x32: {  	s10 =	sld [smem:$0x3FAB];
	_ =	sdelay $0x3  }
0x33: {  	p0 =	seq.s32 s10, $0x1;
	s10 =	sld [smem:$0x3FAD];
	_ =	sdelay $0x3  }
0x34: {  	[smem:$0x3FAD] =	sst s10  }
0x35: {  	s10 =	sld [smem:$0x3FAC];
	_ =	sdelay $0x3  }
0x36: {  	p1 =	seq.s32 s10, $0x1;
	s10 =	sld [smem:$0x3FAD];
	_ =	sdelay $0x3  }
0x37: {  	[smem:$0x3FAD] =	sst s10  }
0x38: {  	s10 =	sld [smem:$0x3FAE]  }
0x39: {  	_ = 	snop;
	(pc) =	sbr.ind lr, $3  }
0x3a: {  	_ = 	snop  }
0x3b: {  	_ = 	snop  }
0x3c: {  	p2 =	seq.s32 s10, $0x1;
	s10 =	sld [smem:$0x3FAD]  }
0x3d: {  	_ =	shalt  }
0x3e: {  	_ =	shalt  }
0x3f: {  	_ =	shalt  }
0x40: {  	_ =	shalt  }
0x41: {  	_ =	shalt  }
0x42: {  	_ =	shalt  }
0x43: {  	_ =	shalt  }
0x44: {  	_ =	shalt  }
0x45: {  	_ =	shalt  }
0x46: {  	_ =	shalt  }
0x47: {  	_ =	shalt  }
0x48: {  	_ =	shalt  }
0x49: {  	_ =	shalt  }
0x4a: {  	_ =	shalt  }
0x4b: {  	_ =	shalt  }
0x4c: {  	_ =	shalt  }
0x4d: {  	_ =	shalt  }
0x4e: {  	_ =	shalt  }
0x4f: {  	_ =	shalt  }
0x50: {  	_ =	shalt  }
0x51: {  	_ =	shalt  }
0x52: {  	_ =	shalt  }
0x53: {  	_ =	shalt  }
0x54: {  	_ =	shalt  }
0x55: {  	_ =	shalt  }
0x56: {  	_ =	shalt  }
0x57: {  	_ =	shalt  }
0x58: {  	_ =	shalt  }
0x59: {  	_ =	shalt  }
0x5a: {  	_ =	shalt  }
0x5b: {  	_ =	shalt  }
0x5c: {  	_ =	shalt  }
0x5d: {  	_ =	shalt  }
0x5e: {  	_ =	shalt  }
0x5f: {  	_ =	shalt  }
0x60: {  	_ =	shalt  }
0x61: {  	_ =	shalt  }
0x62: {  	_ =	shalt  }
0x63: {  	_ =	shalt  }
0x64: {  	_ =	shalt  }
0x65: {  	_ =	shalt  }
0x66: {  	_ =	shalt  }
0x67: {  	_ =	shalt  }
0x68: {  	_ =	shalt  }
0x69: {  	_ =	shalt  }
0x6a: {  	_ =	shalt  }
0x6b: {  	_ =	shalt  }
0x6c: {  	_ =	shalt  }
0x6d: {  	_ =	shalt  }
0x6e: {  	_ =	shalt  }
0x6f: {  	_ =	shalt  }
0x70: {  	_ =	shalt  }
0x71: {  	_ =	shalt  }
0x72: {  	_ =	shalt  }
0x73: {  	_ =	shalt  }
0x74: {  	_ =	shalt  }
0x75: {  	_ =	shalt  }
0x76: {  	_ =	shalt  }
0x77: {  	_ =	shalt  }
0x78: {  	_ =	shalt  }
0x79: {  	_ =	shalt  }
0x7a: {  	_ =	shalt  }
0x7b: {  	_ =	shalt  }
0x7c: {  	_ =	shalt  }
0x7d: {  	_ =	shalt  }
0x7e: {  	_ =	shalt  }
0x7f: {  	_ =	shalt  }
0x80: {  	_ =	shalt  }
0x81: {  	_ =	shalt  }
0x82: {  	_ =	shalt  }
0x83: {  	_ =	shalt  }
0x84: {  	_ =	shalt  }
0x85: {  	_ =	shalt  }
0x86: {  	_ =	shalt  }
0x87: {  	_ =	shalt  }
.Lfunc_end0:
.L_simem_size_0:
called_computation.1_lowered:
.L_overlay_start_0:
0x88: {  	s2 =	sld [smem:$0x3FD9]  }
0x89: {  	s3 =	sld [smem:$0x3FFE];
	_ =	sdelay $0x1  }
0x8a: {  	s1 =	srdreg.scid  }
0x8b: {  	s0 =	sand.u32 $0x1, s1  }
0x8c: {  	s16 =	sshll.u32 s0, $0xA;
	s2 =	sadd.s32 s3, s2  }
0x8d: {  	s2 =	sadd.s32 s2, s16  }
0x8e: {  	[smem:$0x3FB9] =	sst s2  }
0x8f: {  	_ = 	snop  }
0x90: {  	(tm) =	ssettm $0x1  }
0x91: {  	s17 =	sld [smem:$0x3FFB];
	_ =	sdelay $0x3  }
0x92: {  	_ =	strace s17  }
0x93: {  	s2 =	sld [smem:$0x3FFC];
	_ =	sdelay $0x3  }
0x94: {  	_ =	strace s2  }
0x95: {  	s2 =	sld [smem:$0x3FFD];
	_ =	sdelay $0x3  }
0x96: {  	_ =	strace s2  }
0x97: {  	_ =	strace $0x8FFFFFFF  }
0x98: {  	s18 =	sld [smem:$0x3FDB];
	_ =	sdelay $0x1  }
0x99: {  	s19 =	simm.s32 $_scs_section_size  }
0x9a: {  	s4 =	simm.s32 $_size__tile_overlayer_lowered;
	s5 =	simm.s32 $_tile_overlayer_lowered  }
0x9b: {  	s22 =	simm.s32 $0x1BFF;
	s21 =	sshll.u32 s5, $0x1;
	s2 =	sadd.s32 s19, s18  }
0x9c: {  	s6 =	simm.s32 $0x0;
	s20 =	sshll.u32 s4, $0x1;
	s4 =	sadd.s32 s21, s2  }
0x9d: {  	[timem:s6], [sflag:s22] =	dma.local [hbm:s4], s20  }
0x9e: {  	_ =	swait.ge [sflag:s22], s20  }
0x9f: {  	s3 =	ssub.s32 $0x0, s20;
	[sflag:s22] =	ssyncset.done $0x0  }
0xa0: {  	[sflag:s22] =	ssyncadd.s32 s3;
	_ =	sdelay $0x1  }
0xa1: {  	s23 =	simm.s32 $0x1B8B  }
0xa2: {  	_ =	swait.ge [sflag:s23], $0x1  }
0xa3: {  	[sflag:s23] =	ssyncset.done $0x0  }
0xa4: {  	s25 =	simm.s32 $0x1B8E;
	s24 =	sld [smem:$0x3FFE];
	[sflag:s23] =	ssyncadd.s32 $0xFFFFFFFF  }
0xa5: {  	s26 =	simm.s32 $execute0_lowered;
	[smem:$0x3FD2] =	sst s25  }
0xa6: {  	s4 =	sshll.u32 s26, $0x1;
	_ =	strace $0x80000049;
	[dreg:$0x1] =	wrdreg $0xFFFFFFFF  }
0xa7: {  	s28 =	simm.s32 $_size_execute0_lowered;
	s2 =	sadd.s32 s2, s4;
	[dreg:$0x0] =	wrdreg $0x0  }
0xa8: {  	s4 =	sshll.u32 s28, $0x1;
	[dreg:$0x2] =	wrdreg s2  }
0xa9: {  	[dreg:$0x3] =	wrdreg s4  }
0xaa: {  	[dreg:$0x4] =	wrdreg $0xC0  }
0xab: {  	_ =	task [dreg:s6], $0x5FFFF  }
0xac: {  	[dreg:$0x1] =	wrdreg $0xFFFFFFFF  }
0xad: {  	[dreg:$0x0] =	wrdreg $0x60  }
0xae: {  	[dreg:$0x2] =	wrdreg s24  }
0xaf: {  	[dreg:$0x3] =	wrdreg $0x9  }
0xb0: {  	_ =	task.clear_ibuf [dreg:s6], $0x4FFFF;
	_ =	strace $0x90000049  }
0xb1: {  	s29 =	simm.s32 $0x9;
	_ =	strace $0x8000004B  }
0xb2: {  	_ =	swait.ge [sflag:s29], $0x1  }
0xb3: {  	[sflag:s29] =	ssyncadd.s32 $0xFFFFFFFF  }
0xb4: {  	_ =	strace $0x9000004B  }
0xb5: {  	_ =	sfence  }
0xb6: {  	s30 =	sld [smem:$0x0];
	_ =	sdelay $0x2  }
0xb7: {  	s31 =	sshll.u32 s1, $0xD;
	s1 =	sshrl.u32 s1, $0x2  }
0xb8: {  	s3 =	sand.u32 $0x4000, s31;
	s1 =	sadd.s32 s1, s30  }
0xb9: {  	s0 =	sor.u32 s3, s0;
	s1 =	sshll.u32 s1, $0x11  }
0xba: {  	s0 =	sor.u32 s1, s0  }
0xbb: {  	s0 =	sadd.s32 $0x8F2B, s0  }
0xbc: {  	[sflag:s0] =	ssyncadd.remote.s32 $0x1  }
0xbd: {  	_ =	sfence.sel $0xFFFF  }
0xbe: {  	[dreg:$0x0] =	wrdreg $0xFFFFFFFF;
	(pc) =	sbr.abs _section_cstart, $3  }
0xbf: {  	[dreg:$0x1] =	wrdreg $0xFFFFFFFF  }
0xc0: {  	_ =	task.clear_ibuf [dreg:s6], $0x2FFFF;
	_ =	strace $0x9FFFFFFF  }
0xc1: {  	(tm) =	ssettm $0x7FFFFFFF  }
tec
execute0_lowered:
.L_overlay_start_1:
0x0: {  	(tag) =	ssettag $0x1  }
0x1: {  	s0 =	rddreg [dreg:$0x0]  }
0x2: {  	s1 =	simm.s32 $0x0;
	s2 =	srdreg.scid;
	s3 =	stileid.u32  }
0x3: {  	s12 =	simm.s32 $0x80;
	s13 =	simm.s32 $0x900;
	s14 =	simm.s32 $0x1100  }
0x4: {  	s15 =	simm.s32 $0x1900;
	s16 =	simm.s32 $0x2100;
	s17 =	simm.s32 $0x2900  }
0x5: {  	s18 =	simm.s32 $0x3100;
	s19 =	simm.s32 $0x3900;
	s28 =	simm.s32 $0x7900  }
0x6: {  	s29 =	simm.s32 $0x8100;
	s30 =	simm.s32 $0x8900;
	s31 =	simm.s32 $0x9100  }
0x7: {  	[smem:$0x7FF] =	sst s1;
	s4 =	sadd.s32 $0x63200, s0;
	s2 =	sand.u32 $0x1, s2  }
0x8: {  	s5 =	sadd.s32 $0x63400, s0;
	s6 =	sshll.u32 s3, $0x4;
	s3 =	sadd.s32 $0x63600, s0  }
0x9: {  	s8 =	sadd.s32 $0x3200, s0;
	s20 =	sadd.s32 $0xF3600, s0;
	s7 =	sshll.u32 s2, $0x3  }
0xa: {  	_ =	strace $0x8000004A;
	s2 =	ssub.s32 $0x2, s2;
	s6 =	sor.u32 s7, s6  }
0xb: {  	s11 =	sshrl.u32 s2, $0x1;
	s7 =	simm.s32 $0x3;
	s9 =	sadd.s32 s4, s6  }
0xc: {  	s10 =	smul.u32 $0x300, s6;
	s21 =	sadd.s32 s5, s6;
	[dreg:$0x2] =	wrdreg s9  }
0xd: {  	s6 =	sor.u32 $0x4, s6;
	s2 =	ssub.s32 s2, s11;
	[dreg:$0x3] =	wrdreg s21  }
0xe: {  	s4 =	sadd.s32 s4, s6;
	s24 =	smul.u32 $0x300, s6;
	s5 =	sadd.s32 s5, s6  }
0xf: {  	s6 =	smax.u32 s2, $0x1;
	s21 =	simm.s32 $0x100;
	s9 =	simm.s32 $0xA900  }
0x10: {  	s22 =	sadd.s32 s8, s10;
	s23 =	sadd.s32 s20, s10;
	[dreg:$0x6] =	wrdreg s4  }
0x11: {  	s4 =	sadd.s32 $0x63700, s0;
	[dreg:$0x7] =	wrdreg s5;
	s5 =	sadd.s32 $0x63800, s0  }
0x12: {  	s10 =	simm.s32 $0x2;
	s0 =	simm.s32 $0x6100;
	[dreg:$0x4] =	wrdreg s22  }
0x13: {  	[dreg:$0x5] =	wrdreg s23;
	s25 =	sadd.s32 s8, s24;
	s26 =	sadd.s32 s20, s24  }
0x14: {  	v2 =	vlaneseq.u32;
	s8 =	simm.s32 $0x1;
	s20 =	simm.s32 $0x4100;
	s22 =	simm.s32 $0x4900  }
0x15: {  	vm0 =	vmmov $0xffff;
	v1 =	vshrl.u32 v2, $0x3;
	s23 =	simm.s32 $0x5100;
	s24 =	simm.s32 $0x5900;
	[dreg:$0x8] =	wrdreg s25  }
0x16: {  	v0 =	vand.u32 $0x7, v2;
	v2 =	vor.u32 $0x8, v2;
	v1 =	vmul.u32 $0x8, v1;
	[dreg:$0x9] =	wrdreg s26;
	s25 =	simm.s32 $0x6900;
	s26 =	simm.s32 $0x7100  }
.LBB2_1:
0x17: {  	s11 =	rddreg [dreg:$0x2]  }
0x18: {  	[tilespmem:s1], [sflag:$0x3] =	stream.linear.gather [hbm4b:s11+s1], $0x20, $0x38;
	[tilespmem:$0xC100] =	vst v63  }
0x19: {  	_ =	swait.ge [sflag:s7], $0x20  }
0x1a: {  	[sflag:s7] =	ssyncset.done $0x0  }
0x1b: {  	s2 =	rddreg [dreg:$0x3];
	[sflag:s7] =	ssyncadd.s32 $0xFFFFFFE0  }
0x1c: {  	[tilespmem:s12], [sflag:$0x3] =	stream.linear.gather [hbm4b:s2+s1], $0x20, $0x38;
	[tilespmem:$0xC100] =	vst v63  }
0x1d: {  	_ =	swait.ge [sflag:s7], $0x20  }
0x1e: {  	[sflag:s7] =	ssyncset.done $0x0  }
0x1f: {  	[sflag:s7] =	ssyncadd.s32 $0xFFFFFFE0  }
0x20: {  	v3 =	vld [tilespmem:$0x0];
	_ =	sdelay $0x4  }
0x21: {  	v4 =	vshrl.u32 v3, $0x3  }
0x22: {  	v4 =	vmul.u32 $0x30, v4  }
0x23: {  	v3 =	vand.u32 $0x7, v3  }
0x24: {  	v3 =	vor.u32 v3, v4  }
0x25: {  	v4 =	vperm.xlane v3, v0;
	_ =	sdelay $0x1  }
0x26: {  	v4 =	vadd.s32 v1, v4;
	_ =	sdelay $0x3  }
0x27: {  	v3 =	vperm.xlane v3, v2  }
0x28: {  	[tilespmem:s21], [sflag:$0x1] =	stream.indirect_vreg.gather [hbm4b:s3+s1], $0x80, v4, vm0, $0xb8;
	[tilespmem:$0xC100] =	vst v63  }
0x29: {  	v3 =	vadd.s32 v1, v3  }
0x2a: {  	[tilespmem:s13], [sflag:$0x1] =	stream.indirect_vreg.gather [hbm4b:s4+s1], $0x80, v4, vm0, $0xb8;
	[tilespmem:$0xC100] =	vst v63  }
0x2b: {  	_ = 	snop  }
0x2c: {  	[tilespmem:s14], [sflag:$0x1] =	stream.indirect_vreg.gather [hbm4b:s5+s1], $0x80, v4, vm0, $0xb8;
	[tilespmem:$0xC100] =	vst v63  }
0x2d: {  	_ = 	snop  }
0x2e: {  	[tilespmem:s15], [sflag:$0x1] =	stream.indirect_vreg.gather [hbm4b:s3+s1], $0x80, v3, vm0, $0xb8;
	[tilespmem:$0xC100] =	vst v63  }
0x2f: {  	_ = 	snop  }
0x30: {  	[tilespmem:s16], [sflag:$0x1] =	stream.indirect_vreg.gather [hbm4b:s4+s1], $0x80, v3, vm0, $0xb8;
	[tilespmem:$0xC100] =	vst v63  }
0x31: {  	_ = 	snop  }
0x32: {  	[tilespmem:s17], [sflag:$0x1] =	stream.indirect_vreg.gather [hbm4b:s5+s1], $0x80, v3, vm0, $0xb8;
	[tilespmem:$0xC100] =	vst v63  }
0x33: {  	v3 =	vld [tilespmem:$0x10];
	_ =	sdelay $0x4  }
0x34: {  	v57 =	vshrl.u32 v3, $0x3  }
0x35: {  	v4 =	vmul.u32 $0x30, v57  }
0x36: {  	v3 =	vand.u32 $0x7, v3  }
0x37: {  	v3 =	vor.u32 v3, v4  }
0x38: {  	v4 =	vperm.xlane v3, v0;
	_ =	sdelay $0x1  }
0x39: {  	v4 =	vadd.s32 v1, v4;
	_ =	sdelay $0x3  }
0x3a: {  	v3 =	vperm.xlane v3, v2  }
0x3b: {  	[tilespmem:s18], [sflag:$0x1] =	stream.indirect_vreg.gather [hbm4b:s3+s1], $0x80, v4, vm0, $0xb8;
	[tilespmem:$0xC100] =	vst v63  }
0x3c: {  	v3 =	vadd.s32 v1, v3  }
0x3d: {  	[tilespmem:s19], [sflag:$0x1] =	stream.indirect_vreg.gather [hbm4b:s4+s1], $0x80, v4, vm0, $0xb8;
	[tilespmem:$0xC100] =	vst v63  }
0x3e: {  	_ = 	snop  }
0x3f: {  	[tilespmem:s20], [sflag:$0x1] =	stream.indirect_vreg.gather [hbm4b:s5+s1], $0x80, v4, vm0, $0xb8;
	[tilespmem:$0xC100] =	vst v63  }
0x40: {  	_ = 	snop  }
0x41: {  	[tilespmem:s22], [sflag:$0x1] =	stream.indirect_vreg.gather [hbm4b:s3+s1], $0x80, v3, vm0, $0xb8;
	[tilespmem:$0xC100] =	vst v63  }
0x42: {  	_ = 	snop  }
0x43: {  	[tilespmem:s23], [sflag:$0x1] =	stream.indirect_vreg.gather [hbm4b:s4+s1], $0x80, v3, vm0, $0xb8;
	[tilespmem:$0xC100] =	vst v63  }
0x44: {  	_ = 	snop  }
0x45: {  	[tilespmem:s24], [sflag:$0x1] =	stream.indirect_vreg.gather [hbm4b:s5+s1], $0x80, v3, vm0, $0xb8;
	[tilespmem:$0xC100] =	vst v63  }
0x46: {  	v3 =	vld [tilespmem:$0x80];
	_ =	sdelay $0x4  }
0x47: {  	v58 =	vshrl.u32 v3, $0x3  }
0x48: {  	v4 =	vmul.u32 $0x30, v58  }
0x49: {  	v3 =	vand.u32 $0x7, v3  }
0x4a: {  	v3 =	vor.u32 v3, v4  }
0x4b: {  	v4 =	vperm.xlane v3, v0;
	_ =	sdelay $0x1  }
0x4c: {  	v4 =	vadd.s32 v1, v4;
	_ =	sdelay $0x3  }
0x4d: {  	v3 =	vperm.xlane v3, v2  }
0x4e: {  	[tilespmem:s0], [sflag:$0x2] =	stream.indirect_vreg.gather [hbm4b:s3+s1], $0x80, v4, vm0, $0xb8;
	[tilespmem:$0xC100] =	vst v63  }
0x4f: {  	v3 =	vadd.s32 v1, v3  }
0x50: {  	[tilespmem:s25], [sflag:$0x2] =	stream.indirect_vreg.gather [hbm4b:s4+s1], $0x80, v4, vm0, $0xb8;
	[tilespmem:$0xC100] =	vst v63  }
0x51: {  	_ = 	snop  }
0x52: {  	[tilespmem:s26], [sflag:$0x2] =	stream.indirect_vreg.gather [hbm4b:s5+s1], $0x80, v4, vm0, $0xb8;
	[tilespmem:$0xC100] =	vst v63  }
0x53: {  	_ = 	snop  }
0x54: {  	[tilespmem:s28], [sflag:$0x2] =	stream.indirect_vreg.gather [hbm4b:s3+s1], $0x80, v3, vm0, $0xb8;
	[tilespmem:$0xC100] =	vst v63  }
0x55: {  	_ = 	snop  }
0x56: {  	[tilespmem:s29], [sflag:$0x2] =	stream.indirect_vreg.gather [hbm4b:s4+s1], $0x80, v3, vm0, $0xb8;
	[tilespmem:$0xC100] =	vst v63  }
0x57: {  	_ = 	snop  }
0x58: {  	[tilespmem:s30], [sflag:$0x2] =	stream.indirect_vreg.gather [hbm4b:s5+s1], $0x80, v3, vm0, $0xb8;
	[tilespmem:$0xC100] =	vst v63  }
0x59: {  	v3 =	vld [tilespmem:$0x90];
	_ =	sdelay $0x4  }
0x5a: {  	v59 =	vshrl.u32 v3, $0x3  }
0x5b: {  	v4 =	vmul.u32 $0x30, v59  }
0x5c: {  	v3 =	vand.u32 $0x7, v3  }
0x5d: {  	v3 =	vor.u32 v3, v4  }
0x5e: {  	v4 =	vperm.xlane v3, v0;
	_ =	sdelay $0x1  }
0x5f: {  	v4 =	vadd.s32 v1, v4;
	_ =	sdelay $0x3  }
0x60: {  	v3 =	vperm.xlane v3, v2  }
0x61: {  	[tilespmem:s31], [sflag:$0x2] =	stream.indirect_vreg.gather [hbm4b:s3+s1], $0x80, v4, vm0, $0xb8;
	[tilespmem:$0xC100] =	vst v63  }
0x62: {  	s2 =	simm.s32 $0x9900;
	v3 =	vadd.s32 v1, v3  }
0x63: {  	[tilespmem:s2], [sflag:$0x2] =	stream.indirect_vreg.gather [hbm4b:s4+s1], $0x80, v4, vm0, $0xb8;
	[tilespmem:$0xC100] =	vst v63  }
0x64: {  	s2 =	simm.s32 $0xA100  }
0x65: {  	[tilespmem:s2], [sflag:$0x2] =	stream.indirect_vreg.gather [hbm4b:s5+s1], $0x80, v4, vm0, $0xb8;
	[tilespmem:$0xC100] =	vst v63  }
0x66: {  	_ = 	snop  }
0x67: {  	[tilespmem:s9], [sflag:$0x2] =	stream.indirect_vreg.gather [hbm4b:s3+s1], $0x80, v3, vm0, $0xb8;
	[tilespmem:$0xC100] =	vst v63  }
0x68: {  	s11 =	simm.s32 $0xB100  }
0x69: {  	[tilespmem:s11], [sflag:$0x2] =	stream.indirect_vreg.gather [hbm4b:s4+s1], $0x80, v3, vm0, $0xb8;
	[tilespmem:$0xC100] =	vst v63  }
0x6a: {  	s11 =	simm.s32 $0xB900  }
0x6b: {  	[tilespmem:s11], [sflag:$0x2] =	stream.indirect_vreg.gather [hbm4b:s5+s1], $0x80, v3, vm0, $0xb8;
	[tilespmem:$0xC100] =	vst v63  }
0x6c: {  	_ =	swait.ge [sflag:s8], $0x6000  }
0x6d: {  	[sflag:s8] =	ssyncset.done $0x0  }
0x6e: {  	[sflag:s8] =	ssyncadd.s32 $0xFFFFA000  }
0x6f: {  	_ =	swait.ge [sflag:s10], $0x6000  }
0x70: {  	[sflag:s10] =	ssyncset.done $0x0  }
0x71: {  	s11 =	rddreg [dreg:$0x4];
	[sflag:s10] =	ssyncadd.s32 $0xFFFFA000  }
0x72: {  	[hbm4b:s11+s1] =	stream.linear.scatter [tilespmem:s21], [sflag:$0x3], $0x6000, $0x38;
	[tilespmem:$0xC100] =	vst v63  }
0x73: {  	_ =	swait.ge [sflag:s7], $0x6000  }
0x74: {  	[sflag:s7] =	ssyncset.done $0x0  }
0x75: {  	s11 =	rddreg [dreg:$0x5];
	[sflag:s7] =	ssyncadd.s32 $0xFFFFA000  }
0x76: {  	[hbm4b:s11+s1] =	stream.linear.scatter [tilespmem:s0], [sflag:$0x3], $0x6000, $0x38;
	[tilespmem:$0xC100] =	vst v63  }
0x77: {  	_ =	swait.ge [sflag:s7], $0x6000  }
0x78: {  	[sflag:s7] =	ssyncset.done $0x0  }
0x79: {  	s11 =	rddreg [dreg:$0x6];
	[sflag:s7] =	ssyncadd.s32 $0xFFFFA000  }
0x7a: {  	[tilespmem:s1], [sflag:$0x3] =	stream.linear.gather [hbm4b:s11+s1], $0x20, $0x38;
	[tilespmem:$0xC100] =	vst v63  }
0x7b: {  	_ =	swait.ge [sflag:s7], $0x20  }
0x7c: {  	[sflag:s7] =	ssyncset.done $0x0  }
0x7d: {  	s11 =	rddreg [dreg:$0x7];
	[sflag:s7] =	ssyncadd.s32 $0xFFFFFFE0  }
0x7e: {  	[tilespmem:s12], [sflag:$0x3] =	stream.linear.gather [hbm4b:s11+s1], $0x20, $0x38;
	[tilespmem:$0xC100] =	vst v63  }
0x7f: {  	_ =	swait.ge [sflag:s7], $0x20  }
0x80: {  	[sflag:s7] =	ssyncset.done $0x0  }
0x81: {  	[sflag:s7] =	ssyncadd.s32 $0xFFFFFFE0  }
0x82: {  	v3 =	vld [tilespmem:$0x0];
	_ =	sdelay $0x4  }
0x83: {  	v60 =	vshrl.u32 v3, $0x3  }
0x84: {  	v4 =	vmul.u32 $0x30, v60  }
0x85: {  	v3 =	vand.u32 $0x7, v3  }
0x86: {  	v3 =	vor.u32 v3, v4  }
0x87: {  	v4 =	vperm.xlane v3, v0;
	_ =	sdelay $0x1  }
0x88: {  	v4 =	vadd.s32 v1, v4;
	_ =	sdelay $0x3  }
0x89: {  	v3 =	vperm.xlane v3, v2  }
0x8a: {  	[tilespmem:s21], [sflag:$0x1] =	stream.indirect_vreg.gather [hbm4b:s3+s1], $0x80, v4, vm0, $0xb8;
	[tilespmem:$0xC100] =	vst v63  }
0x8b: {  	v3 =	vadd.s32 v1, v3  }
0x8c: {  	[tilespmem:s13], [sflag:$0x1] =	stream.indirect_vreg.gather [hbm4b:s4+s1], $0x80, v4, vm0, $0xb8;
	[tilespmem:$0xC100] =	vst v63  }
0x8d: {  	_ = 	snop  }
0x8e: {  	[tilespmem:s14], [sflag:$0x1] =	stream.indirect_vreg.gather [hbm4b:s5+s1], $0x80, v4, vm0, $0xb8;
	[tilespmem:$0xC100] =	vst v63  }
0x8f: {  	_ = 	snop  }
0x90: {  	[tilespmem:s15], [sflag:$0x1] =	stream.indirect_vreg.gather [hbm4b:s3+s1], $0x80, v3, vm0, $0xb8;
	[tilespmem:$0xC100] =	vst v63  }
0x91: {  	_ = 	snop  }
0x92: {  	[tilespmem:s16], [sflag:$0x1] =	stream.indirect_vreg.gather [hbm4b:s4+s1], $0x80, v3, vm0, $0xb8;
	[tilespmem:$0xC100] =	vst v63  }
0x93: {  	_ = 	snop  }
0x94: {  	[tilespmem:s17], [sflag:$0x1] =	stream.indirect_vreg.gather [hbm4b:s5+s1], $0x80, v3, vm0, $0xb8;
	[tilespmem:$0xC100] =	vst v63  }
0x95: {  	v3 =	vld [tilespmem:$0x10];
	_ =	sdelay $0x4  }
0x96: {  	v61 =	vshrl.u32 v3, $0x3  }
0x97: {  	v4 =	vmul.u32 $0x30, v61  }
0x98: {  	v3 =	vand.u32 $0x7, v3  }
0x99: {  	v3 =	vor.u32 v3, v4  }
0x9a: {  	v4 =	vperm.xlane v3, v0;
	_ =	sdelay $0x1  }
0x9b: {  	v4 =	vadd.s32 v1, v4;
	_ =	sdelay $0x3  }
0x9c: {  	v3 =	vperm.xlane v3, v2  }
0x9d: {  	[tilespmem:s18], [sflag:$0x1] =	stream.indirect_vreg.gather [hbm4b:s3+s1], $0x80, v4, vm0, $0xb8;
	[tilespmem:$0xC100] =	vst v63  }
0x9e: {  	v3 =	vadd.s32 v1, v3  }
0x9f: {  	[tilespmem:s19], [sflag:$0x1] =	stream.indirect_vreg.gather [hbm4b:s4+s1], $0x80, v4, vm0, $0xb8;
	[tilespmem:$0xC100] =	vst v63  }
0xa0: {  	_ = 	snop  }
0xa1: {  	[tilespmem:s20], [sflag:$0x1] =	stream.indirect_vreg.gather [hbm4b:s5+s1], $0x80, v4, vm0, $0xb8;
	[tilespmem:$0xC100] =	vst v63  }
0xa2: {  	_ = 	snop  }
0xa3: {  	[tilespmem:s22], [sflag:$0x1] =	stream.indirect_vreg.gather [hbm4b:s3+s1], $0x80, v3, vm0, $0xb8;
	[tilespmem:$0xC100] =	vst v63  }
0xa4: {  	_ = 	snop  }
0xa5: {  	[tilespmem:s23], [sflag:$0x1] =	stream.indirect_vreg.gather [hbm4b:s4+s1], $0x80, v3, vm0, $0xb8;
	[tilespmem:$0xC100] =	vst v63  }
0xa6: {  	_ = 	snop  }
0xa7: {  	[tilespmem:s24], [sflag:$0x1] =	stream.indirect_vreg.gather [hbm4b:s5+s1], $0x80, v3, vm0, $0xb8;
	[tilespmem:$0xC100] =	vst v63  }
0xa8: {  	v3 =	vld [tilespmem:$0x80];
	_ =	sdelay $0x4  }
0xa9: {  	v62 =	vshrl.u32 v3, $0x3  }
0xaa: {  	v4 =	vmul.u32 $0x30, v62  }
0xab: {  	v3 =	vand.u32 $0x7, v3  }
0xac: {  	v3 =	vor.u32 v3, v4  }
0xad: {  	v4 =	vperm.xlane v3, v0;
	_ =	sdelay $0x1  }
0xae: {  	v4 =	vadd.s32 v1, v4;
	_ =	sdelay $0x3  }
0xaf: {  	v3 =	vperm.xlane v3, v2  }
0xb0: {  	[tilespmem:s0], [sflag:$0x2] =	stream.indirect_vreg.gather [hbm4b:s3+s1], $0x80, v4, vm0, $0xb8;
	[tilespmem:$0xC100] =	vst v63  }
0xb1: {  	v3 =	vadd.s32 v1, v3  }
0xb2: {  	[tilespmem:s25], [sflag:$0x2] =	stream.indirect_vreg.gather [hbm4b:s4+s1], $0x80, v4, vm0, $0xb8;
	[tilespmem:$0xC100] =	vst v63  }
0xb3: {  	_ = 	snop  }
0xb4: {  	[tilespmem:s26], [sflag:$0x2] =	stream.indirect_vreg.gather [hbm4b:s5+s1], $0x80, v4, vm0, $0xb8;
	[tilespmem:$0xC100] =	vst v63  }
0xb5: {  	_ = 	snop  }
0xb6: {  	[tilespmem:s28], [sflag:$0x2] =	stream.indirect_vreg.gather [hbm4b:s3+s1], $0x80, v3, vm0, $0xb8;
	[tilespmem:$0xC100] =	vst v63  }
0xb7: {  	_ = 	snop  }
0xb8: {  	[tilespmem:s29], [sflag:$0x2] =	stream.indirect_vreg.gather [hbm4b:s4+s1], $0x80, v3, vm0, $0xb8;
	[tilespmem:$0xC100] =	vst v63  }
0xb9: {  	_ = 	snop  }
0xba: {  	[tilespmem:s30], [sflag:$0x2] =	stream.indirect_vreg.gather [hbm4b:s5+s1], $0x80, v3, vm0, $0xb8;
	[tilespmem:$0xC100] =	vst v63  }
0xbb: {  	v3 =	vld [tilespmem:$0x90];
	_ =	sdelay $0x4  }
0xbc: {  	v63 =	vshrl.u32 v3, $0x3  }
0xbd: {  	v4 =	vmul.u32 $0x30, v63  }
0xbe: {  	v3 =	vand.u32 $0x7, v3  }
0xbf: {  	v3 =	vor.u32 v3, v4  }
0xc0: {  	v4 =	vperm.xlane v3, v0;
	_ =	sdelay $0x1  }
0xc1: {  	v4 =	vadd.s32 v1, v4;
	_ =	sdelay $0x3  }
0xc2: {  	v3 =	vperm.xlane v3, v2  }
0xc3: {  	[tilespmem:s31], [sflag:$0x2] =	stream.indirect_vreg.gather [hbm4b:s3+s1], $0x80, v4, vm0, $0xb8;
	[tilespmem:$0xC100] =	vst v63  }
0xc4: {  	s11 =	simm.s32 $0x9900;
	v3 =	vadd.s32 v1, v3  }
0xc5: {  	[tilespmem:s11], [sflag:$0x2] =	stream.indirect_vreg.gather [hbm4b:s4+s1], $0x80, v4, vm0, $0xb8;
	[tilespmem:$0xC100] =	vst v63  }
0xc6: {  	_ = 	snop  }
0xc7: {  	[tilespmem:s2], [sflag:$0x2] =	stream.indirect_vreg.gather [hbm4b:s5+s1], $0x80, v4, vm0, $0xb8;
	[tilespmem:$0xC100] =	vst v63  }
0xc8: {  	_ = 	snop  }
0xc9: {  	[tilespmem:s9], [sflag:$0x2] =	stream.indirect_vreg.gather [hbm4b:s3+s1], $0x80, v3, vm0, $0xb8;
	[tilespmem:$0xC100] =	vst v63  }
0xca: {  	s11 =	simm.s32 $0xB100  }
0xcb: {  	[tilespmem:s11], [sflag:$0x2] =	stream.indirect_vreg.gather [hbm4b:s4+s1], $0x80, v3, vm0, $0xb8;
	[tilespmem:$0xC100] =	vst v63  }
0xcc: {  	s11 =	simm.s32 $0xB900  }
0xcd: {  	[tilespmem:s11], [sflag:$0x2] =	stream.indirect_vreg.gather [hbm4b:s5+s1], $0x80, v3, vm0, $0xb8;
	[tilespmem:$0xC100] =	vst v63  }
0xce: {  	_ =	swait.ge [sflag:s8], $0x6000  }
0xcf: {  	[sflag:s8] =	ssyncset.done $0x0  }
0xd0: {  	[sflag:s8] =	ssyncadd.s32 $0xFFFFA000  }
0xd1: {  	_ =	swait.ge [sflag:s10], $0x6000  }
0xd2: {  	[sflag:s10] =	ssyncset.done $0x0  }
0xd3: {  	s2 =	rddreg [dreg:$0x8];
	[sflag:s10] =	ssyncadd.s32 $0xFFFFA000  }
0xd4: {  	[hbm4b:s2+s1] =	stream.linear.scatter [tilespmem:s21], [sflag:$0x3], $0x6000, $0x38;
	[tilespmem:$0xC100] =	vst v63  }
0xd5: {  	_ =	swait.ge [sflag:s7], $0x6000  }
0xd6: {  	p0 =	sne.s32 s6, $0x1;
	[sflag:s7] =	ssyncset.done $0x0  }
.Ltmp0:
0xd7: {  	s2 =	rddreg [dreg:$0x9];
	[sflag:s7] =	ssyncadd.s32 $0xFFFFA000;
	(pc) =	sbr.rel @p0 .LBB2_1-.Ltmp0, $4  }
0xd8: {  	[hbm4b:s2+s1] =	stream.linear.scatter [tilespmem:s0], [sflag:$0x3], $0x6000, $0x38;
	[tilespmem:$0xC100] =	vst v63  }
0xd9: {  	_ =	swait.ge [sflag:s7], $0x6000  }
0xda: {  	[sflag:s7] =	ssyncset.done $0x0  }
0xdb: {  	s6 =	sadd.s32 $0xFFFFFFFF, s6;
	[sflag:s7] =	ssyncadd.s32 $0xFFFFA000  }
0xdc: {  	_ =	sfence.sel $0x180000  }
0xdd: {  	[bflag:$0x0] =	sbarrier.arrive $0xFFFF  }
0xde: {  	_ =	strace $0x9000004A  }
0xdf: {  	s0 =	stileid.u32;
	[bflag:$0x2] =	sbarrier.arrive $0xFFFF  }
0xe0: {  	p0 =	sne.s32 s0, $0x0;
	s0 =	rddreg [dreg:$0x1]  }
0xe1: {  	s0 =	sadd.s32 @!p0 $0x100000, s0  }
0xe2: {  	[sflag:s0] =	ssyncadd.tile.s32 @!p0 $0x1;
	_ =	shalt  }
.Lfunc_end2:
_tile_overlayer_lowered:
.L_overlay_start_2:
0xe3: {  	(tag) =	ssettag $0x2  }
0xe4: {  	s0 =	rddreg [dreg:$0x0];
	s2 =	stileid.u32  }
0xe5: {  	s1 =	rddreg [dreg:$0x1];
	p0 =	sne.s32 s2, $0x0  }
0xe6: {  	s3 =	rddreg [dreg:$0x2];
	[bflag:$0x3] =	sbarrier.arrive $0xFFFF;
	s2 =	simm.s32 @!p0 $0x1C03  }
0xe7: {  	[timem:s3], [sflag:s2] =	dma.local @!p0 [hbm:s0], s1  }
0xe8: {  	s0 =	simm.s32 @!p0 $0x3  }
0xe9: {  	_ =	swait.ge @!p0 [sflag:s0], s1  }
0xea: {  	s1 =	ssub.s32 @!p0 $0x0, s1;
	[sflag:s0] =	ssyncset.done @!p0 $0x0  }
0xeb: {  	[sflag:s0] =	ssyncadd.s32 @!p0 s1  }
0xec: {  	[bflag:$0x3] =	sbarrier.arrive $0xFFFF  }
0xed: {  	_ =	shalt  }

</sc_bundles>
